<compile_context>
chip_gen: v7x
topology: tpu7x:2x2x1
jax: 0.10.2.dev20260603
libtpu: 0.0.44.dev20260713+nightly
codegen_flags: <defaults>
</compile_context>

<pallas_src>
import functools

import jax
import jax.numpy as jnp
from jax import lax
from jax.experimental import pallas as pl
from jax.experimental.pallas import tpu as pltpu
from jax.experimental.pallas import tpu_sc as plsc

B, N, F, H, K = 8, 2048, 64, 128, 16
BN = B * N
T = 256
NT = N // T
NC, NS = 2, 16
NW = NC * NS
NPW = BN // NW
CH = 32
NCH = NPW // CH
TC_T = 1024


def _knn_body(x_ref, xa_ref, wer_ref, wes_ref, be_ref, idx_ref, r_ref, s_ref):
    b = pl.program_id(0)
    t = pl.program_id(1)
    x = x_ref[0]
    xa = xa_ref[0]
    mm = lax.dot_general(x, xa, (((1,), (1,)), ((), ())),
                         preferred_element_type=jnp.float32)
    xs = jnp.sum(x * x, axis=1, keepdims=True)
    ys = jnp.sum(xa * xa, axis=1)[None, :]
    dist = jnp.abs(-2.0 * mm + xs + ys)
    cols = lax.broadcasted_iota(jnp.int32, (T, N), 1)
    rows = lax.broadcasted_iota(jnp.int32, (T, N), 0) + t * T
    dist = jnp.where(cols == rows, jnp.inf, dist)
    base = b * N
    picks = []
    for _ in range(K):
        m = jnp.min(dist, axis=1, keepdims=True)
        sel = jnp.where(dist == m, cols, N)
        amin = jnp.min(sel, axis=1, keepdims=True)
        picks.append(amin + base)
        dist = jnp.where(cols == amin, jnp.inf, dist)
    idx_ref[...] = jnp.concatenate(picks, axis=1)
    r_ref[...] = lax.dot_general(x, wer_ref[...], (((1,), (0,)), ((), ())),
                                 preferred_element_type=jnp.float32) + be_ref[...]
    s_ref[...] = lax.dot_general(x, wes_ref[...], (((1,), (0,)), ((), ())),
                                 preferred_element_type=jnp.float32)


def _knn_stage(nodes, We_r, We_s, be2):
    return pl.pallas_call(
        _knn_body,
        grid=(B, NT),
        in_specs=[
            pl.BlockSpec((1, T, F), lambda b, t: (b, t, 0)),
            pl.BlockSpec((1, N, F), lambda b, t: (b, 0, 0)),
            pl.BlockSpec((F, H), lambda b, t: (0, 0)),
            pl.BlockSpec((F, H), lambda b, t: (0, 0)),
            pl.BlockSpec((1, H), lambda b, t: (0, 0)),
        ],
        out_specs=[
            pl.BlockSpec((T, K), lambda b, t: (b * NT + t, 0)),
            pl.BlockSpec((T, H), lambda b, t: (b * NT + t, 0)),
            pl.BlockSpec((T, H), lambda b, t: (b * NT + t, 0)),
        ],
        out_shape=[
            jax.ShapeDtypeStruct((BN, K), jnp.int32),
            jax.ShapeDtypeStruct((BN, H), jnp.float32),
            jax.ShapeDtypeStruct((BN, H), jnp.float32),
        ],
    )(nodes, nodes, We_r, We_s, be2)


def _pool_body(idx_hbm, s_hbm, r_hbm, out_hbm, idx_c, rows_v, r_v, acc_v, sem):
    wid = lax.axis_index("s") * NC + lax.axis_index("c")
    base = wid * NPW
    pltpu.sync_copy(
        idx_hbm.at[pl.ds(pl.multiple_of(base * K // 128, 8), NPW * K // 128)], idx_c)

    def chunk(c, carry):
        nbase = pl.multiple_of(base + c * CH, 8)
        pltpu.sync_copy(r_hbm.at[pl.ds(nbase, CH)], r_v)
        for j in range(CH * K // 128):
            pltpu.async_copy(s_hbm.at[idx_c.at[c * (CH * K // 128) + j]],
                             rows_v.at[pl.ds(j * 128, 128)], sem).wait()

        def node(n, carry2):
            acc = [jnp.zeros((16,), jnp.float32) for _ in range(H // 16)]
            rv = [r_v[n, pl.ds(16 * v, 16)] for v in range(H // 16)]
            for k in range(K):
                for v in range(H // 16):
                    sv = rows_v[n * K + k, pl.ds(16 * v, 16)]
                    acc[v] = acc[v] + jnp.maximum(sv + rv[v], 0.0)
            for v in range(H // 16):
                acc_v[n, pl.ds(16 * v, 16)] = acc[v] * (1.0 / K)
            return carry2

        lax.fori_loop(0, CH, node, 0)
        pltpu.sync_copy(acc_v, out_hbm.at[pl.ds(nbase, CH)])
        return carry

    lax.fori_loop(0, NCH, chunk, 0)


def _pool_stage(idx2d, s, r):
    mesh = plsc.VectorSubcoreMesh(core_axis_name="c", subcore_axis_name="s")
    return pl.kernel(
        _pool_body,
        out_type=jax.ShapeDtypeStruct((BN, H), jnp.float32),
        mesh=mesh,
        scratch_types=[
            pltpu.VMEM((NPW * K // 128, 128), jnp.int32),
            pltpu.VMEM((CH * K, H), jnp.float32),
            pltpu.VMEM((CH, H), jnp.float32),
            pltpu.VMEM((CH, H), jnp.float32),
            pltpu.SemaphoreType.DMA,
        ],
    )(idx2d, s, r)


def _node_body(x_ref, p_ref, wnf_ref, wnp_ref, bn_ref, m_ref, o_ref):
    h = (lax.dot_general(x_ref[...], wnf_ref[...], (((1,), (0,)), ((), ())),
                         preferred_element_type=jnp.float32)
         + lax.dot_general(p_ref[...], wnp_ref[...], (((1,), (0,)), ((), ())),
                           preferred_element_type=jnp.float32)
         + bn_ref[...])
    o_ref[...] = jnp.maximum(h, 0.0) * m_ref[...]


def _node_stage(nodes2, pooled, Wn_f, Wn_p, bn2, mask2):
    return pl.pallas_call(
        _node_body,
        grid=(BN // TC_T,),
        in_specs=[
            pl.BlockSpec((TC_T, F), lambda i: (i, 0)),
            pl.BlockSpec((TC_T, H), lambda i: (i, 0)),
            pl.BlockSpec((F, H), lambda i: (0, 0)),
            pl.BlockSpec((H, H), lambda i: (0, 0)),
            pl.BlockSpec((1, H), lambda i: (0, 0)),
            pl.BlockSpec((TC_T, 1), lambda i: (i, 0)),
        ],
        out_specs=pl.BlockSpec((TC_T, H), lambda i: (i, 0)),
        out_shape=jax.ShapeDtypeStruct((BN, H), jnp.float32),
    )(nodes2, pooled, Wn_f, Wn_p, bn2, mask2)


def kernel(nodes, mask, We, be, Wn, bn):
    We_r = We[:F]
    We_s = We[F:]
    Wn_f = Wn[:F]
    Wn_p = Wn[F:]
    be2 = be.reshape(1, H)
    bn2 = bn.reshape(1, H)
    idx, r, s = _knn_stage(nodes, We_r, We_s, be2)
    idx2d = idx.reshape(BN * K // 128, 128)
    pooled = _pool_stage(idx2d, s, r)
    nodes2 = nodes.reshape(BN, F)
    mask2 = mask.reshape(BN, 1)
    out = _node_stage(nodes2, pooled, Wn_f, Wn_p, bn2, mask2)
    return out.reshape(B, N, H)

# --- scband reference (transcript-rebuilt; emitter-appended) ---
"""Pipeline reference for scband-graph-block-57930518888703 (READ-ONLY COPY).

The authoritative reference and input builder live on the scoring server;
editing this copy changes nothing except your own understanding.
"""

import jax, jax.numpy as jnp
import numpy as np

B, N, F, H, K = 8, 2048, 64, 128, 16


def euclidean_squared(x, y):
    # x: [B,N,F], y: [B,M,F] -> [B,N,M]
    mixed = -2.0 * jnp.einsum('bnf,bmf->bnm', x, y)
    xs = jnp.sum(x * x, axis=2)[:, :, None]
    ys = jnp.sum(y * y, axis=2)[:, None, :]
    return jnp.abs(mixed + xs + ys)


def setup_inputs(seed: int = 0) -> dict:
    key = jax.random.key(seed)
    ks = jax.random.split(key, 4)
    nodes = jax.random.normal(ks[0], (B, N, F), dtype=jnp.float32)
    mask = jnp.ones((B, N), dtype=jnp.float32)
    # edge network: concat(receiver, sender) -> 2F -> H
    We = (jax.random.normal(ks[1], (2 * F, H), dtype=jnp.float32) * 0.05)
    be = jnp.zeros((H,), dtype=jnp.float32)
    # node network: concat(nodes, pooled edges) -> F+H -> H
    Wn = (jax.random.normal(ks[2], (F + H, H), dtype=jnp.float32) * 0.05)
    bn = jnp.zeros((H,), dtype=jnp.float32)
    return {"nodes": nodes, "mask": mask, "We": We, "be": be, "Wn": Wn, "bn": bn}


def reference(nodes, mask, We, be, Wn, bn):
    # 1) kNN edge construction (self-connections removed: top_k(K+1) then drop nearest)
    dist = euclidean_squared(nodes, nodes)              # [B,N,N]
    _, idx = jax.lax.top_k(-dist, K + 1)
    idx = idx[..., 1:]                                  # [B,N,K]
    # 2) gather sender node features
    neigh = jnp.take_along_axis(nodes[:, None, :, :], idx[..., None], axis=2)  # [B,N,K,F]
    recv = jnp.broadcast_to(nodes[:, :, None, :], neigh.shape)                 # [B,N,K,F]
    # 3) 'concat' edge aggregation + edge dense block
    edges = jnp.concatenate([recv, neigh], axis=-1)     # [B,N,K,2F]
    e = jax.nn.relu(edges @ We + be)                    # [B,N,K,H]
    # 4) average pooling over edges per node
    pooled = jnp.mean(e, axis=2)                        # [B,N,H]
    # 5) node update dense block
    h = jnp.concatenate([nodes, pooled], axis=-1)       # [B,N,F+H]
    out = jax.nn.relu(h @ Wn + bn)                      # [B,N,H]
    # 6) zero out non-existing nodes per mask
    out = out * mask[..., None]
    return out

if __name__ == "__main__":
    import jax
    _d = setup_inputs()
    print(jax.jit(kernel)(*tuple(_d.values())))

</pallas_src>

<mosaic_0001>
#map = affine_map<(d0, d1) -> (0, 0)>
module attributes {stable_mosaic.version = 14 : i64} {
  func.func @_pool_body(%arg0: i32, %arg1: i32, %arg2: memref<2048x128xi32, #tpu.memory_space<hbm>>, %arg3: memref<16384x128xf32, #tpu.memory_space<hbm>>, %arg4: memref<16384x128xf32, #tpu.memory_space<hbm>>, %arg5: memref<16384x128xf32, #tpu.memory_space<hbm>>, %arg6: memref<64x128xi32, #tpu.memory_space<vmem>>, %arg7: memref<512x128xf32, #tpu.memory_space<vmem>>, %arg8: memref<32x128xf32, #tpu.memory_space<vmem>>, %arg9: memref<32x128xf32, #tpu.memory_space<vmem>>, %arg10: memref<!tpu.dma_semaphore, #tpu.memory_space<semaphore_mem>>) attributes {dimension_semantics = [#tpu.dimension_semantics<core_parallel>, #tpu.dimension_semantics<subcore_parallel>], iteration_bounds = array<i64: 2, 16>, scalar_prefetch = 0 : i64, scratch_operands = 5 : i64, tpu.core_type = #tpu.core_type<sc_vector_subcore>, window_params = [{transform_indices = #map}, {transform_indices = #map}, {transform_indices = #map}, {transform_indices = #map}]} {
    %mul3A = arith.constant 2 : i32
    %mul3A_0 = arith.muli %arg1, %mul3A : i32
    %add3A = arith.addi %mul3A_0, %arg0 : i32
    %mul3A_1 = arith.constant 512 : i32
    %mul3A_2 = arith.muli %add3A, %mul3A_1 : i32
    %mul3A_3 = arith.constant 16 : i32
    %mul3A_4 = arith.muli %mul3A_2, %mul3A_3 : i32
    %jit3A = arith.constant 128 : i32
    %div3A = arith.divsi %mul3A_4, %jit3A : i32
    %sign3A = arith.constant 0 : i32
    %sign3A_5 = arith.cmpi sgt, %mul3A_4, %sign3A : i32
    %sign3A_6 = arith.extui %sign3A_5 : i1 to i32
    %sign3A_7 = arith.constant 0 : i32
    %sign3A_8 = arith.cmpi slt, %mul3A_4, %sign3A_7 : i32
    %sign3A_9 = arith.extui %sign3A_8 : i1 to i32
    %sign3A_10 = arith.subi %sign3A_6, %sign3A_9 : i32
    %sign3A_11 = arith.constant 0 : i32
    %sign3A_12 = arith.cmpi sgt, %jit3A, %sign3A_11 : i32
    %sign3A_13 = arith.extui %sign3A_12 : i1 to i32
    %sign3A_14 = arith.constant 0 : i32
    %sign3A_15 = arith.cmpi slt, %jit3A, %sign3A_14 : i32
    %sign3A_16 = arith.extui %sign3A_15 : i1 to i32
    %sign3A_17 = arith.subi %sign3A_13, %sign3A_16 : i32
    %ne3A = arith.cmpi ne, %sign3A_10, %sign3A_17 : i32
    %rem3A = arith.remsi %mul3A_4, %jit3A : i32
    %ne3A_18 = arith.constant 0 : i32
    %ne3A_19 = arith.cmpi ne, %rem3A, %ne3A_18 : i32
    %and3A = arith.andi %ne3A, %ne3A_19 : i1
    %sub3A = arith.constant 1 : i32
    %sub3A_20 = arith.subi %div3A, %sub3A : i32
    %select_n3A = arith.select %and3A, %sub3A_20, %div3A : i32
    %multiple_of3A = tpu.assume_multiple %select_n3A, 8 : i32
    "tpu.region"() ({
      %run_scoped3A = tpu.sem_alloc : memref<!tpu.dma_semaphore, #tpu.memory_space<semaphore_mem>>
      %dma_start3A = arith.constant 0 : i32
      %dma_start3A_26 = tpu.memref_slice %arg2[%multiple_of3A, %dma_start3A] : memref<2048x128xi32, #tpu.memory_space<hbm>> -> memref<64x128xi32, #tpu.memory_space<hbm>>
      %dma_start3A_27 = arith.constant 0 : i32
      %dma_start3A_28 = tpu.memref_slice %arg2[%multiple_of3A, %dma_start3A_27] : memref<2048x128xi32, #tpu.memory_space<hbm>> -> memref<64x128xi32, #tpu.memory_space<hbm>>
      tpu.enqueue_dma source(%dma_start3A_28 : memref<64x128xi32, #tpu.memory_space<hbm>>) target(%arg6 : memref<64x128xi32, #tpu.memory_space<vmem>>) target_semaphore(%run_scoped3A : memref<!tpu.dma_semaphore, #tpu.memory_space<semaphore_mem>>)
      %dma_wait3A = arith.constant 0 : i32
      %dma_wait3A_29 = tpu.memref_slice %arg2[%multiple_of3A, %dma_wait3A] : memref<2048x128xi32, #tpu.memory_space<hbm>> -> memref<64x128xi32, #tpu.memory_space<hbm>>
      %dma_wait3A_30 = arith.constant 0 : i32
      %dma_wait3A_31 = tpu.memref_slice %arg2[%multiple_of3A, %dma_wait3A_30] : memref<2048x128xi32, #tpu.memory_space<hbm>> -> memref<64x128xi32, #tpu.memory_space<hbm>>
      tpu.wait_dma2 semaphore(%run_scoped3A : memref<!tpu.dma_semaphore, #tpu.memory_space<semaphore_mem>>) src(%dma_wait3A_31 : memref<64x128xi32, #tpu.memory_space<hbm>>) dst(%arg6 : memref<64x128xi32, #tpu.memory_space<vmem>>)
      tpu.yield
    }) : () -> ()
    %scan3A = arith.constant 0 : i32
    %scan3A_21 = arith.constant 0 : i32
    %scan3A_22 = arith.constant 16 : i32
    %scan3A_23 = arith.addi %scan3A_21, %scan3A_22 : i32
    %scan3A_24 = arith.constant 1 : i32
    scf.for %scan3A_26 = %scan3A_21 to %scan3A_23 step %scan3A_24  : i32 {
      %mul3A_27 = arith.constant 32 : i32
      %mul3A_28 = arith.muli %scan3A_26, %mul3A_27 : i32
      %add3A_29 = arith.addi %mul3A_2, %mul3A_28 : i32
      %multiple_of3A_30 = tpu.assume_multiple %add3A_29, 8 : i32
      "tpu.region"() ({
        %run_scoped3A = tpu.sem_alloc : memref<!tpu.dma_semaphore, #tpu.memory_space<semaphore_mem>>
        %dma_start3A_123 = arith.constant 0 : i32
        %dma_start3A_124 = tpu.memref_slice %arg4[%multiple_of3A_30, %dma_start3A_123] : memref<16384x128xf32, #tpu.memory_space<hbm>> -> memref<32x128xf32, #tpu.memory_space<hbm>>
        %dma_start3A_125 = arith.constant 0 : i32
        %dma_start3A_126 = tpu.memref_slice %arg4[%multiple_of3A_30, %dma_start3A_125] : memref<16384x128xf32, #tpu.memory_space<hbm>> -> memref<32x128xf32, #tpu.memory_space<hbm>>
        tpu.enqueue_dma source(%dma_start3A_126 : memref<32x128xf32, #tpu.memory_space<hbm>>) target(%arg8 : memref<32x128xf32, #tpu.memory_space<vmem>>) target_semaphore(%run_scoped3A : memref<!tpu.dma_semaphore, #tpu.memory_space<semaphore_mem>>)
        %dma_wait3A_127 = arith.constant 0 : i32
        %dma_wait3A_128 = tpu.memref_slice %arg4[%multiple_of3A_30, %dma_wait3A_127] : memref<16384x128xf32, #tpu.memory_space<hbm>> -> memref<32x128xf32, #tpu.memory_space<hbm>>
        %dma_wait3A_129 = arith.constant 0 : i32
        %dma_wait3A_130 = tpu.memref_slice %arg4[%multiple_of3A_30, %dma_wait3A_129] : memref<16384x128xf32, #tpu.memory_space<hbm>> -> memref<32x128xf32, #tpu.memory_space<hbm>>
        tpu.wait_dma2 semaphore(%run_scoped3A : memref<!tpu.dma_semaphore, #tpu.memory_space<semaphore_mem>>) src(%dma_wait3A_130 : memref<32x128xf32, #tpu.memory_space<hbm>>) dst(%arg8 : memref<32x128xf32, #tpu.memory_space<vmem>>)
        tpu.yield
      }) : () -> ()
      %mul3A_31 = arith.constant 4 : i32
      %mul3A_32 = arith.muli %scan3A_26, %mul3A_31 : i32
      %add3A_33 = arith.constant 0 : i32
      %add3A_34 = arith.addi %mul3A_32, %add3A_33 : i32
      %dma_start3A = arith.constant 0 : i32
      %dma_start3A_35 = arith.constant 0 : i32
      %dma_start3A_36 = tpu.memref_slice %arg7[%dma_start3A, %dma_start3A_35] : memref<512x128xf32, #tpu.memory_space<vmem>> -> memref<128x128xf32, #tpu.memory_space<vmem>>
      %dma_start3A_37 = arith.constant 0 : i32
      %dma_start3A_38 = tpu.memref_slice %arg6[%add3A_34, %dma_start3A_37] : memref<64x128xi32, #tpu.memory_space<vmem>> -> memref<1x128xi32, #tpu.memory_space<vmem>>
      %dma_start3A_39 = tpu.memref_squeeze %dma_start3A_38 : memref<1x128xi32, #tpu.memory_space<vmem>> -> memref<128xi32, #tpu.memory_space<vmem>>
      %dma_start3A_40 = arith.constant 0 : i32
      %dma_start3A_41 = arith.constant 0 : i32
      %dma_start3A_42 = tpu.memref_slice %arg3[%dma_start3A_40, %dma_start3A_41] : memref<16384x128xf32, #tpu.memory_space<hbm>> -> memref<16384x128xf32, #tpu.memory_space<hbm>>
      tpu.enqueue_indirect_dma source(%dma_start3A_42 : memref<16384x128xf32, #tpu.memory_space<hbm>>) target(%dma_start3A_36 : memref<128x128xf32, #tpu.memory_space<vmem>>) offsets(%dma_start3A_39 : memref<128xi32, #tpu.memory_space<vmem>>) semaphore(%arg10 : memref<!tpu.dma_semaphore, #tpu.memory_space<semaphore_mem>>)
      %dma_wait3A = arith.constant 0 : i32
      %dma_wait3A_43 = arith.constant 0 : i32
      %dma_wait3A_44 = tpu.memref_slice %arg7[%dma_wait3A, %dma_wait3A_43] : memref<512x128xf32, #tpu.memory_space<vmem>> -> memref<128x128xf32, #tpu.memory_space<vmem>>
      %dma_wait3A_45 = arith.constant 0 : i32
      %dma_wait3A_46 = tpu.memref_slice %arg6[%add3A_34, %dma_wait3A_45] : memref<64x128xi32, #tpu.memory_space<vmem>> -> memref<1x128xi32, #tpu.memory_space<vmem>>
      %dma_wait3A_47 = tpu.memref_squeeze %dma_wait3A_46 : memref<1x128xi32, #tpu.memory_space<vmem>> -> memref<128xi32, #tpu.memory_space<vmem>>
      %dma_wait3A_48 = arith.constant 0 : i32
      %dma_wait3A_49 = arith.constant 0 : i32
      %dma_wait3A_50 = tpu.memref_slice %arg3[%dma_wait3A_48, %dma_wait3A_49] : memref<16384x128xf32, #tpu.memory_space<hbm>> -> memref<16384x128xf32, #tpu.memory_space<hbm>>
      tpu.wait_indirect_dma semaphore(%arg10 : memref<!tpu.dma_semaphore, #tpu.memory_space<semaphore_mem>>) src(%dma_wait3A_50 : memref<16384x128xf32, #tpu.memory_space<hbm>>) dst(%dma_wait3A_44 : memref<128x128xf32, #tpu.memory_space<vmem>>)
      %mul3A_51 = arith.constant 4 : i32
      %mul3A_52 = arith.muli %scan3A_26, %mul3A_51 : i32
      %add3A_53 = arith.constant 1 : i32
      %add3A_54 = arith.addi %mul3A_52, %add3A_53 : i32
      %dma_start3A_55 = arith.constant 128 : i32
      %dma_start3A_56 = arith.constant 0 : i32
      %dma_start3A_57 = tpu.memref_slice %arg7[%dma_start3A_55, %dma_start3A_56] : memref<512x128xf32, #tpu.memory_space<vmem>> -> memref<128x128xf32, #tpu.memory_space<vmem>>
      %dma_start3A_58 = arith.constant 0 : i32
      %dma_start3A_59 = tpu.memref_slice %arg6[%add3A_54, %dma_start3A_58] : memref<64x128xi32, #tpu.memory_space<vmem>> -> memref<1x128xi32, #tpu.memory_space<vmem>>
      %dma_start3A_60 = tpu.memref_squeeze %dma_start3A_59 : memref<1x128xi32, #tpu.memory_space<vmem>> -> memref<128xi32, #tpu.memory_space<vmem>>
      %dma_start3A_61 = arith.constant 0 : i32
      %dma_start3A_62 = arith.constant 0 : i32
      %dma_start3A_63 = tpu.memref_slice %arg3[%dma_start3A_61, %dma_start3A_62] : memref<16384x128xf32, #tpu.memory_space<hbm>> -> memref<16384x128xf32, #tpu.memory_space<hbm>>
      tpu.enqueue_indirect_dma source(%dma_start3A_63 : memref<16384x128xf32, #tpu.memory_space<hbm>>) target(%dma_start3A_57 : memref<128x128xf32, #tpu.memory_space<vmem>>) offsets(%dma_start3A_60 : memref<128xi32, #tpu.memory_space<vmem>>) semaphore(%arg10 : memref<!tpu.dma_semaphore, #tpu.memory_space<semaphore_mem>>)
      %dma_wait3A_64 = arith.constant 128 : i32
      %dma_wait3A_65 = arith.constant 0 : i32
      %dma_wait3A_66 = tpu.memref_slice %arg7[%dma_wait3A_64, %dma_wait3A_65] : memref<512x128xf32, #tpu.memory_space<vmem>> -> memref<128x128xf32, #tpu.memory_space<vmem>>
      %dma_wait3A_67 = arith.constant 0 : i32
      %dma_wait3A_68 = tpu.memref_slice %arg6[%add3A_54, %dma_wait3A_67] : memref<64x128xi32, #tpu.memory_space<vmem>> -> memref<1x128xi32, #tpu.memory_space<vmem>>
      %dma_wait3A_69 = tpu.memref_squeeze %dma_wait3A_68 : memref<1x128xi32, #tpu.memory_space<vmem>> -> memref<128xi32, #tpu.memory_space<vmem>>
      %dma_wait3A_70 = arith.constant 0 : i32
      %dma_wait3A_71 = arith.constant 0 : i32
      %dma_wait3A_72 = tpu.memref_slice %arg3[%dma_wait3A_70, %dma_wait3A_71] : memref<16384x128xf32, #tpu.memory_space<hbm>> -> memref<16384x128xf32, #tpu.memory_space<hbm>>
      tpu.wait_indirect_dma semaphore(%arg10 : memref<!tpu.dma_semaphore, #tpu.memory_space<semaphore_mem>>) src(%dma_wait3A_72 : memref<16384x128xf32, #tpu.memory_space<hbm>>) dst(%dma_wait3A_66 : memref<128x128xf32, #tpu.memory_space<vmem>>)
      %mul3A_73 = arith.constant 4 : i32
      %mul3A_74 = arith.muli %scan3A_26, %mul3A_73 : i32
      %add3A_75 = arith.constant 2 : i32
      %add3A_76 = arith.addi %mul3A_74, %add3A_75 : i32
      %dma_start3A_77 = arith.constant 256 : i32
      %dma_start3A_78 = arith.constant 0 : i32
      %dma_start3A_79 = tpu.memref_slice %arg7[%dma_start3A_77, %dma_start3A_78] : memref<512x128xf32, #tpu.memory_space<vmem>> -> memref<128x128xf32, #tpu.memory_space<vmem>>
      %dma_start3A_80 = arith.constant 0 : i32
      %dma_start3A_81 = tpu.memref_slice %arg6[%add3A_76, %dma_start3A_80] : memref<64x128xi32, #tpu.memory_space<vmem>> -> memref<1x128xi32, #tpu.memory_space<vmem>>
      %dma_start3A_82 = tpu.memref_squeeze %dma_start3A_81 : memref<1x128xi32, #tpu.memory_space<vmem>> -> memref<128xi32, #tpu.memory_space<vmem>>
      %dma_start3A_83 = arith.constant 0 : i32
      %dma_start3A_84 = arith.constant 0 : i32
      %dma_start3A_85 = tpu.memref_slice %arg3[%dma_start3A_83, %dma_start3A_84] : memref<16384x128xf32, #tpu.memory_space<hbm>> -> memref<16384x128xf32, #tpu.memory_space<hbm>>
      tpu.enqueue_indirect_dma source(%dma_start3A_85 : memref<16384x128xf32, #tpu.memory_space<hbm>>) target(%dma_start3A_79 : memref<128x128xf32, #tpu.memory_space<vmem>>) offsets(%dma_start3A_82 : memref<128xi32, #tpu.memory_space<vmem>>) semaphore(%arg10 : memref<!tpu.dma_semaphore, #tpu.memory_space<semaphore_mem>>)
      %dma_wait3A_86 = arith.constant 256 : i32
      %dma_wait3A_87 = arith.constant 0 : i32
      %dma_wait3A_88 = tpu.memref_slice %arg7[%dma_wait3A_86, %dma_wait3A_87] : memref<512x128xf32, #tpu.memory_space<vmem>> -> memref<128x128xf32, #tpu.memory_space<vmem>>
      %dma_wait3A_89 = arith.constant 0 : i32
      %dma_wait3A_90 = tpu.memref_slice %arg6[%add3A_76, %dma_wait3A_89] : memref<64x128xi32, #tpu.memory_space<vmem>> -> memref<1x128xi32, #tpu.memory_space<vmem>>
      %dma_wait3A_91 = tpu.memref_squeeze %dma_wait3A_90 : memref<1x128xi32, #tpu.memory_space<vmem>> -> memref<128xi32, #tpu.memory_space<vmem>>
      %dma_wait3A_92 = arith.constant 0 : i32
      %dma_wait3A_93 = arith.constant 0 : i32
      %dma_wait3A_94 = tpu.memref_slice %arg3[%dma_wait3A_92, %dma_wait3A_93] : memref<16384x128xf32, #tpu.memory_space<hbm>> -> memref<16384x128xf32, #tpu.memory_space<hbm>>
      tpu.wait_indirect_dma semaphore(%arg10 : memref<!tpu.dma_semaphore, #tpu.memory_space<semaphore_mem>>) src(%dma_wait3A_94 : memref<16384x128xf32, #tpu.memory_space<hbm>>) dst(%dma_wait3A_88 : memref<128x128xf32, #tpu.memory_space<vmem>>)
      %mul3A_95 = arith.constant 4 : i32
      %mul3A_96 = arith.muli %scan3A_26, %mul3A_95 : i32
      %add3A_97 = arith.constant 3 : i32
      %add3A_98 = arith.addi %mul3A_96, %add3A_97 : i32
      %dma_start3A_99 = arith.constant 384 : i32
      %dma_start3A_100 = arith.constant 0 : i32
      %dma_start3A_101 = tpu.memref_slice %arg7[%dma_start3A_99, %dma_start3A_100] : memref<512x128xf32, #tpu.memory_space<vmem>> -> memref<128x128xf32, #tpu.memory_space<vmem>>
      %dma_start3A_102 = arith.constant 0 : i32
      %dma_start3A_103 = tpu.memref_slice %arg6[%add3A_98, %dma_start3A_102] : memref<64x128xi32, #tpu.memory_space<vmem>> -> memref<1x128xi32, #tpu.memory_space<vmem>>
      %dma_start3A_104 = tpu.memref_squeeze %dma_start3A_103 : memref<1x128xi32, #tpu.memory_space<vmem>> -> memref<128xi32, #tpu.memory_space<vmem>>
      %dma_start3A_105 = arith.constant 0 : i32
      %dma_start3A_106 = arith.constant 0 : i32
      %dma_start3A_107 = tpu.memref_slice %arg3[%dma_start3A_105, %dma_start3A_106] : memref<16384x128xf32, #tpu.memory_space<hbm>> -> memref<16384x128xf32, #tpu.memory_space<hbm>>
      tpu.enqueue_indirect_dma source(%dma_start3A_107 : memref<16384x128xf32, #tpu.memory_space<hbm>>) target(%dma_start3A_101 : memref<128x128xf32, #tpu.memory_space<vmem>>) offsets(%dma_start3A_104 : memref<128xi32, #tpu.memory_space<vmem>>) semaphore(%arg10 : memref<!tpu.dma_semaphore, #tpu.memory_space<semaphore_mem>>)
      %dma_wait3A_108 = arith.constant 384 : i32
      %dma_wait3A_109 = arith.constant 0 : i32
      %dma_wait3A_110 = tpu.memref_slice %arg7[%dma_wait3A_108, %dma_wait3A_109] : memref<512x128xf32, #tpu.memory_space<vmem>> -> memref<128x128xf32, #tpu.memory_space<vmem>>
      %dma_wait3A_111 = arith.constant 0 : i32
      %dma_wait3A_112 = tpu.memref_slice %arg6[%add3A_98, %dma_wait3A_111] : memref<64x128xi32, #tpu.memory_space<vmem>> -> memref<1x128xi32, #tpu.memory_space<vmem>>
      %dma_wait3A_113 = tpu.memref_squeeze %dma_wait3A_112 : memref<1x128xi32, #tpu.memory_space<vmem>> -> memref<128xi32, #tpu.memory_space<vmem>>
      %dma_wait3A_114 = arith.constant 0 : i32
      %dma_wait3A_115 = arith.constant 0 : i32
      %dma_wait3A_116 = tpu.memref_slice %arg3[%dma_wait3A_114, %dma_wait3A_115] : memref<16384x128xf32, #tpu.memory_space<hbm>> -> memref<16384x128xf32, #tpu.memory_space<hbm>>
      tpu.wait_indirect_dma semaphore(%arg10 : memref<!tpu.dma_semaphore, #tpu.memory_space<semaphore_mem>>) src(%dma_wait3A_116 : memref<16384x128xf32, #tpu.memory_space<hbm>>) dst(%dma_wait3A_110 : memref<128x128xf32, #tpu.memory_space<vmem>>)
      %scan3A_117 = arith.constant 0 : i32
      %scan3A_118 = arith.constant 0 : i32
      %scan3A_119 = arith.constant 32 : i32
      %scan3A_120 = arith.addi %scan3A_118, %scan3A_119 : i32
      %scan3A_121 = arith.constant 1 : i32
      scf.for %scan3A_123 = %scan3A_118 to %scan3A_120 step %scan3A_121  : i32 {
        %broadcast_in_dim3A = arith.constant 0.000000e+00 : f32
        %broadcast_in_dim3A_124 = vector.broadcast %broadcast_in_dim3A : f32 to vector<16xf32>
        %broadcast_in_dim3A_125 = arith.constant 0.000000e+00 : f32
        %broadcast_in_dim3A_126 = vector.broadcast %broadcast_in_dim3A_125 : f32 to vector<16xf32>
        %broadcast_in_dim3A_127 = arith.constant 0.000000e+00 : f32
        %broadcast_in_dim3A_128 = vector.broadcast %broadcast_in_dim3A_127 : f32 to vector<16xf32>
        %broadcast_in_dim3A_129 = arith.constant 0.000000e+00 : f32
        %broadcast_in_dim3A_130 = vector.broadcast %broadcast_in_dim3A_129 : f32 to vector<16xf32>
        %broadcast_in_dim3A_131 = arith.constant 0.000000e+00 : f32
        %broadcast_in_dim3A_132 = vector.broadcast %broadcast_in_dim3A_131 : f32 to vector<16xf32>
        %broadcast_in_dim3A_133 = arith.constant 0.000000e+00 : f32
        %broadcast_in_dim3A_134 = vector.broadcast %broadcast_in_dim3A_133 : f32 to vector<16xf32>
        %broadcast_in_dim3A_135 = arith.constant 0.000000e+00 : f32
        %broadcast_in_dim3A_136 = vector.broadcast %broadcast_in_dim3A_135 : f32 to vector<16xf32>
        %broadcast_in_dim3A_137 = arith.constant 0.000000e+00 : f32
        %broadcast_in_dim3A_138 = vector.broadcast %broadcast_in_dim3A_137 : f32 to vector<16xf32>
        %get3A = arith.index_cast %scan3A_123 : i32 to index
        %get3A_139 = arith.constant 0 : index
        %get3A_140 = tpu.vector_load %arg8[%get3A, %get3A_139] {strides = array<i32>} : memref<32x128xf32, #tpu.memory_space<vmem>>, vector<1x16xf32>,
        %get3A_141 = vector.shape_cast %get3A_140 : vector<1x16xf32> to vector<16xf32>
        %get3A_142 = arith.index_cast %scan3A_123 : i32 to index
        %get3A_143 = arith.constant 16 : index
        %get3A_144 = tpu.vector_load %arg8[%get3A_142, %get3A_143] {strides = array<i32>} : memref<32x128xf32, #tpu.memory_space<vmem>>, vector<1x16xf32>,
        %get3A_145 = vector.shape_cast %get3A_144 : vector<1x16xf32> to vector<16xf32>
        %get3A_146 = arith.index_cast %scan3A_123 : i32 to index
        %get3A_147 = arith.constant 32 : index
        %get3A_148 = tpu.vector_load %arg8[%get3A_146, %get3A_147] {strides = array<i32>} : memref<32x128xf32, #tpu.memory_space<vmem>>, vector<1x16xf32>,
        %get3A_149 = vector.shape_cast %get3A_148 : vector<1x16xf32> to vector<16xf32>
        %get3A_150 = arith.index_cast %scan3A_123 : i32 to index
        %get3A_151 = arith.constant 48 : index
        %get3A_152 = tpu.vector_load %arg8[%get3A_150, %get3A_151] {strides = array<i32>} : memref<32x128xf32, #tpu.memory_space<vmem>>, vector<1x16xf32>,
        %get3A_153 = vector.shape_cast %get3A_152 : vector<1x16xf32> to vector<16xf32>
        %get3A_154 = arith.index_cast %scan3A_123 : i32 to index
        %get3A_155 = arith.constant 64 : index
        %get3A_156 = tpu.vector_load %arg8[%get3A_154, %get3A_155] {strides = array<i32>} : memref<32x128xf32, #tpu.memory_space<vmem>>, vector<1x16xf32>,
        %get3A_157 = vector.shape_cast %get3A_156 : vector<1x16xf32> to vector<16xf32>
        %get3A_158 = arith.index_cast %scan3A_123 : i32 to index
        %get3A_159 = arith.constant 80 : index
        %get3A_160 = tpu.vector_load %arg8[%get3A_158, %get3A_159] {strides = array<i32>} : memref<32x128xf32, #tpu.memory_space<vmem>>, vector<1x16xf32>,
        %get3A_161 = vector.shape_cast %get3A_160 : vector<1x16xf32> to vector<16xf32>
        %get3A_162 = arith.index_cast %scan3A_123 : i32 to index
        %get3A_163 = arith.constant 96 : index
        %get3A_164 = tpu.vector_load %arg8[%get3A_162, %get3A_163] {strides = array<i32>} : memref<32x128xf32, #tpu.memory_space<vmem>>, vector<1x16xf32>,
        %get3A_165 = vector.shape_cast %get3A_164 : vector<1x16xf32> to vector<16xf32>
        %get3A_166 = arith.index_cast %scan3A_123 : i32 to index
        %get3A_167 = arith.constant 112 : index
        %get3A_168 = tpu.vector_load %arg8[%get3A_166, %get3A_167] {strides = array<i32>} : memref<32x128xf32, #tpu.memory_space<vmem>>, vector<1x16xf32>,
        %get3A_169 = vector.shape_cast %get3A_168 : vector<1x16xf32> to vector<16xf32>
        %mul3A_170 = arith.constant 16 : i32
        %mul3A_171 = arith.muli %scan3A_123, %mul3A_170 : i32
        %add3A_172 = arith.constant 0 : i32
        %add3A_173 = arith.addi %mul3A_171, %add3A_172 : i32
        %get3A_174 = arith.index_cast %add3A_173 : i32 to index
        %get3A_175 = arith.constant 0 : index
        %get3A_176 = tpu.vector_load %arg7[%get3A_174, %get3A_175] {strides = array<i32>} : memref<512x128xf32, #tpu.memory_space<vmem>>, vector<1x16xf32>,
        %get3A_177 = vector.shape_cast %get3A_176 : vector<1x16xf32> to vector<16xf32>
        %add3A_178 = arith.addf %get3A_177, %get3A_141 : vector<16xf32>
        %max3A = arith.constant 0.000000e+00 : f32
        %max3A_179 = vector.broadcast %max3A : f32 to vector<16xf32>
        %max3A_180 = arith.maximumf %add3A_178, %max3A_179 : vector<16xf32>
        %add3A_181 = arith.addf %broadcast_in_dim3A_124, %max3A_180 : vector<16xf32>
        %mul3A_182 = arith.constant 16 : i32
        %mul3A_183 = arith.muli %scan3A_123, %mul3A_182 : i32
        %add3A_184 = arith.constant 0 : i32
        %add3A_185 = arith.addi %mul3A_183, %add3A_184 : i32
        %get3A_186 = arith.index_cast %add3A_185 : i32 to index
        %get3A_187 = arith.constant 16 : index
        %get3A_188 = tpu.vector_load %arg7[%get3A_186, %get3A_187] {strides = array<i32>} : memref<512x128xf32, #tpu.memory_space<vmem>>, vector<1x16xf32>,
        %get3A_189 = vector.shape_cast %get3A_188 : vector<1x16xf32> to vector<16xf32>
        %add3A_190 = arith.addf %get3A_189, %get3A_145 : vector<16xf32>
        %max3A_191 = arith.constant 0.000000e+00 : f32
        %max3A_192 = vector.broadcast %max3A_191 : f32 to vector<16xf32>
        %max3A_193 = arith.maximumf %add3A_190, %max3A_192 : vector<16xf32>
        %add3A_194 = arith.addf %broadcast_in_dim3A_126, %max3A_193 : vector<16xf32>
        %mul3A_195 = arith.constant 16 : i32
        %mul3A_196 = arith.muli %scan3A_123, %mul3A_195 : i32
        %add3A_197 = arith.constant 0 : i32
        %add3A_198 = arith.addi %mul3A_196, %add3A_197 : i32
        %get3A_199 = arith.index_cast %add3A_198 : i32 to index
        %get3A_200 = arith.constant 32 : index
        %get3A_201 = tpu.vector_load %arg7[%get3A_199, %get3A_200] {strides = array<i32>} : memref<512x128xf32, #tpu.memory_space<vmem>>, vector<1x16xf32>,
        %get3A_202 = vector.shape_cast %get3A_201 : vector<1x16xf32> to vector<16xf32>
        %add3A_203 = arith.addf %get3A_202, %get3A_149 : vector<16xf32>
        %max3A_204 = arith.constant 0.000000e+00 : f32
        %max3A_205 = vector.broadcast %max3A_204 : f32 to vector<16xf32>
        %max3A_206 = arith.maximumf %add3A_203, %max3A_205 : vector<16xf32>
        %add3A_207 = arith.addf %broadcast_in_dim3A_128, %max3A_206 : vector<16xf32>
        %mul3A_208 = arith.constant 16 : i32
        %mul3A_209 = arith.muli %scan3A_123, %mul3A_208 : i32
        %add3A_210 = arith.constant 0 : i32
        %add3A_211 = arith.addi %mul3A_209, %add3A_210 : i32
        %get3A_212 = arith.index_cast %add3A_211 : i32 to index
        %get3A_213 = arith.constant 48 : index
        %get3A_214 = tpu.vector_load %arg7[%get3A_212, %get3A_213] {strides = array<i32>} : memref<512x128xf32, #tpu.memory_space<vmem>>, vector<1x16xf32>,
        %get3A_215 = vector.shape_cast %get3A_214 : vector<1x16xf32> to vector<16xf32>
        %add3A_216 = arith.addf %get3A_215, %get3A_153 : vector<16xf32>
        %max3A_217 = arith.constant 0.000000e+00 : f32
        %max3A_218 = vector.broadcast %max3A_217 : f32 to vector<16xf32>
        %max3A_219 = arith.maximumf %add3A_216, %max3A_218 : vector<16xf32>
        %add3A_220 = arith.addf %broadcast_in_dim3A_130, %max3A_219 : vector<16xf32>
        %mul3A_221 = arith.constant 16 : i32
        %mul3A_222 = arith.muli %scan3A_123, %mul3A_221 : i32
        %add3A_223 = arith.constant 0 : i32
        %add3A_224 = arith.addi %mul3A_222, %add3A_223 : i32
        %get3A_225 = arith.index_cast %add3A_224 : i32 to index
        %get3A_226 = arith.constant 64 : index
        %get3A_227 = tpu.vector_load %arg7[%get3A_225, %get3A_226] {strides = array<i32>} : memref<512x128xf32, #tpu.memory_space<vmem>>, vector<1x16xf32>,
        %get3A_228 = vector.shape_cast %get3A_227 : vector<1x16xf32> to vector<16xf32>
        %add3A_229 = arith.addf %get3A_228, %get3A_157 : vector<16xf32>
        %max3A_230 = arith.constant 0.000000e+00 : f32
        %max3A_231 = vector.broadcast %max3A_230 : f32 to vector<16xf32>
        %max3A_232 = arith.maximumf %add3A_229, %max3A_231 : vector<16xf32>
        %add3A_233 = arith.addf %broadcast_in_dim3A_132, %max3A_232 : vector<16xf32>
        %mul3A_234 = arith.constant 16 : i32
        %mul3A_235 = arith.muli %scan3A_123, %mul3A_234 : i32
        %add3A_236 = arith.constant 0 : i32
        %add3A_237 = arith.addi %mul3A_235, %add3A_236 : i32
        %get3A_238 = arith.index_cast %add3A_237 : i32 to index
        %get3A_239 = arith.constant 80 : index
        %get3A_240 = tpu.vector_load %arg7[%get3A_238, %get3A_239] {strides = array<i32>} : memref<512x128xf32, #tpu.memory_space<vmem>>, vector<1x16xf32>,
        %get3A_241 = vector.shape_cast %get3A_240 : vector<1x16xf32> to vector<16xf32>
        %add3A_242 = arith.addf %get3A_241, %get3A_161 : vector<16xf32>
        %max3A_243 = arith.constant 0.000000e+00 : f32
        %max3A_244 = vector.broadcast %max3A_243 : f32 to vector<16xf32>
        %max3A_245 = arith.maximumf %add3A_242, %max3A_244 : vector<16xf32>
        %add3A_246 = arith.addf %broadcast_in_dim3A_134, %max3A_245 : vector<16xf32>
        %mul3A_247 = arith.constant 16 : i32
        %mul3A_248 = arith.muli %scan3A_123, %mul3A_247 : i32
        %add3A_249 = arith.constant 0 : i32
        %add3A_250 = arith.addi %mul3A_248, %add3A_249 : i32
        %get3A_251 = arith.index_cast %add3A_250 : i32 to index
        %get3A_252 = arith.constant 96 : index
        %get3A_253 = tpu.vector_load %arg7[%get3A_251, %get3A_252] {strides = array<i32>} : memref<512x128xf32, #tpu.memory_space<vmem>>, vector<1x16xf32>,
        %get3A_254 = vector.shape_cast %get3A_253 : vector<1x16xf32> to vector<16xf32>
        %add3A_255 = arith.addf %get3A_254, %get3A_165 : vector<16xf32>
        %max3A_256 = arith.constant 0.000000e+00 : f32
        %max3A_257 = vector.broadcast %max3A_256 : f32 to vector<16xf32>
        %max3A_258 = arith.maximumf %add3A_255, %max3A_257 : vector<16xf32>
        %add3A_259 = arith.addf %broadcast_in_dim3A_136, %max3A_258 : vector<16xf32>
        %mul3A_260 = arith.constant 16 : i32
        %mul3A_261 = arith.muli %scan3A_123, %mul3A_260 : i32
        %add3A_262 = arith.constant 0 : i32
        %add3A_263 = arith.addi %mul3A_261, %add3A_262 : i32
        %get3A_264 = arith.index_cast %add3A_263 : i32 to index
        %get3A_265 = arith.constant 112 : index
        %get3A_266 = tpu.vector_load %arg7[%get3A_264, %get3A_265] {strides = array<i32>} : memref<512x128xf32, #tpu.memory_space<vmem>>, vector<1x16xf32>,
        %get3A_267 = vector.shape_cast %get3A_266 : vector<1x16xf32> to vector<16xf32>
        %add3A_268 = arith.addf %get3A_267, %get3A_169 : vector<16xf32>
        %max3A_269 = arith.constant 0.000000e+00 : f32
        %max3A_270 = vector.broadcast %max3A_269 : f32 to vector<16xf32>
        %max3A_271 = arith.maximumf %add3A_268, %max3A_270 : vector<16xf32>
        %add3A_272 = arith.addf %broadcast_in_dim3A_138, %max3A_271 : vector<16xf32>
        %mul3A_273 = arith.constant 16 : i32
        %mul3A_274 = arith.muli %scan3A_123, %mul3A_273 : i32
        %add3A_275 = arith.constant 1 : i32
        %add3A_276 = arith.addi %mul3A_274, %add3A_275 : i32
        %get3A_277 = arith.index_cast %add3A_276 : i32 to index
        %get3A_278 = arith.constant 0 : index
        %get3A_279 = tpu.vector_load %arg7[%get3A_277, %get3A_278] {strides = array<i32>} : memref<512x128xf32, #tpu.memory_space<vmem>>, vector<1x16xf32>,
        %get3A_280 = vector.shape_cast %get3A_279 : vector<1x16xf32> to vector<16xf32>
        %add3A_281 = arith.addf %get3A_280, %get3A_141 : vector<16xf32>
        %max3A_282 = arith.constant 0.000000e+00 : f32
        %max3A_283 = vector.broadcast %max3A_282 : f32 to vector<16xf32>
        %max3A_284 = arith.maximumf %add3A_281, %max3A_283 : vector<16xf32>
        %add3A_285 = arith.addf %add3A_181, %max3A_284 : vector<16xf32>
        %mul3A_286 = arith.constant 16 : i32
        %mul3A_287 = arith.muli %scan3A_123, %mul3A_286 : i32
        %add3A_288 = arith.constant 1 : i32
        %add3A_289 = arith.addi %mul3A_287, %add3A_288 : i32
        %get3A_290 = arith.index_cast %add3A_289 : i32 to index
        %get3A_291 = arith.constant 16 : index
        %get3A_292 = tpu.vector_load %arg7[%get3A_290, %get3A_291] {strides = array<i32>} : memref<512x128xf32, #tpu.memory_space<vmem>>, vector<1x16xf32>,
        %get3A_293 = vector.shape_cast %get3A_292 : vector<1x16xf32> to vector<16xf32>
        %add3A_294 = arith.addf %get3A_293, %get3A_145 : vector<16xf32>
        %max3A_295 = arith.constant 0.000000e+00 : f32
        %max3A_296 = vector.broadcast %max3A_295 : f32 to vector<16xf32>
        %max3A_297 = arith.maximumf %add3A_294, %max3A_296 : vector<16xf32>
        %add3A_298 = arith.addf %add3A_194, %max3A_297 : vector<16xf32>
        %mul3A_299 = arith.constant 16 : i32
        %mul3A_300 = arith.muli %scan3A_123, %mul3A_299 : i32
        %add3A_301 = arith.constant 1 : i32
        %add3A_302 = arith.addi %mul3A_300, %add3A_301 : i32
        %get3A_303 = arith.index_cast %add3A_302 : i32 to index
        %get3A_304 = arith.constant 32 : index
        %get3A_305 = tpu.vector_load %arg7[%get3A_303, %get3A_304] {strides = array<i32>} : memref<512x128xf32, #tpu.memory_space<vmem>>, vector<1x16xf32>,
        %get3A_306 = vector.shape_cast %get3A_305 : vector<1x16xf32> to vector<16xf32>
        %add3A_307 = arith.addf %get3A_306, %get3A_149 : vector<16xf32>
        %max3A_308 = arith.constant 0.000000e+00 : f32
        %max3A_309 = vector.broadcast %max3A_308 : f32 to vector<16xf32>
        %max3A_310 = arith.maximumf %add3A_307, %max3A_309 : vector<16xf32>
        %add3A_311 = arith.addf %add3A_207, %max3A_310 : vector<16xf32>
        %mul3A_312 = arith.constant 16 : i32
        %mul3A_313 = arith.muli %scan3A_123, %mul3A_312 : i32
        %add3A_314 = arith.constant 1 : i32
        %add3A_315 = arith.addi %mul3A_313, %add3A_314 : i32
        %get3A_316 = arith.index_cast %add3A_315 : i32 to index
        %get3A_317 = arith.constant 48 : index
        %get3A_318 = tpu.vector_load %arg7[%get3A_316, %get3A_317] {strides = array<i32>} : memref<512x128xf32, #tpu.memory_space<vmem>>, vector<1x16xf32>,
        %get3A_319 = vector.shape_cast %get3A_318 : vector<1x16xf32> to vector<16xf32>
        %add3A_320 = arith.addf %get3A_319, %get3A_153 : vector<16xf32>
        %max3A_321 = arith.constant 0.000000e+00 : f32
        %max3A_322 = vector.broadcast %max3A_321 : f32 to vector<16xf32>
        %max3A_323 = arith.maximumf %add3A_320, %max3A_322 : vector<16xf32>
        %add3A_324 = arith.addf %add3A_220, %max3A_323 : vector<16xf32>
        %mul3A_325 = arith.constant 16 : i32
        %mul3A_326 = arith.muli %scan3A_123, %mul3A_325 : i32
        %add3A_327 = arith.constant 1 : i32
        %add3A_328 = arith.addi %mul3A_326, %add3A_327 : i32
        %get3A_329 = arith.index_cast %add3A_328 : i32 to index
        %get3A_330 = arith.constant 64 : index
        %get3A_331 = tpu.vector_load %arg7[%get3A_329, %get3A_330] {strides = array<i32>} : memref<512x128xf32, #tpu.memory_space<vmem>>, vector<1x16xf32>,
        %get3A_332 = vector.shape_cast %get3A_331 : vector<1x16xf32> to vector<16xf32>
        %add3A_333 = arith.addf %get3A_332, %get3A_157 : vector<16xf32>
        %max3A_334 = arith.constant 0.000000e+00 : f32
        %max3A_335 = vector.broadcast %max3A_334 : f32 to vector<16xf32>
        %max3A_336 = arith.maximumf %add3A_333, %max3A_335 : vector<16xf32>
        %add3A_337 = arith.addf %add3A_233, %max3A_336 : vector<16xf32>
        %mul3A_338 = arith.constant 16 : i32
        %mul3A_339 = arith.muli %scan3A_123, %mul3A_338 : i32
        %add3A_340 = arith.constant 1 : i32
        %add3A_341 = arith.addi %mul3A_339, %add3A_340 : i32
        %get3A_342 = arith.index_cast %add3A_341 : i32 to index
        %get3A_343 = arith.constant 80 : index
        %get3A_344 = tpu.vector_load %arg7[%get3A_342, %get3A_343] {strides = array<i32>} : memref<512x128xf32, #tpu.memory_space<vmem>>, vector<1x16xf32>,
        %get3A_345 = vector.shape_cast %get3A_344 : vector<1x16xf32> to vector<16xf32>
        %add3A_346 = arith.addf %get3A_345, %get3A_161 : vector<16xf32>
        %max3A_347 = arith.constant 0.000000e+00 : f32
        %max3A_348 = vector.broadcast %max3A_347 : f32 to vector<16xf32>
        %max3A_349 = arith.maximumf %add3A_346, %max3A_348 : vector<16xf32>
        %add3A_350 = arith.addf %add3A_246, %max3A_349 : vector<16xf32>
        %mul3A_351 = arith.constant 16 : i32
        %mul3A_352 = arith.muli %scan3A_123, %mul3A_351 : i32
        %add3A_353 = arith.constant 1 : i32
        %add3A_354 = arith.addi %mul3A_352, %add3A_353 : i32
        %get3A_355 = arith.index_cast %add3A_354 : i32 to index
        %get3A_356 = arith.constant 96 : index
        %get3A_357 = tpu.vector_load %arg7[%get3A_355, %get3A_356] {strides = array<i32>} : memref<512x128xf32, #tpu.memory_space<vmem>>, vector<1x16xf32>,
        %get3A_358 = vector.shape_cast %get3A_357 : vector<1x16xf32> to vector<16xf32>
        %add3A_359 = arith.addf %get3A_358, %get3A_165 : vector<16xf32>
        %max3A_360 = arith.constant 0.000000e+00 : f32
        %max3A_361 = vector.broadcast %max3A_360 : f32 to vector<16xf32>
        %max3A_362 = arith.maximumf %add3A_359, %max3A_361 : vector<16xf32>
        %add3A_363 = arith.addf %add3A_259, %max3A_362 : vector<16xf32>
        %mul3A_364 = arith.constant 16 : i32
        %mul3A_365 = arith.muli %scan3A_123, %mul3A_364 : i32
        %add3A_366 = arith.constant 1 : i32
        %add3A_367 = arith.addi %mul3A_365, %add3A_366 : i32
        %get3A_368 = arith.index_cast %add3A_367 : i32 to index
        %get3A_369 = arith.constant 112 : index
        %get3A_370 = tpu.vector_load %arg7[%get3A_368, %get3A_369] {strides = array<i32>} : memref<512x128xf32, #tpu.memory_space<vmem>>, vector<1x16xf32>,
        %get3A_371 = vector.shape_cast %get3A_370 : vector<1x16xf32> to vector<16xf32>
        %add3A_372 = arith.addf %get3A_371, %get3A_169 : vector<16xf32>
        %max3A_373 = arith.constant 0.000000e+00 : f32
        %max3A_374 = vector.broadcast %max3A_373 : f32 to vector<16xf32>
        %max3A_375 = arith.maximumf %add3A_372, %max3A_374 : vector<16xf32>
        %add3A_376 = arith.addf %add3A_272, %max3A_375 : vector<16xf32>
        %mul3A_377 = arith.constant 16 : i32
        %mul3A_378 = arith.muli %scan3A_123, %mul3A_377 : i32
        %add3A_379 = arith.constant 2 : i32
        %add3A_380 = arith.addi %mul3A_378, %add3A_379 : i32
        %get3A_381 = arith.index_cast %add3A_380 : i32 to index
        %get3A_382 = arith.constant 0 : index
        %get3A_383 = tpu.vector_load %arg7[%get3A_381, %get3A_382] {strides = array<i32>} : memref<512x128xf32, #tpu.memory_space<vmem>>, vector<1x16xf32>,
        %get3A_384 = vector.shape_cast %get3A_383 : vector<1x16xf32> to vector<16xf32>
        %add3A_385 = arith.addf %get3A_384, %get3A_141 : vector<16xf32>
        %max3A_386 = arith.constant 0.000000e+00 : f32
        %max3A_387 = vector.broadcast %max3A_386 : f32 to vector<16xf32>
        %max3A_388 = arith.maximumf %add3A_385, %max3A_387 : vector<16xf32>
        %add3A_389 = arith.addf %add3A_285, %max3A_388 : vector<16xf32>
        %mul3A_390 = arith.constant 16 : i32
        %mul3A_391 = arith.muli %scan3A_123, %mul3A_390 : i32
        %add3A_392 = arith.constant 2 : i32
        %add3A_393 = arith.addi %mul3A_391, %add3A_392 : i32
        %get3A_394 = arith.index_cast %add3A_393 : i32 to index
        %get3A_395 = arith.constant 16 : index
        %get3A_396 = tpu.vector_load %arg7[%get3A_394, %get3A_395] {strides = array<i32>} : memref<512x128xf32, #tpu.memory_space<vmem>>, vector<1x16xf32>,
        %get3A_397 = vector.shape_cast %get3A_396 : vector<1x16xf32> to vector<16xf32>
        %add3A_398 = arith.addf %get3A_397, %get3A_145 : vector<16xf32>
        %max3A_399 = arith.constant 0.000000e+00 : f32
        %max3A_400 = vector.broadcast %max3A_399 : f32 to vector<16xf32>
        %max3A_401 = arith.maximumf %add3A_398, %max3A_400 : vector<16xf32>
        %add3A_402 = arith.addf %add3A_298, %max3A_401 : vector<16xf32>
        %mul3A_403 = arith.constant 16 : i32
        %mul3A_404 = arith.muli %scan3A_123, %mul3A_403 : i32
        %add3A_405 = arith.constant 2 : i32
        %add3A_406 = arith.addi %mul3A_404, %add3A_405 : i32
        %get3A_407 = arith.index_cast %add3A_406 : i32 to index
        %get3A_408 = arith.constant 32 : index
        %get3A_409 = tpu.vector_load %arg7[%get3A_407, %get3A_408] {strides = array<i32>} : memref<512x128xf32, #tpu.memory_space<vmem>>, vector<1x16xf32>,
        %get3A_410 = vector.shape_cast %get3A_409 : vector<1x16xf32> to vector<16xf32>
        %add3A_411 = arith.addf %get3A_410, %get3A_149 : vector<16xf32>
        %max3A_412 = arith.constant 0.000000e+00 : f32
        %max3A_413 = vector.broadcast %max3A_412 : f32 to vector<16xf32>
        %max3A_414 = arith.maximumf %add3A_411, %max3A_413 : vector<16xf32>
        %add3A_415 = arith.addf %add3A_311, %max3A_414 : vector<16xf32>
        %mul3A_416 = arith.constant 16 : i32
        %mul3A_417 = arith.muli %scan3A_123, %mul3A_416 : i32
        %add3A_418 = arith.constant 2 : i32
        %add3A_419 = arith.addi %mul3A_417, %add3A_418 : i32
        %get3A_420 = arith.index_cast %add3A_419 : i32 to index
        %get3A_421 = arith.constant 48 : index
        %get3A_422 = tpu.vector_load %arg7[%get3A_420, %get3A_421] {strides = array<i32>} : memref<512x128xf32, #tpu.memory_space<vmem>>, vector<1x16xf32>,
        %get3A_423 = vector.shape_cast %get3A_422 : vector<1x16xf32> to vector<16xf32>
        %add3A_424 = arith.addf %get3A_423, %get3A_153 : vector<16xf32>
        %max3A_425 = arith.constant 0.000000e+00 : f32
        %max3A_426 = vector.broadcast %max3A_425 : f32 to vector<16xf32>
        %max3A_427 = arith.maximumf %add3A_424, %max3A_426 : vector<16xf32>
        %add3A_428 = arith.addf %add3A_324, %max3A_427 : vector<16xf32>
        %mul3A_429 = arith.constant 16 : i32
        %mul3A_430 = arith.muli %scan3A_123, %mul3A_429 : i32
        %add3A_431 = arith.constant 2 : i32
        %add3A_432 = arith.addi %mul3A_430, %add3A_431 : i32
        %get3A_433 = arith.index_cast %add3A_432 : i32 to index
        %get3A_434 = arith.constant 64 : index
        %get3A_435 = tpu.vector_load %arg7[%get3A_433, %get3A_434] {strides = array<i32>} : memref<512x128xf32, #tpu.memory_space<vmem>>, vector<1x16xf32>,
        %get3A_436 = vector.shape_cast %get3A_435 : vector<1x16xf32> to vector<16xf32>
        %add3A_437 = arith.addf %get3A_436, %get3A_157 : vector<16xf32>
        %max3A_438 = arith.constant 0.000000e+00 : f32
        %max3A_439 = vector.broadcast %max3A_438 : f32 to vector<16xf32>
        %max3A_440 = arith.maximumf %add3A_437, %max3A_439 : vector<16xf32>
        %add3A_441 = arith.addf %add3A_337, %max3A_440 : vector<16xf32>
        %mul3A_442 = arith.constant 16 : i32
        %mul3A_443 = arith.muli %scan3A_123, %mul3A_442 : i32
        %add3A_444 = arith.constant 2 : i32
        %add3A_445 = arith.addi %mul3A_443, %add3A_444 : i32
        %get3A_446 = arith.index_cast %add3A_445 : i32 to index
        %get3A_447 = arith.constant 80 : index
        %get3A_448 = tpu.vector_load %arg7[%get3A_446, %get3A_447] {strides = array<i32>} : memref<512x128xf32, #tpu.memory_space<vmem>>, vector<1x16xf32>,
        %get3A_449 = vector.shape_cast %get3A_448 : vector<1x16xf32> to vector<16xf32>
        %add3A_450 = arith.addf %get3A_449, %get3A_161 : vector<16xf32>
        %max3A_451 = arith.constant 0.000000e+00 : f32
        %max3A_452 = vector.broadcast %max3A_451 : f32 to vector<16xf32>
        %max3A_453 = arith.maximumf %add3A_450, %max3A_452 : vector<16xf32>
        %add3A_454 = arith.addf %add3A_350, %max3A_453 : vector<16xf32>
        %mul3A_455 = arith.constant 16 : i32
        %mul3A_456 = arith.muli %scan3A_123, %mul3A_455 : i32
        %add3A_457 = arith.constant 2 : i32
        %add3A_458 = arith.addi %mul3A_456, %add3A_457 : i32
        %get3A_459 = arith.index_cast %add3A_458 : i32 to index
        %get3A_460 = arith.constant 96 : index
        %get3A_461 = tpu.vector_load %arg7[%get3A_459, %get3A_460] {strides = array<i32>} : memref<512x128xf32, #tpu.memory_space<vmem>>, vector<1x16xf32>,
        %get3A_462 = vector.shape_cast %get3A_461 : vector<1x16xf32> to vector<16xf32>
        %add3A_463 = arith.addf %get3A_462, %get3A_165 : vector<16xf32>
        %max3A_464 = arith.constant 0.000000e+00 : f32
        %max3A_465 = vector.broadcast %max3A_464 : f32 to vector<16xf32>
        %max3A_466 = arith.maximumf %add3A_463, %max3A_465 : vector<16xf32>
        %add3A_467 = arith.addf %add3A_363, %max3A_466 : vector<16xf32>
        %mul3A_468 = arith.constant 16 : i32
        %mul3A_469 = arith.muli %scan3A_123, %mul3A_468 : i32
        %add3A_470 = arith.constant 2 : i32
        %add3A_471 = arith.addi %mul3A_469, %add3A_470 : i32
        %get3A_472 = arith.index_cast %add3A_471 : i32 to index
        %get3A_473 = arith.constant 112 : index
        %get3A_474 = tpu.vector_load %arg7[%get3A_472, %get3A_473] {strides = array<i32>} : memref<512x128xf32, #tpu.memory_space<vmem>>, vector<1x16xf32>,
        %get3A_475 = vector.shape_cast %get3A_474 : vector<1x16xf32> to vector<16xf32>
        %add3A_476 = arith.addf %get3A_475, %get3A_169 : vector<16xf32>
        %max3A_477 = arith.constant 0.000000e+00 : f32
        %max3A_478 = vector.broadcast %max3A_477 : f32 to vector<16xf32>
        %max3A_479 = arith.maximumf %add3A_476, %max3A_478 : vector<16xf32>
        %add3A_480 = arith.addf %add3A_376, %max3A_479 : vector<16xf32>
        %mul3A_481 = arith.constant 16 : i32
        %mul3A_482 = arith.muli %scan3A_123, %mul3A_481 : i32
        %add3A_483 = arith.constant 3 : i32
        %add3A_484 = arith.addi %mul3A_482, %add3A_483 : i32
        %get3A_485 = arith.index_cast %add3A_484 : i32 to index
        %get3A_486 = arith.constant 0 : index
        %get3A_487 = tpu.vector_load %arg7[%get3A_485, %get3A_486] {strides = array<i32>} : memref<512x128xf32, #tpu.memory_space<vmem>>, vector<1x16xf32>,
        %get3A_488 = vector.shape_cast %get3A_487 : vector<1x16xf32> to vector<16xf32>
        %add3A_489 = arith.addf %get3A_488, %get3A_141 : vector<16xf32>
        %max3A_490 = arith.constant 0.000000e+00 : f32
        %max3A_491 = vector.broadcast %max3A_490 : f32 to vector<16xf32>
        %max3A_492 = arith.maximumf %add3A_489, %max3A_491 : vector<16xf32>
        %add3A_493 = arith.addf %add3A_389, %max3A_492 : vector<16xf32>
        %mul3A_494 = arith.constant 16 : i32
        %mul3A_495 = arith.muli %scan3A_123, %mul3A_494 : i32
        %add3A_496 = arith.constant 3 : i32
        %add3A_497 = arith.addi %mul3A_495, %add3A_496 : i32
        %get3A_498 = arith.index_cast %add3A_497 : i32 to index
        %get3A_499 = arith.constant 16 : index
        %get3A_500 = tpu.vector_load %arg7[%get3A_498, %get3A_499] {strides = array<i32>} : memref<512x128xf32, #tpu.memory_space<vmem>>, vector<1x16xf32>,
        %get3A_501 = vector.shape_cast %get3A_500 : vector<1x16xf32> to vector<16xf32>
        %add3A_502 = arith.addf %get3A_501, %get3A_145 : vector<16xf32>
        %max3A_503 = arith.constant 0.000000e+00 : f32
        %max3A_504 = vector.broadcast %max3A_503 : f32 to vector<16xf32>
        %max3A_505 = arith.maximumf %add3A_502, %max3A_504 : vector<16xf32>
        %add3A_506 = arith.addf %add3A_402, %max3A_505 : vector<16xf32>
        %mul3A_507 = arith.constant 16 : i32
        %mul3A_508 = arith.muli %scan3A_123, %mul3A_507 : i32
        %add3A_509 = arith.constant 3 : i32
        %add3A_510 = arith.addi %mul3A_508, %add3A_509 : i32
        %get3A_511 = arith.index_cast %add3A_510 : i32 to index
        %get3A_512 = arith.constant 32 : index
        %get3A_513 = tpu.vector_load %arg7[%get3A_511, %get3A_512] {strides = array<i32>} : memref<512x128xf32, #tpu.memory_space<vmem>>, vector<1x16xf32>,
        %get3A_514 = vector.shape_cast %get3A_513 : vector<1x16xf32> to vector<16xf32>
        %add3A_515 = arith.addf %get3A_514, %get3A_149 : vector<16xf32>
        %max3A_516 = arith.constant 0.000000e+00 : f32
        %max3A_517 = vector.broadcast %max3A_516 : f32 to vector<16xf32>
        %max3A_518 = arith.maximumf %add3A_515, %max3A_517 : vector<16xf32>
        %add3A_519 = arith.addf %add3A_415, %max3A_518 : vector<16xf32>
        %mul3A_520 = arith.constant 16 : i32
        %mul3A_521 = arith.muli %scan3A_123, %mul3A_520 : i32
        %add3A_522 = arith.constant 3 : i32
        %add3A_523 = arith.addi %mul3A_521, %add3A_522 : i32
        %get3A_524 = arith.index_cast %add3A_523 : i32 to index
        %get3A_525 = arith.constant 48 : index
        %get3A_526 = tpu.vector_load %arg7[%get3A_524, %get3A_525] {strides = array<i32>} : memref<512x128xf32, #tpu.memory_space<vmem>>, vector<1x16xf32>,
        %get3A_527 = vector.shape_cast %get3A_526 : vector<1x16xf32> to vector<16xf32>
        %add3A_528 = arith.addf %get3A_527, %get3A_153 : vector<16xf32>
        %max3A_529 = arith.constant 0.000000e+00 : f32
        %max3A_530 = vector.broadcast %max3A_529 : f32 to vector<16xf32>
        %max3A_531 = arith.maximumf %add3A_528, %max3A_530 : vector<16xf32>
        %add3A_532 = arith.addf %add3A_428, %max3A_531 : vector<16xf32>
        %mul3A_533 = arith.constant 16 : i32
        %mul3A_534 = arith.muli %scan3A_123, %mul3A_533 : i32
        %add3A_535 = arith.constant 3 : i32
        %add3A_536 = arith.addi %mul3A_534, %add3A_535 : i32
        %get3A_537 = arith.index_cast %add3A_536 : i32 to index
        %get3A_538 = arith.constant 64 : index
        %get3A_539 = tpu.vector_load %arg7[%get3A_537, %get3A_538] {strides = array<i32>} : memref<512x128xf32, #tpu.memory_space<vmem>>, vector<1x16xf32>,
        %get3A_540 = vector.shape_cast %get3A_539 : vector<1x16xf32> to vector<16xf32>
        %add3A_541 = arith.addf %get3A_540, %get3A_157 : vector<16xf32>
        %max3A_542 = arith.constant 0.000000e+00 : f32
        %max3A_543 = vector.broadcast %max3A_542 : f32 to vector<16xf32>
        %max3A_544 = arith.maximumf %add3A_541, %max3A_543 : vector<16xf32>
        %add3A_545 = arith.addf %add3A_441, %max3A_544 : vector<16xf32>
        %mul3A_546 = arith.constant 16 : i32
        %mul3A_547 = arith.muli %scan3A_123, %mul3A_546 : i32
        %add3A_548 = arith.constant 3 : i32
        %add3A_549 = arith.addi %mul3A_547, %add3A_548 : i32
        %get3A_550 = arith.index_cast %add3A_549 : i32 to index
        %get3A_551 = arith.constant 80 : index
        %get3A_552 = tpu.vector_load %arg7[%get3A_550, %get3A_551] {strides = array<i32>} : memref<512x128xf32, #tpu.memory_space<vmem>>, vector<1x16xf32>,
        %get3A_553 = vector.shape_cast %get3A_552 : vector<1x16xf32> to vector<16xf32>
        %add3A_554 = arith.addf %get3A_553, %get3A_161 : vector<16xf32>
        %max3A_555 = arith.constant 0.000000e+00 : f32
        %max3A_556 = vector.broadcast %max3A_555 : f32 to vector<16xf32>
        %max3A_557 = arith.maximumf %add3A_554, %max3A_556 : vector<16xf32>
        %add3A_558 = arith.addf %add3A_454, %max3A_557 : vector<16xf32>
        %mul3A_559 = arith.constant 16 : i32
        %mul3A_560 = arith.muli %scan3A_123, %mul3A_559 : i32
        %add3A_561 = arith.constant 3 : i32
        %add3A_562 = arith.addi %mul3A_560, %add3A_561 : i32
        %get3A_563 = arith.index_cast %add3A_562 : i32 to index
        %get3A_564 = arith.constant 96 : index
        %get3A_565 = tpu.vector_load %arg7[%get3A_563, %get3A_564] {strides = array<i32>} : memref<512x128xf32, #tpu.memory_space<vmem>>, vector<1x16xf32>,
        %get3A_566 = vector.shape_cast %get3A_565 : vector<1x16xf32> to vector<16xf32>
        %add3A_567 = arith.addf %get3A_566, %get3A_165 : vector<16xf32>
        %max3A_568 = arith.constant 0.000000e+00 : f32
        %max3A_569 = vector.broadcast %max3A_568 : f32 to vector<16xf32>
        %max3A_570 = arith.maximumf %add3A_567, %max3A_569 : vector<16xf32>
        %add3A_571 = arith.addf %add3A_467, %max3A_570 : vector<16xf32>
        %mul3A_572 = arith.constant 16 : i32
        %mul3A_573 = arith.muli %scan3A_123, %mul3A_572 : i32
        %add3A_574 = arith.constant 3 : i32
        %add3A_575 = arith.addi %mul3A_573, %add3A_574 : i32
        %get3A_576 = arith.index_cast %add3A_575 : i32 to index
        %get3A_577 = arith.constant 112 : index
        %get3A_578 = tpu.vector_load %arg7[%get3A_576, %get3A_577] {strides = array<i32>} : memref<512x128xf32, #tpu.memory_space<vmem>>, vector<1x16xf32>,
        %get3A_579 = vector.shape_cast %get3A_578 : vector<1x16xf32> to vector<16xf32>
        %add3A_580 = arith.addf %get3A_579, %get3A_169 : vector<16xf32>
        %max3A_581 = arith.constant 0.000000e+00 : f32
        %max3A_582 = vector.broadcast %max3A_581 : f32 to vector<16xf32>
        %max3A_583 = arith.maximumf %add3A_580, %max3A_582 : vector<16xf32>
        %add3A_584 = arith.addf %add3A_480, %max3A_583 : vector<16xf32>
        %mul3A_585 = arith.constant 16 : i32
        %mul3A_586 = arith.muli %scan3A_123, %mul3A_585 : i32
        %add3A_587 = arith.constant 4 : i32
        %add3A_588 = arith.addi %mul3A_586, %add3A_587 : i32
        %get3A_589 = arith.index_cast %add3A_588 : i32 to index
        %get3A_590 = arith.constant 0 : index
        %get3A_591 = tpu.vector_load %arg7[%get3A_589, %get3A_590] {strides = array<i32>} : memref<512x128xf32, #tpu.memory_space<vmem>>, vector<1x16xf32>,
        %get3A_592 = vector.shape_cast %get3A_591 : vector<1x16xf32> to vector<16xf32>
        %add3A_593 = arith.addf %get3A_592, %get3A_141 : vector<16xf32>
        %max3A_594 = arith.constant 0.000000e+00 : f32
        %max3A_595 = vector.broadcast %max3A_594 : f32 to vector<16xf32>
        %max3A_596 = arith.maximumf %add3A_593, %max3A_595 : vector<16xf32>
        %add3A_597 = arith.addf %add3A_493, %max3A_596 : vector<16xf32>
        %mul3A_598 = arith.constant 16 : i32
        %mul3A_599 = arith.muli %scan3A_123, %mul3A_598 : i32
        %add3A_600 = arith.constant 4 : i32
        %add3A_601 = arith.addi %mul3A_599, %add3A_600 : i32
        %get3A_602 = arith.index_cast %add3A_601 : i32 to index
        %get3A_603 = arith.constant 16 : index
        %get3A_604 = tpu.vector_load %arg7[%get3A_602, %get3A_603] {strides = array<i32>} : memref<512x128xf32, #tpu.memory_space<vmem>>, vector<1x16xf32>,
        %get3A_605 = vector.shape_cast %get3A_604 : vector<1x16xf32> to vector<16xf32>
        %add3A_606 = arith.addf %get3A_605, %get3A_145 : vector<16xf32>
        %max3A_607 = arith.constant 0.000000e+00 : f32
        %max3A_608 = vector.broadcast %max3A_607 : f32 to vector<16xf32>
        %max3A_609 = arith.maximumf %add3A_606, %max3A_608 : vector<16xf32>
        %add3A_610 = arith.addf %add3A_506, %max3A_609 : vector<16xf32>
        %mul3A_611 = arith.constant 16 : i32
        %mul3A_612 = arith.muli %scan3A_123, %mul3A_611 : i32
        %add3A_613 = arith.constant 4 : i32
        %add3A_614 = arith.addi %mul3A_612, %add3A_613 : i32
        %get3A_615 = arith.index_cast %add3A_614 : i32 to index
        %get3A_616 = arith.constant 32 : index
        %get3A_617 = tpu.vector_load %arg7[%get3A_615, %get3A_616] {strides = array<i32>} : memref<512x128xf32, #tpu.memory_space<vmem>>, vector<1x16xf32>,
        %get3A_618 = vector.shape_cast %get3A_617 : vector<1x16xf32> to vector<16xf32>
        %add3A_619 = arith.addf %get3A_618, %get3A_149 : vector<16xf32>
        %max3A_620 = arith.constant 0.000000e+00 : f32
        %max3A_621 = vector.broadcast %max3A_620 : f32 to vector<16xf32>
        %max3A_622 = arith.maximumf %add3A_619, %max3A_621 : vector<16xf32>
        %add3A_623 = arith.addf %add3A_519, %max3A_622 : vector<16xf32>
        %mul3A_624 = arith.constant 16 : i32
        %mul3A_625 = arith.muli %scan3A_123, %mul3A_624 : i32
        %add3A_626 = arith.constant 4 : i32
        %add3A_627 = arith.addi %mul3A_625, %add3A_626 : i32
        %get3A_628 = arith.index_cast %add3A_627 : i32 to index
        %get3A_629 = arith.constant 48 : index
        %get3A_630 = tpu.vector_load %arg7[%get3A_628, %get3A_629] {strides = array<i32>} : memref<512x128xf32, #tpu.memory_space<vmem>>, vector<1x16xf32>,
        %get3A_631 = vector.shape_cast %get3A_630 : vector<1x16xf32> to vector<16xf32>
        %add3A_632 = arith.addf %get3A_631, %get3A_153 : vector<16xf32>
        %max3A_633 = arith.constant 0.000000e+00 : f32
        %max3A_634 = vector.broadcast %max3A_633 : f32 to vector<16xf32>
        %max3A_635 = arith.maximumf %add3A_632, %max3A_634 : vector<16xf32>
        %add3A_636 = arith.addf %add3A_532, %max3A_635 : vector<16xf32>
        %mul3A_637 = arith.constant 16 : i32
        %mul3A_638 = arith.muli %scan3A_123, %mul3A_637 : i32
        %add3A_639 = arith.constant 4 : i32
        %add3A_640 = arith.addi %mul3A_638, %add3A_639 : i32
        %get3A_641 = arith.index_cast %add3A_640 : i32 to index
        %get3A_642 = arith.constant 64 : index
        %get3A_643 = tpu.vector_load %arg7[%get3A_641, %get3A_642] {strides = array<i32>} : memref<512x128xf32, #tpu.memory_space<vmem>>, vector<1x16xf32>,
        %get3A_644 = vector.shape_cast %get3A_643 : vector<1x16xf32> to vector<16xf32>
        %add3A_645 = arith.addf %get3A_644, %get3A_157 : vector<16xf32>
        %max3A_646 = arith.constant 0.000000e+00 : f32
        %max3A_647 = vector.broadcast %max3A_646 : f32 to vector<16xf32>
        %max3A_648 = arith.maximumf %add3A_645, %max3A_647 : vector<16xf32>
        %add3A_649 = arith.addf %add3A_545, %max3A_648 : vector<16xf32>
        %mul3A_650 = arith.constant 16 : i32
        %mul3A_651 = arith.muli %scan3A_123, %mul3A_650 : i32
        %add3A_652 = arith.constant 4 : i32
        %add3A_653 = arith.addi %mul3A_651, %add3A_652 : i32
        %get3A_654 = arith.index_cast %add3A_653 : i32 to index
        %get3A_655 = arith.constant 80 : index
        %get3A_656 = tpu.vector_load %arg7[%get3A_654, %get3A_655] {strides = array<i32>} : memref<512x128xf32, #tpu.memory_space<vmem>>, vector<1x16xf32>,
        %get3A_657 = vector.shape_cast %get3A_656 : vector<1x16xf32> to vector<16xf32>
        %add3A_658 = arith.addf %get3A_657, %get3A_161 : vector<16xf32>
        %max3A_659 = arith.constant 0.000000e+00 : f32
        %max3A_660 = vector.broadcast %max3A_659 : f32 to vector<16xf32>
        %max3A_661 = arith.maximumf %add3A_658, %max3A_660 : vector<16xf32>
        %add3A_662 = arith.addf %add3A_558, %max3A_661 : vector<16xf32>
        %mul3A_663 = arith.constant 16 : i32
        %mul3A_664 = arith.muli %scan3A_123, %mul3A_663 : i32
        %add3A_665 = arith.constant 4 : i32
        %add3A_666 = arith.addi %mul3A_664, %add3A_665 : i32
        %get3A_667 = arith.index_cast %add3A_666 : i32 to index
        %get3A_668 = arith.constant 96 : index
        %get3A_669 = tpu.vector_load %arg7[%get3A_667, %get3A_668] {strides = array<i32>} : memref<512x128xf32, #tpu.memory_space<vmem>>, vector<1x16xf32>,
        %get3A_670 = vector.shape_cast %get3A_669 : vector<1x16xf32> to vector<16xf32>
        %add3A_671 = arith.addf %get3A_670, %get3A_165 : vector<16xf32>
        %max3A_672 = arith.constant 0.000000e+00 : f32
        %max3A_673 = vector.broadcast %max3A_672 : f32 to vector<16xf32>
        %max3A_674 = arith.maximumf %add3A_671, %max3A_673 : vector<16xf32>
        %add3A_675 = arith.addf %add3A_571, %max3A_674 : vector<16xf32>
        %mul3A_676 = arith.constant 16 : i32
        %mul3A_677 = arith.muli %scan3A_123, %mul3A_676 : i32
        %add3A_678 = arith.constant 4 : i32
        %add3A_679 = arith.addi %mul3A_677, %add3A_678 : i32
        %get3A_680 = arith.index_cast %add3A_679 : i32 to index
        %get3A_681 = arith.constant 112 : index
        %get3A_682 = tpu.vector_load %arg7[%get3A_680, %get3A_681] {strides = array<i32>} : memref<512x128xf32, #tpu.memory_space<vmem>>, vector<1x16xf32>,
        %get3A_683 = vector.shape_cast %get3A_682 : vector<1x16xf32> to vector<16xf32>
        %add3A_684 = arith.addf %get3A_683, %get3A_169 : vector<16xf32>
        %max3A_685 = arith.constant 0.000000e+00 : f32
        %max3A_686 = vector.broadcast %max3A_685 : f32 to vector<16xf32>
        %max3A_687 = arith.maximumf %add3A_684, %max3A_686 : vector<16xf32>
        %add3A_688 = arith.addf %add3A_584, %max3A_687 : vector<16xf32>
        %mul3A_689 = arith.constant 16 : i32
        %mul3A_690 = arith.muli %scan3A_123, %mul3A_689 : i32
        %add3A_691 = arith.constant 5 : i32
        %add3A_692 = arith.addi %mul3A_690, %add3A_691 : i32
        %get3A_693 = arith.index_cast %add3A_692 : i32 to index
        %get3A_694 = arith.constant 0 : index
        %get3A_695 = tpu.vector_load %arg7[%get3A_693, %get3A_694] {strides = array<i32>} : memref<512x128xf32, #tpu.memory_space<vmem>>, vector<1x16xf32>,
        %get3A_696 = vector.shape_cast %get3A_695 : vector<1x16xf32> to vector<16xf32>
        %add3A_697 = arith.addf %get3A_696, %get3A_141 : vector<16xf32>
        %max3A_698 = arith.constant 0.000000e+00 : f32
        %max3A_699 = vector.broadcast %max3A_698 : f32 to vector<16xf32>
        %max3A_700 = arith.maximumf %add3A_697, %max3A_699 : vector<16xf32>
        %add3A_701 = arith.addf %add3A_597, %max3A_700 : vector<16xf32>
        %mul3A_702 = arith.constant 16 : i32
        %mul3A_703 = arith.muli %scan3A_123, %mul3A_702 : i32
        %add3A_704 = arith.constant 5 : i32
        %add3A_705 = arith.addi %mul3A_703, %add3A_704 : i32
        %get3A_706 = arith.index_cast %add3A_705 : i32 to index
        %get3A_707 = arith.constant 16 : index
        %get3A_708 = tpu.vector_load %arg7[%get3A_706, %get3A_707] {strides = array<i32>} : memref<512x128xf32, #tpu.memory_space<vmem>>, vector<1x16xf32>,
        %get3A_709 = vector.shape_cast %get3A_708 : vector<1x16xf32> to vector<16xf32>
        %add3A_710 = arith.addf %get3A_709, %get3A_145 : vector<16xf32>
        %max3A_711 = arith.constant 0.000000e+00 : f32
        %max3A_712 = vector.broadcast %max3A_711 : f32 to vector<16xf32>
        %max3A_713 = arith.maximumf %add3A_710, %max3A_712 : vector<16xf32>
        %add3A_714 = arith.addf %add3A_610, %max3A_713 : vector<16xf32>
        %mul3A_715 = arith.constant 16 : i32
        %mul3A_716 = arith.muli %scan3A_123, %mul3A_715 : i32
        %add3A_717 = arith.constant 5 : i32
        %add3A_718 = arith.addi %mul3A_716, %add3A_717 : i32
        %get3A_719 = arith.index_cast %add3A_718 : i32 to index
        %get3A_720 = arith.constant 32 : index
        %get3A_721 = tpu.vector_load %arg7[%get3A_719, %get3A_720] {strides = array<i32>} : memref<512x128xf32, #tpu.memory_space<vmem>>, vector<1x16xf32>,
        %get3A_722 = vector.shape_cast %get3A_721 : vector<1x16xf32> to vector<16xf32>
        %add3A_723 = arith.addf %get3A_722, %get3A_149 : vector<16xf32>
        %max3A_724 = arith.constant 0.000000e+00 : f32
        %max3A_725 = vector.broadcast %max3A_724 : f32 to vector<16xf32>
        %max3A_726 = arith.maximumf %add3A_723, %max3A_725 : vector<16xf32>
        %add3A_727 = arith.addf %add3A_623, %max3A_726 : vector<16xf32>
        %mul3A_728 = arith.constant 16 : i32
        %mul3A_729 = arith.muli %scan3A_123, %mul3A_728 : i32
        %add3A_730 = arith.constant 5 : i32
        %add3A_731 = arith.addi %mul3A_729, %add3A_730 : i32
        %get3A_732 = arith.index_cast %add3A_731 : i32 to index
        %get3A_733 = arith.constant 48 : index
        %get3A_734 = tpu.vector_load %arg7[%get3A_732, %get3A_733] {strides = array<i32>} : memref<512x128xf32, #tpu.memory_space<vmem>>, vector<1x16xf32>,
        %get3A_735 = vector.shape_cast %get3A_734 : vector<1x16xf32> to vector<16xf32>
        %add3A_736 = arith.addf %get3A_735, %get3A_153 : vector<16xf32>
        %max3A_737 = arith.constant 0.000000e+00 : f32
        %max3A_738 = vector.broadcast %max3A_737 : f32 to vector<16xf32>
        %max3A_739 = arith.maximumf %add3A_736, %max3A_738 : vector<16xf32>
        %add3A_740 = arith.addf %add3A_636, %max3A_739 : vector<16xf32>
        %mul3A_741 = arith.constant 16 : i32
        %mul3A_742 = arith.muli %scan3A_123, %mul3A_741 : i32
        %add3A_743 = arith.constant 5 : i32
        %add3A_744 = arith.addi %mul3A_742, %add3A_743 : i32
        %get3A_745 = arith.index_cast %add3A_744 : i32 to index
        %get3A_746 = arith.constant 64 : index
        %get3A_747 = tpu.vector_load %arg7[%get3A_745, %get3A_746] {strides = array<i32>} : memref<512x128xf32, #tpu.memory_space<vmem>>, vector<1x16xf32>,
        %get3A_748 = vector.shape_cast %get3A_747 : vector<1x16xf32> to vector<16xf32>
        %add3A_749 = arith.addf %get3A_748, %get3A_157 : vector<16xf32>
        %max3A_750 = arith.constant 0.000000e+00 : f32
        %max3A_751 = vector.broadcast %max3A_750 : f32 to vector<16xf32>
        %max3A_752 = arith.maximumf %add3A_749, %max3A_751 : vector<16xf32>
        %add3A_753 = arith.addf %add3A_649, %max3A_752 : vector<16xf32>
        %mul3A_754 = arith.constant 16 : i32
        %mul3A_755 = arith.muli %scan3A_123, %mul3A_754 : i32
        %add3A_756 = arith.constant 5 : i32
        %add3A_757 = arith.addi %mul3A_755, %add3A_756 : i32
        %get3A_758 = arith.index_cast %add3A_757 : i32 to index
        %get3A_759 = arith.constant 80 : index
        %get3A_760 = tpu.vector_load %arg7[%get3A_758, %get3A_759] {strides = array<i32>} : memref<512x128xf32, #tpu.memory_space<vmem>>, vector<1x16xf32>,
        %get3A_761 = vector.shape_cast %get3A_760 : vector<1x16xf32> to vector<16xf32>
        %add3A_762 = arith.addf %get3A_761, %get3A_161 : vector<16xf32>
        %max3A_763 = arith.constant 0.000000e+00 : f32
        %max3A_764 = vector.broadcast %max3A_763 : f32 to vector<16xf32>
        %max3A_765 = arith.maximumf %add3A_762, %max3A_764 : vector<16xf32>
        %add3A_766 = arith.addf %add3A_662, %max3A_765 : vector<16xf32>
        %mul3A_767 = arith.constant 16 : i32
        %mul3A_768 = arith.muli %scan3A_123, %mul3A_767 : i32
        %add3A_769 = arith.constant 5 : i32
        %add3A_770 = arith.addi %mul3A_768, %add3A_769 : i32
        %get3A_771 = arith.index_cast %add3A_770 : i32 to index
        %get3A_772 = arith.constant 96 : index
        %get3A_773 = tpu.vector_load %arg7[%get3A_771, %get3A_772] {strides = array<i32>} : memref<512x128xf32, #tpu.memory_space<vmem>>, vector<1x16xf32>,
        %get3A_774 = vector.shape_cast %get3A_773 : vector<1x16xf32> to vector<16xf32>
        %add3A_775 = arith.addf %get3A_774, %get3A_165 : vector<16xf32>
        %max3A_776 = arith.constant 0.000000e+00 : f32
        %max3A_777 = vector.broadcast %max3A_776 : f32 to vector<16xf32>
        %max3A_778 = arith.maximumf %add3A_775, %max3A_777 : vector<16xf32>
        %add3A_779 = arith.addf %add3A_675, %max3A_778 : vector<16xf32>
        %mul3A_780 = arith.constant 16 : i32
        %mul3A_781 = arith.muli %scan3A_123, %mul3A_780 : i32
        %add3A_782 = arith.constant 5 : i32
        %add3A_783 = arith.addi %mul3A_781, %add3A_782 : i32
        %get3A_784 = arith.index_cast %add3A_783 : i32 to index
        %get3A_785 = arith.constant 112 : index
        %get3A_786 = tpu.vector_load %arg7[%get3A_784, %get3A_785] {strides = array<i32>} : memref<512x128xf32, #tpu.memory_space<vmem>>, vector<1x16xf32>,
        %get3A_787 = vector.shape_cast %get3A_786 : vector<1x16xf32> to vector<16xf32>
        %add3A_788 = arith.addf %get3A_787, %get3A_169 : vector<16xf32>
        %max3A_789 = arith.constant 0.000000e+00 : f32
        %max3A_790 = vector.broadcast %max3A_789 : f32 to vector<16xf32>
        %max3A_791 = arith.maximumf %add3A_788, %max3A_790 : vector<16xf32>
        %add3A_792 = arith.addf %add3A_688, %max3A_791 : vector<16xf32>
        %mul3A_793 = arith.constant 16 : i32
        %mul3A_794 = arith.muli %scan3A_123, %mul3A_793 : i32
        %add3A_795 = arith.constant 6 : i32
        %add3A_796 = arith.addi %mul3A_794, %add3A_795 : i32
        %get3A_797 = arith.index_cast %add3A_796 : i32 to index
        %get3A_798 = arith.constant 0 : index
        %get3A_799 = tpu.vector_load %arg7[%get3A_797, %get3A_798] {strides = array<i32>} : memref<512x128xf32, #tpu.memory_space<vmem>>, vector<1x16xf32>,
        %get3A_800 = vector.shape_cast %get3A_799 : vector<1x16xf32> to vector<16xf32>
        %add3A_801 = arith.addf %get3A_800, %get3A_141 : vector<16xf32>
        %max3A_802 = arith.constant 0.000000e+00 : f32
        %max3A_803 = vector.broadcast %max3A_802 : f32 to vector<16xf32>
        %max3A_804 = arith.maximumf %add3A_801, %max3A_803 : vector<16xf32>
        %add3A_805 = arith.addf %add3A_701, %max3A_804 : vector<16xf32>
        %mul3A_806 = arith.constant 16 : i32
        %mul3A_807 = arith.muli %scan3A_123, %mul3A_806 : i32
        %add3A_808 = arith.constant 6 : i32
        %add3A_809 = arith.addi %mul3A_807, %add3A_808 : i32
        %get3A_810 = arith.index_cast %add3A_809 : i32 to index
        %get3A_811 = arith.constant 16 : index
        %get3A_812 = tpu.vector_load %arg7[%get3A_810, %get3A_811] {strides = array<i32>} : memref<512x128xf32, #tpu.memory_space<vmem>>, vector<1x16xf32>,
        %get3A_813 = vector.shape_cast %get3A_812 : vector<1x16xf32> to vector<16xf32>
        %add3A_814 = arith.addf %get3A_813, %get3A_145 : vector<16xf32>
        %max3A_815 = arith.constant 0.000000e+00 : f32
        %max3A_816 = vector.broadcast %max3A_815 : f32 to vector<16xf32>
        %max3A_817 = arith.maximumf %add3A_814, %max3A_816 : vector<16xf32>
        %add3A_818 = arith.addf %add3A_714, %max3A_817 : vector<16xf32>
        %mul3A_819 = arith.constant 16 : i32
        %mul3A_820 = arith.muli %scan3A_123, %mul3A_819 : i32
        %add3A_821 = arith.constant 6 : i32
        %add3A_822 = arith.addi %mul3A_820, %add3A_821 : i32
        %get3A_823 = arith.index_cast %add3A_822 : i32 to index
        %get3A_824 = arith.constant 32 : index
        %get3A_825 = tpu.vector_load %arg7[%get3A_823, %get3A_824] {strides = array<i32>} : memref<512x128xf32, #tpu.memory_space<vmem>>, vector<1x16xf32>,
        %get3A_826 = vector.shape_cast %get3A_825 : vector<1x16xf32> to vector<16xf32>
        %add3A_827 = arith.addf %get3A_826, %get3A_149 : vector<16xf32>
        %max3A_828 = arith.constant 0.000000e+00 : f32
        %max3A_829 = vector.broadcast %max3A_828 : f32 to vector<16xf32>
        %max3A_830 = arith.maximumf %add3A_827, %max3A_829 : vector<16xf32>
        %add3A_831 = arith.addf %add3A_727, %max3A_830 : vector<16xf32>
        %mul3A_832 = arith.constant 16 : i32
        %mul3A_833 = arith.muli %scan3A_123, %mul3A_832 : i32
        %add3A_834 = arith.constant 6 : i32
        %add3A_835 = arith.addi %mul3A_833, %add3A_834 : i32
        %get3A_836 = arith.index_cast %add3A_835 : i32 to index
        %get3A_837 = arith.constant 48 : index
        %get3A_838 = tpu.vector_load %arg7[%get3A_836, %get3A_837] {strides = array<i32>} : memref<512x128xf32, #tpu.memory_space<vmem>>, vector<1x16xf32>,
        %get3A_839 = vector.shape_cast %get3A_838 : vector<1x16xf32> to vector<16xf32>
        %add3A_840 = arith.addf %get3A_839, %get3A_153 : vector<16xf32>
        %max3A_841 = arith.constant 0.000000e+00 : f32
        %max3A_842 = vector.broadcast %max3A_841 : f32 to vector<16xf32>
        %max3A_843 = arith.maximumf %add3A_840, %max3A_842 : vector<16xf32>
        %add3A_844 = arith.addf %add3A_740, %max3A_843 : vector<16xf32>
        %mul3A_845 = arith.constant 16 : i32
        %mul3A_846 = arith.muli %scan3A_123, %mul3A_845 : i32
        %add3A_847 = arith.constant 6 : i32
        %add3A_848 = arith.addi %mul3A_846, %add3A_847 : i32
        %get3A_849 = arith.index_cast %add3A_848 : i32 to index
        %get3A_850 = arith.constant 64 : index
        %get3A_851 = tpu.vector_load %arg7[%get3A_849, %get3A_850] {strides = array<i32>} : memref<512x128xf32, #tpu.memory_space<vmem>>, vector<1x16xf32>,
        %get3A_852 = vector.shape_cast %get3A_851 : vector<1x16xf32> to vector<16xf32>
        %add3A_853 = arith.addf %get3A_852, %get3A_157 : vector<16xf32>
        %max3A_854 = arith.constant 0.000000e+00 : f32
        %max3A_855 = vector.broadcast %max3A_854 : f32 to vector<16xf32>
        %max3A_856 = arith.maximumf %add3A_853, %max3A_855 : vector<16xf32>
        %add3A_857 = arith.addf %add3A_753, %max3A_856 : vector<16xf32>
        %mul3A_858 = arith.constant 16 : i32
        %mul3A_859 = arith.muli %scan3A_123, %mul3A_858 : i32
        %add3A_860 = arith.constant 6 : i32
        %add3A_861 = arith.addi %mul3A_859, %add3A_860 : i32
        %get3A_862 = arith.index_cast %add3A_861 : i32 to index
        %get3A_863 = arith.constant 80 : index
        %get3A_864 = tpu.vector_load %arg7[%get3A_862, %get3A_863] {strides = array<i32>} : memref<512x128xf32, #tpu.memory_space<vmem>>, vector<1x16xf32>,
        %get3A_865 = vector.shape_cast %get3A_864 : vector<1x16xf32> to vector<16xf32>
        %add3A_866 = arith.addf %get3A_865, %get3A_161 : vector<16xf32>
        %max3A_867 = arith.constant 0.000000e+00 : f32
        %max3A_868 = vector.broadcast %max3A_867 : f32 to vector<16xf32>
        %max3A_869 = arith.maximumf %add3A_866, %max3A_868 : vector<16xf32>
        %add3A_870 = arith.addf %add3A_766, %max3A_869 : vector<16xf32>
        %mul3A_871 = arith.constant 16 : i32
        %mul3A_872 = arith.muli %scan3A_123, %mul3A_871 : i32
        %add3A_873 = arith.constant 6 : i32
        %add3A_874 = arith.addi %mul3A_872, %add3A_873 : i32
        %get3A_875 = arith.index_cast %add3A_874 : i32 to index
        %get3A_876 = arith.constant 96 : index
        %get3A_877 = tpu.vector_load %arg7[%get3A_875, %get3A_876] {strides = array<i32>} : memref<512x128xf32, #tpu.memory_space<vmem>>, vector<1x16xf32>,
        %get3A_878 = vector.shape_cast %get3A_877 : vector<1x16xf32> to vector<16xf32>
        %add3A_879 = arith.addf %get3A_878, %get3A_165 : vector<16xf32>
        %max3A_880 = arith.constant 0.000000e+00 : f32
        %max3A_881 = vector.broadcast %max3A_880 : f32 to vector<16xf32>
        %max3A_882 = arith.maximumf %add3A_879, %max3A_881 : vector<16xf32>
        %add3A_883 = arith.addf %add3A_779, %max3A_882 : vector<16xf32>
        %mul3A_884 = arith.constant 16 : i32
        %mul3A_885 = arith.muli %scan3A_123, %mul3A_884 : i32
        %add3A_886 = arith.constant 6 : i32
        %add3A_887 = arith.addi %mul3A_885, %add3A_886 : i32
        %get3A_888 = arith.index_cast %add3A_887 : i32 to index
        %get3A_889 = arith.constant 112 : index
        %get3A_890 = tpu.vector_load %arg7[%get3A_888, %get3A_889] {strides = array<i32>} : memref<512x128xf32, #tpu.memory_space<vmem>>, vector<1x16xf32>,
        %get3A_891 = vector.shape_cast %get3A_890 : vector<1x16xf32> to vector<16xf32>
        %add3A_892 = arith.addf %get3A_891, %get3A_169 : vector<16xf32>
        %max3A_893 = arith.constant 0.000000e+00 : f32
        %max3A_894 = vector.broadcast %max3A_893 : f32 to vector<16xf32>
        %max3A_895 = arith.maximumf %add3A_892, %max3A_894 : vector<16xf32>
        %add3A_896 = arith.addf %add3A_792, %max3A_895 : vector<16xf32>
        %mul3A_897 = arith.constant 16 : i32
        %mul3A_898 = arith.muli %scan3A_123, %mul3A_897 : i32
        %add3A_899 = arith.constant 7 : i32
        %add3A_900 = arith.addi %mul3A_898, %add3A_899 : i32
        %get3A_901 = arith.index_cast %add3A_900 : i32 to index
        %get3A_902 = arith.constant 0 : index
        %get3A_903 = tpu.vector_load %arg7[%get3A_901, %get3A_902] {strides = array<i32>} : memref<512x128xf32, #tpu.memory_space<vmem>>, vector<1x16xf32>,
        %get3A_904 = vector.shape_cast %get3A_903 : vector<1x16xf32> to vector<16xf32>
        %add3A_905 = arith.addf %get3A_904, %get3A_141 : vector<16xf32>
        %max3A_906 = arith.constant 0.000000e+00 : f32
        %max3A_907 = vector.broadcast %max3A_906 : f32 to vector<16xf32>
        %max3A_908 = arith.maximumf %add3A_905, %max3A_907 : vector<16xf32>
        %add3A_909 = arith.addf %add3A_805, %max3A_908 : vector<16xf32>
        %mul3A_910 = arith.constant 16 : i32
        %mul3A_911 = arith.muli %scan3A_123, %mul3A_910 : i32
        %add3A_912 = arith.constant 7 : i32
        %add3A_913 = arith.addi %mul3A_911, %add3A_912 : i32
        %get3A_914 = arith.index_cast %add3A_913 : i32 to index
        %get3A_915 = arith.constant 16 : index
        %get3A_916 = tpu.vector_load %arg7[%get3A_914, %get3A_915] {strides = array<i32>} : memref<512x128xf32, #tpu.memory_space<vmem>>, vector<1x16xf32>,
        %get3A_917 = vector.shape_cast %get3A_916 : vector<1x16xf32> to vector<16xf32>
        %add3A_918 = arith.addf %get3A_917, %get3A_145 : vector<16xf32>
        %max3A_919 = arith.constant 0.000000e+00 : f32
        %max3A_920 = vector.broadcast %max3A_919 : f32 to vector<16xf32>
        %max3A_921 = arith.maximumf %add3A_918, %max3A_920 : vector<16xf32>
        %add3A_922 = arith.addf %add3A_818, %max3A_921 : vector<16xf32>
        %mul3A_923 = arith.constant 16 : i32
        %mul3A_924 = arith.muli %scan3A_123, %mul3A_923 : i32
        %add3A_925 = arith.constant 7 : i32
        %add3A_926 = arith.addi %mul3A_924, %add3A_925 : i32
        %get3A_927 = arith.index_cast %add3A_926 : i32 to index
        %get3A_928 = arith.constant 32 : index
        %get3A_929 = tpu.vector_load %arg7[%get3A_927, %get3A_928] {strides = array<i32>} : memref<512x128xf32, #tpu.memory_space<vmem>>, vector<1x16xf32>,
        %get3A_930 = vector.shape_cast %get3A_929 : vector<1x16xf32> to vector<16xf32>
        %add3A_931 = arith.addf %get3A_930, %get3A_149 : vector<16xf32>
        %max3A_932 = arith.constant 0.000000e+00 : f32
        %max3A_933 = vector.broadcast %max3A_932 : f32 to vector<16xf32>
        %max3A_934 = arith.maximumf %add3A_931, %max3A_933 : vector<16xf32>
        %add3A_935 = arith.addf %add3A_831, %max3A_934 : vector<16xf32>
        %mul3A_936 = arith.constant 16 : i32
        %mul3A_937 = arith.muli %scan3A_123, %mul3A_936 : i32
        %add3A_938 = arith.constant 7 : i32
        %add3A_939 = arith.addi %mul3A_937, %add3A_938 : i32
        %get3A_940 = arith.index_cast %add3A_939 : i32 to index
        %get3A_941 = arith.constant 48 : index
        %get3A_942 = tpu.vector_load %arg7[%get3A_940, %get3A_941] {strides = array<i32>} : memref<512x128xf32, #tpu.memory_space<vmem>>, vector<1x16xf32>,
        %get3A_943 = vector.shape_cast %get3A_942 : vector<1x16xf32> to vector<16xf32>
        %add3A_944 = arith.addf %get3A_943, %get3A_153 : vector<16xf32>
        %max3A_945 = arith.constant 0.000000e+00 : f32
        %max3A_946 = vector.broadcast %max3A_945 : f32 to vector<16xf32>
        %max3A_947 = arith.maximumf %add3A_944, %max3A_946 : vector<16xf32>
        %add3A_948 = arith.addf %add3A_844, %max3A_947 : vector<16xf32>
        %mul3A_949 = arith.constant 16 : i32
        %mul3A_950 = arith.muli %scan3A_123, %mul3A_949 : i32
        %add3A_951 = arith.constant 7 : i32
        %add3A_952 = arith.addi %mul3A_950, %add3A_951 : i32
        %get3A_953 = arith.index_cast %add3A_952 : i32 to index
        %get3A_954 = arith.constant 64 : index
        %get3A_955 = tpu.vector_load %arg7[%get3A_953, %get3A_954] {strides = array<i32>} : memref<512x128xf32, #tpu.memory_space<vmem>>, vector<1x16xf32>,
        %get3A_956 = vector.shape_cast %get3A_955 : vector<1x16xf32> to vector<16xf32>
        %add3A_957 = arith.addf %get3A_956, %get3A_157 : vector<16xf32>
        %max3A_958 = arith.constant 0.000000e+00 : f32
        %max3A_959 = vector.broadcast %max3A_958 : f32 to vector<16xf32>
        %max3A_960 = arith.maximumf %add3A_957, %max3A_959 : vector<16xf32>
        %add3A_961 = arith.addf %add3A_857, %max3A_960 : vector<16xf32>
        %mul3A_962 = arith.constant 16 : i32
        %mul3A_963 = arith.muli %scan3A_123, %mul3A_962 : i32
        %add3A_964 = arith.constant 7 : i32
        %add3A_965 = arith.addi %mul3A_963, %add3A_964 : i32
        %get3A_966 = arith.index_cast %add3A_965 : i32 to index
        %get3A_967 = arith.constant 80 : index
        %get3A_968 = tpu.vector_load %arg7[%get3A_966, %get3A_967] {strides = array<i32>} : memref<512x128xf32, #tpu.memory_space<vmem>>, vector<1x16xf32>,
        %get3A_969 = vector.shape_cast %get3A_968 : vector<1x16xf32> to vector<16xf32>
        %add3A_970 = arith.addf %get3A_969, %get3A_161 : vector<16xf32>
        %max3A_971 = arith.constant 0.000000e+00 : f32
        %max3A_972 = vector.broadcast %max3A_971 : f32 to vector<16xf32>
        %max3A_973 = arith.maximumf %add3A_970, %max3A_972 : vector<16xf32>
        %add3A_974 = arith.addf %add3A_870, %max3A_973 : vector<16xf32>
        %mul3A_975 = arith.constant 16 : i32
        %mul3A_976 = arith.muli %scan3A_123, %mul3A_975 : i32
        %add3A_977 = arith.constant 7 : i32
        %add3A_978 = arith.addi %mul3A_976, %add3A_977 : i32
        %get3A_979 = arith.index_cast %add3A_978 : i32 to index
        %get3A_980 = arith.constant 96 : index
        %get3A_981 = tpu.vector_load %arg7[%get3A_979, %get3A_980] {strides = array<i32>} : memref<512x128xf32, #tpu.memory_space<vmem>>, vector<1x16xf32>,
        %get3A_982 = vector.shape_cast %get3A_981 : vector<1x16xf32> to vector<16xf32>
        %add3A_983 = arith.addf %get3A_982, %get3A_165 : vector<16xf32>
        %max3A_984 = arith.constant 0.000000e+00 : f32
        %max3A_985 = vector.broadcast %max3A_984 : f32 to vector<16xf32>
        %max3A_986 = arith.maximumf %add3A_983, %max3A_985 : vector<16xf32>
        %add3A_987 = arith.addf %add3A_883, %max3A_986 : vector<16xf32>
        %mul3A_988 = arith.constant 16 : i32
        %mul3A_989 = arith.muli %scan3A_123, %mul3A_988 : i32
        %add3A_990 = arith.constant 7 : i32
        %add3A_991 = arith.addi %mul3A_989, %add3A_990 : i32
        %get3A_992 = arith.index_cast %add3A_991 : i32 to index
        %get3A_993 = arith.constant 112 : index
        %get3A_994 = tpu.vector_load %arg7[%get3A_992, %get3A_993] {strides = array<i32>} : memref<512x128xf32, #tpu.memory_space<vmem>>, vector<1x16xf32>,
        %get3A_995 = vector.shape_cast %get3A_994 : vector<1x16xf32> to vector<16xf32>
        %add3A_996 = arith.addf %get3A_995, %get3A_169 : vector<16xf32>
        %max3A_997 = arith.constant 0.000000e+00 : f32
        %max3A_998 = vector.broadcast %max3A_997 : f32 to vector<16xf32>
        %max3A_999 = arith.maximumf %add3A_996, %max3A_998 : vector<16xf32>
        %add3A_1000 = arith.addf %add3A_896, %max3A_999 : vector<16xf32>
        %mul3A_1001 = arith.constant 16 : i32
        %mul3A_1002 = arith.muli %scan3A_123, %mul3A_1001 : i32
        %add3A_1003 = arith.constant 8 : i32
        %add3A_1004 = arith.addi %mul3A_1002, %add3A_1003 : i32
        %get3A_1005 = arith.index_cast %add3A_1004 : i32 to index
        %get3A_1006 = arith.constant 0 : index
        %get3A_1007 = tpu.vector_load %arg7[%get3A_1005, %get3A_1006] {strides = array<i32>} : memref<512x128xf32, #tpu.memory_space<vmem>>, vector<1x16xf32>,
        %get3A_1008 = vector.shape_cast %get3A_1007 : vector<1x16xf32> to vector<16xf32>
        %add3A_1009 = arith.addf %get3A_1008, %get3A_141 : vector<16xf32>
        %max3A_1010 = arith.constant 0.000000e+00 : f32
        %max3A_1011 = vector.broadcast %max3A_1010 : f32 to vector<16xf32>
        %max3A_1012 = arith.maximumf %add3A_1009, %max3A_1011 : vector<16xf32>
        %add3A_1013 = arith.addf %add3A_909, %max3A_1012 : vector<16xf32>
        %mul3A_1014 = arith.constant 16 : i32
        %mul3A_1015 = arith.muli %scan3A_123, %mul3A_1014 : i32
        %add3A_1016 = arith.constant 8 : i32
        %add3A_1017 = arith.addi %mul3A_1015, %add3A_1016 : i32
        %get3A_1018 = arith.index_cast %add3A_1017 : i32 to index
        %get3A_1019 = arith.constant 16 : index
        %get3A_1020 = tpu.vector_load %arg7[%get3A_1018, %get3A_1019] {strides = array<i32>} : memref<512x128xf32, #tpu.memory_space<vmem>>, vector<1x16xf32>,
        %get3A_1021 = vector.shape_cast %get3A_1020 : vector<1x16xf32> to vector<16xf32>
        %add3A_1022 = arith.addf %get3A_1021, %get3A_145 : vector<16xf32>
        %max3A_1023 = arith.constant 0.000000e+00 : f32
        %max3A_1024 = vector.broadcast %max3A_1023 : f32 to vector<16xf32>
        %max3A_1025 = arith.maximumf %add3A_1022, %max3A_1024 : vector<16xf32>
        %add3A_1026 = arith.addf %add3A_922, %max3A_1025 : vector<16xf32>
        %mul3A_1027 = arith.constant 16 : i32
        %mul3A_1028 = arith.muli %scan3A_123, %mul3A_1027 : i32
        %add3A_1029 = arith.constant 8 : i32
        %add3A_1030 = arith.addi %mul3A_1028, %add3A_1029 : i32
        %get3A_1031 = arith.index_cast %add3A_1030 : i32 to index
        %get3A_1032 = arith.constant 32 : index
        %get3A_1033 = tpu.vector_load %arg7[%get3A_1031, %get3A_1032] {strides = array<i32>} : memref<512x128xf32, #tpu.memory_space<vmem>>, vector<1x16xf32>,
        %get3A_1034 = vector.shape_cast %get3A_1033 : vector<1x16xf32> to vector<16xf32>
        %add3A_1035 = arith.addf %get3A_1034, %get3A_149 : vector<16xf32>
        %max3A_1036 = arith.constant 0.000000e+00 : f32
        %max3A_1037 = vector.broadcast %max3A_1036 : f32 to vector<16xf32>
        %max3A_1038 = arith.maximumf %add3A_1035, %max3A_1037 : vector<16xf32>
        %add3A_1039 = arith.addf %add3A_935, %max3A_1038 : vector<16xf32>
        %mul3A_1040 = arith.constant 16 : i32
        %mul3A_1041 = arith.muli %scan3A_123, %mul3A_1040 : i32
        %add3A_1042 = arith.constant 8 : i32
        %add3A_1043 = arith.addi %mul3A_1041, %add3A_1042 : i32
        %get3A_1044 = arith.index_cast %add3A_1043 : i32 to index
        %get3A_1045 = arith.constant 48 : index
        %get3A_1046 = tpu.vector_load %arg7[%get3A_1044, %get3A_1045] {strides = array<i32>} : memref<512x128xf32, #tpu.memory_space<vmem>>, vector<1x16xf32>,
        %get3A_1047 = vector.shape_cast %get3A_1046 : vector<1x16xf32> to vector<16xf32>
        %add3A_1048 = arith.addf %get3A_1047, %get3A_153 : vector<16xf32>
        %max3A_1049 = arith.constant 0.000000e+00 : f32
        %max3A_1050 = vector.broadcast %max3A_1049 : f32 to vector<16xf32>
        %max3A_1051 = arith.maximumf %add3A_1048, %max3A_1050 : vector<16xf32>
        %add3A_1052 = arith.addf %add3A_948, %max3A_1051 : vector<16xf32>
        %mul3A_1053 = arith.constant 16 : i32
        %mul3A_1054 = arith.muli %scan3A_123, %mul3A_1053 : i32
        %add3A_1055 = arith.constant 8 : i32
        %add3A_1056 = arith.addi %mul3A_1054, %add3A_1055 : i32
        %get3A_1057 = arith.index_cast %add3A_1056 : i32 to index
        %get3A_1058 = arith.constant 64 : index
        %get3A_1059 = tpu.vector_load %arg7[%get3A_1057, %get3A_1058] {strides = array<i32>} : memref<512x128xf32, #tpu.memory_space<vmem>>, vector<1x16xf32>,
        %get3A_1060 = vector.shape_cast %get3A_1059 : vector<1x16xf32> to vector<16xf32>
        %add3A_1061 = arith.addf %get3A_1060, %get3A_157 : vector<16xf32>
        %max3A_1062 = arith.constant 0.000000e+00 : f32
        %max3A_1063 = vector.broadcast %max3A_1062 : f32 to vector<16xf32>
        %max3A_1064 = arith.maximumf %add3A_1061, %max3A_1063 : vector<16xf32>
        %add3A_1065 = arith.addf %add3A_961, %max3A_1064 : vector<16xf32>
        %mul3A_1066 = arith.constant 16 : i32
        %mul3A_1067 = arith.muli %scan3A_123, %mul3A_1066 : i32
        %add3A_1068 = arith.constant 8 : i32
        %add3A_1069 = arith.addi %mul3A_1067, %add3A_1068 : i32
        %get3A_1070 = arith.index_cast %add3A_1069 : i32 to index
        %get3A_1071 = arith.constant 80 : index
        %get3A_1072 = tpu.vector_load %arg7[%get3A_1070, %get3A_1071] {strides = array<i32>} : memref<512x128xf32, #tpu.memory_space<vmem>>, vector<1x16xf32>,
        %get3A_1073 = vector.shape_cast %get3A_1072 : vector<1x16xf32> to vector<16xf32>
        %add3A_1074 = arith.addf %get3A_1073, %get3A_161 : vector<16xf32>
        %max3A_1075 = arith.constant 0.000000e+00 : f32
        %max3A_1076 = vector.broadcast %max3A_1075 : f32 to vector<16xf32>
        %max3A_1077 = arith.maximumf %add3A_1074, %max3A_1076 : vector<16xf32>
        %add3A_1078 = arith.addf %add3A_974, %max3A_1077 : vector<16xf32>
        %mul3A_1079 = arith.constant 16 : i32
        %mul3A_1080 = arith.muli %scan3A_123, %mul3A_1079 : i32
        %add3A_1081 = arith.constant 8 : i32
        %add3A_1082 = arith.addi %mul3A_1080, %add3A_1081 : i32
        %get3A_1083 = arith.index_cast %add3A_1082 : i32 to index
        %get3A_1084 = arith.constant 96 : index
        %get3A_1085 = tpu.vector_load %arg7[%get3A_1083, %get3A_1084] {strides = array<i32>} : memref<512x128xf32, #tpu.memory_space<vmem>>, vector<1x16xf32>,
        %get3A_1086 = vector.shape_cast %get3A_1085 : vector<1x16xf32> to vector<16xf32>
        %add3A_1087 = arith.addf %get3A_1086, %get3A_165 : vector<16xf32>
        %max3A_1088 = arith.constant 0.000000e+00 : f32
        %max3A_1089 = vector.broadcast %max3A_1088 : f32 to vector<16xf32>
        %max3A_1090 = arith.maximumf %add3A_1087, %max3A_1089 : vector<16xf32>
        %add3A_1091 = arith.addf %add3A_987, %max3A_1090 : vector<16xf32>
        %mul3A_1092 = arith.constant 16 : i32
        %mul3A_1093 = arith.muli %scan3A_123, %mul3A_1092 : i32
        %add3A_1094 = arith.constant 8 : i32
        %add3A_1095 = arith.addi %mul3A_1093, %add3A_1094 : i32
        %get3A_1096 = arith.index_cast %add3A_1095 : i32 to index
        %get3A_1097 = arith.constant 112 : index
        %get3A_1098 = tpu.vector_load %arg7[%get3A_1096, %get3A_1097] {strides = array<i32>} : memref<512x128xf32, #tpu.memory_space<vmem>>, vector<1x16xf32>,
        %get3A_1099 = vector.shape_cast %get3A_1098 : vector<1x16xf32> to vector<16xf32>
        %add3A_1100 = arith.addf %get3A_1099, %get3A_169 : vector<16xf32>
        %max3A_1101 = arith.constant 0.000000e+00 : f32
        %max3A_1102 = vector.broadcast %max3A_1101 : f32 to vector<16xf32>
        %max3A_1103 = arith.maximumf %add3A_1100, %max3A_1102 : vector<16xf32>
        %add3A_1104 = arith.addf %add3A_1000, %max3A_1103 : vector<16xf32>
        %mul3A_1105 = arith.constant 16 : i32
        %mul3A_1106 = arith.muli %scan3A_123, %mul3A_1105 : i32
        %add3A_1107 = arith.constant 9 : i32
        %add3A_1108 = arith.addi %mul3A_1106, %add3A_1107 : i32
        %get3A_1109 = arith.index_cast %add3A_1108 : i32 to index
        %get3A_1110 = arith.constant 0 : index
        %get3A_1111 = tpu.vector_load %arg7[%get3A_1109, %get3A_1110] {strides = array<i32>} : memref<512x128xf32, #tpu.memory_space<vmem>>, vector<1x16xf32>,
        %get3A_1112 = vector.shape_cast %get3A_1111 : vector<1x16xf32> to vector<16xf32>
        %add3A_1113 = arith.addf %get3A_1112, %get3A_141 : vector<16xf32>
        %max3A_1114 = arith.constant 0.000000e+00 : f32
        %max3A_1115 = vector.broadcast %max3A_1114 : f32 to vector<16xf32>
        %max3A_1116 = arith.maximumf %add3A_1113, %max3A_1115 : vector<16xf32>
        %add3A_1117 = arith.addf %add3A_1013, %max3A_1116 : vector<16xf32>
        %mul3A_1118 = arith.constant 16 : i32
        %mul3A_1119 = arith.muli %scan3A_123, %mul3A_1118 : i32
        %add3A_1120 = arith.constant 9 : i32
        %add3A_1121 = arith.addi %mul3A_1119, %add3A_1120 : i32
        %get3A_1122 = arith.index_cast %add3A_1121 : i32 to index
        %get3A_1123 = arith.constant 16 : index
        %get3A_1124 = tpu.vector_load %arg7[%get3A_1122, %get3A_1123] {strides = array<i32>} : memref<512x128xf32, #tpu.memory_space<vmem>>, vector<1x16xf32>,
        %get3A_1125 = vector.shape_cast %get3A_1124 : vector<1x16xf32> to vector<16xf32>
        %add3A_1126 = arith.addf %get3A_1125, %get3A_145 : vector<16xf32>
        %max3A_1127 = arith.constant 0.000000e+00 : f32
        %max3A_1128 = vector.broadcast %max3A_1127 : f32 to vector<16xf32>
        %max3A_1129 = arith.maximumf %add3A_1126, %max3A_1128 : vector<16xf32>
        %add3A_1130 = arith.addf %add3A_1026, %max3A_1129 : vector<16xf32>
        %mul3A_1131 = arith.constant 16 : i32
        %mul3A_1132 = arith.muli %scan3A_123, %mul3A_1131 : i32
        %add3A_1133 = arith.constant 9 : i32
        %add3A_1134 = arith.addi %mul3A_1132, %add3A_1133 : i32
        %get3A_1135 = arith.index_cast %add3A_1134 : i32 to index
        %get3A_1136 = arith.constant 32 : index
        %get3A_1137 = tpu.vector_load %arg7[%get3A_1135, %get3A_1136] {strides = array<i32>} : memref<512x128xf32, #tpu.memory_space<vmem>>, vector<1x16xf32>,
        %get3A_1138 = vector.shape_cast %get3A_1137 : vector<1x16xf32> to vector<16xf32>
        %add3A_1139 = arith.addf %get3A_1138, %get3A_149 : vector<16xf32>
        %max3A_1140 = arith.constant 0.000000e+00 : f32
        %max3A_1141 = vector.broadcast %max3A_1140 : f32 to vector<16xf32>
        %max3A_1142 = arith.maximumf %add3A_1139, %max3A_1141 : vector<16xf32>
        %add3A_1143 = arith.addf %add3A_1039, %max3A_1142 : vector<16xf32>
        %mul3A_1144 = arith.constant 16 : i32
        %mul3A_1145 = arith.muli %scan3A_123, %mul3A_1144 : i32
        %add3A_1146 = arith.constant 9 : i32
        %add3A_1147 = arith.addi %mul3A_1145, %add3A_1146 : i32
        %get3A_1148 = arith.index_cast %add3A_1147 : i32 to index
        %get3A_1149 = arith.constant 48 : index
        %get3A_1150 = tpu.vector_load %arg7[%get3A_1148, %get3A_1149] {strides = array<i32>} : memref<512x128xf32, #tpu.memory_space<vmem>>, vector<1x16xf32>,
        %get3A_1151 = vector.shape_cast %get3A_1150 : vector<1x16xf32> to vector<16xf32>
        %add3A_1152 = arith.addf %get3A_1151, %get3A_153 : vector<16xf32>
        %max3A_1153 = arith.constant 0.000000e+00 : f32
        %max3A_1154 = vector.broadcast %max3A_1153 : f32 to vector<16xf32>
        %max3A_1155 = arith.maximumf %add3A_1152, %max3A_1154 : vector<16xf32>
        %add3A_1156 = arith.addf %add3A_1052, %max3A_1155 : vector<16xf32>
        %mul3A_1157 = arith.constant 16 : i32
        %mul3A_1158 = arith.muli %scan3A_123, %mul3A_1157 : i32
        %add3A_1159 = arith.constant 9 : i32
        %add3A_1160 = arith.addi %mul3A_1158, %add3A_1159 : i32
        %get3A_1161 = arith.index_cast %add3A_1160 : i32 to index
        %get3A_1162 = arith.constant 64 : index
        %get3A_1163 = tpu.vector_load %arg7[%get3A_1161, %get3A_1162] {strides = array<i32>} : memref<512x128xf32, #tpu.memory_space<vmem>>, vector<1x16xf32>,
        %get3A_1164 = vector.shape_cast %get3A_1163 : vector<1x16xf32> to vector<16xf32>
        %add3A_1165 = arith.addf %get3A_1164, %get3A_157 : vector<16xf32>
        %max3A_1166 = arith.constant 0.000000e+00 : f32
        %max3A_1167 = vector.broadcast %max3A_1166 : f32 to vector<16xf32>
        %max3A_1168 = arith.maximumf %add3A_1165, %max3A_1167 : vector<16xf32>
        %add3A_1169 = arith.addf %add3A_1065, %max3A_1168 : vector<16xf32>
        %mul3A_1170 = arith.constant 16 : i32
        %mul3A_1171 = arith.muli %scan3A_123, %mul3A_1170 : i32
        %add3A_1172 = arith.constant 9 : i32
        %add3A_1173 = arith.addi %mul3A_1171, %add3A_1172 : i32
        %get3A_1174 = arith.index_cast %add3A_1173 : i32 to index
        %get3A_1175 = arith.constant 80 : index
        %get3A_1176 = tpu.vector_load %arg7[%get3A_1174, %get3A_1175] {strides = array<i32>} : memref<512x128xf32, #tpu.memory_space<vmem>>, vector<1x16xf32>,
        %get3A_1177 = vector.shape_cast %get3A_1176 : vector<1x16xf32> to vector<16xf32>
        %add3A_1178 = arith.addf %get3A_1177, %get3A_161 : vector<16xf32>
        %max3A_1179 = arith.constant 0.000000e+00 : f32
        %max3A_1180 = vector.broadcast %max3A_1179 : f32 to vector<16xf32>
        %max3A_1181 = arith.maximumf %add3A_1178, %max3A_1180 : vector<16xf32>
        %add3A_1182 = arith.addf %add3A_1078, %max3A_1181 : vector<16xf32>
        %mul3A_1183 = arith.constant 16 : i32
        %mul3A_1184 = arith.muli %scan3A_123, %mul3A_1183 : i32
        %add3A_1185 = arith.constant 9 : i32
        %add3A_1186 = arith.addi %mul3A_1184, %add3A_1185 : i32
        %get3A_1187 = arith.index_cast %add3A_1186 : i32 to index
        %get3A_1188 = arith.constant 96 : index
        %get3A_1189 = tpu.vector_load %arg7[%get3A_1187, %get3A_1188] {strides = array<i32>} : memref<512x128xf32, #tpu.memory_space<vmem>>, vector<1x16xf32>,
        %get3A_1190 = vector.shape_cast %get3A_1189 : vector<1x16xf32> to vector<16xf32>
        %add3A_1191 = arith.addf %get3A_1190, %get3A_165 : vector<16xf32>
        %max3A_1192 = arith.constant 0.000000e+00 : f32
        %max3A_1193 = vector.broadcast %max3A_1192 : f32 to vector<16xf32>
        %max3A_1194 = arith.maximumf %add3A_1191, %max3A_1193 : vector<16xf32>
        %add3A_1195 = arith.addf %add3A_1091, %max3A_1194 : vector<16xf32>
        %mul3A_1196 = arith.constant 16 : i32
        %mul3A_1197 = arith.muli %scan3A_123, %mul3A_1196 : i32
        %add3A_1198 = arith.constant 9 : i32
        %add3A_1199 = arith.addi %mul3A_1197, %add3A_1198 : i32
        %get3A_1200 = arith.index_cast %add3A_1199 : i32 to index
        %get3A_1201 = arith.constant 112 : index
        %get3A_1202 = tpu.vector_load %arg7[%get3A_1200, %get3A_1201] {strides = array<i32>} : memref<512x128xf32, #tpu.memory_space<vmem>>, vector<1x16xf32>,
        %get3A_1203 = vector.shape_cast %get3A_1202 : vector<1x16xf32> to vector<16xf32>
        %add3A_1204 = arith.addf %get3A_1203, %get3A_169 : vector<16xf32>
        %max3A_1205 = arith.constant 0.000000e+00 : f32
        %max3A_1206 = vector.broadcast %max3A_1205 : f32 to vector<16xf32>
        %max3A_1207 = arith.maximumf %add3A_1204, %max3A_1206 : vector<16xf32>
        %add3A_1208 = arith.addf %add3A_1104, %max3A_1207 : vector<16xf32>
        %mul3A_1209 = arith.constant 16 : i32
        %mul3A_1210 = arith.muli %scan3A_123, %mul3A_1209 : i32
        %add3A_1211 = arith.constant 10 : i32
        %add3A_1212 = arith.addi %mul3A_1210, %add3A_1211 : i32
        %get3A_1213 = arith.index_cast %add3A_1212 : i32 to index
        %get3A_1214 = arith.constant 0 : index
        %get3A_1215 = tpu.vector_load %arg7[%get3A_1213, %get3A_1214] {strides = array<i32>} : memref<512x128xf32, #tpu.memory_space<vmem>>, vector<1x16xf32>,
        %get3A_1216 = vector.shape_cast %get3A_1215 : vector<1x16xf32> to vector<16xf32>
        %add3A_1217 = arith.addf %get3A_1216, %get3A_141 : vector<16xf32>
        %max3A_1218 = arith.constant 0.000000e+00 : f32
        %max3A_1219 = vector.broadcast %max3A_1218 : f32 to vector<16xf32>
        %max3A_1220 = arith.maximumf %add3A_1217, %max3A_1219 : vector<16xf32>
        %add3A_1221 = arith.addf %add3A_1117, %max3A_1220 : vector<16xf32>
        %mul3A_1222 = arith.constant 16 : i32
        %mul3A_1223 = arith.muli %scan3A_123, %mul3A_1222 : i32
        %add3A_1224 = arith.constant 10 : i32
        %add3A_1225 = arith.addi %mul3A_1223, %add3A_1224 : i32
        %get3A_1226 = arith.index_cast %add3A_1225 : i32 to index
        %get3A_1227 = arith.constant 16 : index
        %get3A_1228 = tpu.vector_load %arg7[%get3A_1226, %get3A_1227] {strides = array<i32>} : memref<512x128xf32, #tpu.memory_space<vmem>>, vector<1x16xf32>,
        %get3A_1229 = vector.shape_cast %get3A_1228 : vector<1x16xf32> to vector<16xf32>
        %add3A_1230 = arith.addf %get3A_1229, %get3A_145 : vector<16xf32>
        %max3A_1231 = arith.constant 0.000000e+00 : f32
        %max3A_1232 = vector.broadcast %max3A_1231 : f32 to vector<16xf32>
        %max3A_1233 = arith.maximumf %add3A_1230, %max3A_1232 : vector<16xf32>
        %add3A_1234 = arith.addf %add3A_1130, %max3A_1233 : vector<16xf32>
        %mul3A_1235 = arith.constant 16 : i32
        %mul3A_1236 = arith.muli %scan3A_123, %mul3A_1235 : i32
        %add3A_1237 = arith.constant 10 : i32
        %add3A_1238 = arith.addi %mul3A_1236, %add3A_1237 : i32
        %get3A_1239 = arith.index_cast %add3A_1238 : i32 to index
        %get3A_1240 = arith.constant 32 : index
        %get3A_1241 = tpu.vector_load %arg7[%get3A_1239, %get3A_1240] {strides = array<i32>} : memref<512x128xf32, #tpu.memory_space<vmem>>, vector<1x16xf32>,
        %get3A_1242 = vector.shape_cast %get3A_1241 : vector<1x16xf32> to vector<16xf32>
        %add3A_1243 = arith.addf %get3A_1242, %get3A_149 : vector<16xf32>
        %max3A_1244 = arith.constant 0.000000e+00 : f32
        %max3A_1245 = vector.broadcast %max3A_1244 : f32 to vector<16xf32>
        %max3A_1246 = arith.maximumf %add3A_1243, %max3A_1245 : vector<16xf32>
        %add3A_1247 = arith.addf %add3A_1143, %max3A_1246 : vector<16xf32>
        %mul3A_1248 = arith.constant 16 : i32
        %mul3A_1249 = arith.muli %scan3A_123, %mul3A_1248 : i32
        %add3A_1250 = arith.constant 10 : i32
        %add3A_1251 = arith.addi %mul3A_1249, %add3A_1250 : i32
        %get3A_1252 = arith.index_cast %add3A_1251 : i32 to index
        %get3A_1253 = arith.constant 48 : index
        %get3A_1254 = tpu.vector_load %arg7[%get3A_1252, %get3A_1253] {strides = array<i32>} : memref<512x128xf32, #tpu.memory_space<vmem>>, vector<1x16xf32>,
        %get3A_1255 = vector.shape_cast %get3A_1254 : vector<1x16xf32> to vector<16xf32>
        %add3A_1256 = arith.addf %get3A_1255, %get3A_153 : vector<16xf32>
        %max3A_1257 = arith.constant 0.000000e+00 : f32
        %max3A_1258 = vector.broadcast %max3A_1257 : f32 to vector<16xf32>
        %max3A_1259 = arith.maximumf %add3A_1256, %max3A_1258 : vector<16xf32>
        %add3A_1260 = arith.addf %add3A_1156, %max3A_1259 : vector<16xf32>
        %mul3A_1261 = arith.constant 16 : i32
        %mul3A_1262 = arith.muli %scan3A_123, %mul3A_1261 : i32
        %add3A_1263 = arith.constant 10 : i32
        %add3A_1264 = arith.addi %mul3A_1262, %add3A_1263 : i32
        %get3A_1265 = arith.index_cast %add3A_1264 : i32 to index
        %get3A_1266 = arith.constant 64 : index
        %get3A_1267 = tpu.vector_load %arg7[%get3A_1265, %get3A_1266] {strides = array<i32>} : memref<512x128xf32, #tpu.memory_space<vmem>>, vector<1x16xf32>,
        %get3A_1268 = vector.shape_cast %get3A_1267 : vector<1x16xf32> to vector<16xf32>
        %add3A_1269 = arith.addf %get3A_1268, %get3A_157 : vector<16xf32>
        %max3A_1270 = arith.constant 0.000000e+00 : f32
        %max3A_1271 = vector.broadcast %max3A_1270 : f32 to vector<16xf32>
        %max3A_1272 = arith.maximumf %add3A_1269, %max3A_1271 : vector<16xf32>
        %add3A_1273 = arith.addf %add3A_1169, %max3A_1272 : vector<16xf32>
        %mul3A_1274 = arith.constant 16 : i32
        %mul3A_1275 = arith.muli %scan3A_123, %mul3A_1274 : i32
        %add3A_1276 = arith.constant 10 : i32
        %add3A_1277 = arith.addi %mul3A_1275, %add3A_1276 : i32
        %get3A_1278 = arith.index_cast %add3A_1277 : i32 to index
        %get3A_1279 = arith.constant 80 : index
        %get3A_1280 = tpu.vector_load %arg7[%get3A_1278, %get3A_1279] {strides = array<i32>} : memref<512x128xf32, #tpu.memory_space<vmem>>, vector<1x16xf32>,
        %get3A_1281 = vector.shape_cast %get3A_1280 : vector<1x16xf32> to vector<16xf32>
        %add3A_1282 = arith.addf %get3A_1281, %get3A_161 : vector<16xf32>
        %max3A_1283 = arith.constant 0.000000e+00 : f32
        %max3A_1284 = vector.broadcast %max3A_1283 : f32 to vector<16xf32>
        %max3A_1285 = arith.maximumf %add3A_1282, %max3A_1284 : vector<16xf32>
        %add3A_1286 = arith.addf %add3A_1182, %max3A_1285 : vector<16xf32>
        %mul3A_1287 = arith.constant 16 : i32
        %mul3A_1288 = arith.muli %scan3A_123, %mul3A_1287 : i32
        %add3A_1289 = arith.constant 10 : i32
        %add3A_1290 = arith.addi %mul3A_1288, %add3A_1289 : i32
        %get3A_1291 = arith.index_cast %add3A_1290 : i32 to index
        %get3A_1292 = arith.constant 96 : index
        %get3A_1293 = tpu.vector_load %arg7[%get3A_1291, %get3A_1292] {strides = array<i32>} : memref<512x128xf32, #tpu.memory_space<vmem>>, vector<1x16xf32>,
        %get3A_1294 = vector.shape_cast %get3A_1293 : vector<1x16xf32> to vector<16xf32>
        %add3A_1295 = arith.addf %get3A_1294, %get3A_165 : vector<16xf32>
        %max3A_1296 = arith.constant 0.000000e+00 : f32
        %max3A_1297 = vector.broadcast %max3A_1296 : f32 to vector<16xf32>
        %max3A_1298 = arith.maximumf %add3A_1295, %max3A_1297 : vector<16xf32>
        %add3A_1299 = arith.addf %add3A_1195, %max3A_1298 : vector<16xf32>
        %mul3A_1300 = arith.constant 16 : i32
        %mul3A_1301 = arith.muli %scan3A_123, %mul3A_1300 : i32
        %add3A_1302 = arith.constant 10 : i32
        %add3A_1303 = arith.addi %mul3A_1301, %add3A_1302 : i32
        %get3A_1304 = arith.index_cast %add3A_1303 : i32 to index
        %get3A_1305 = arith.constant 112 : index
        %get3A_1306 = tpu.vector_load %arg7[%get3A_1304, %get3A_1305] {strides = array<i32>} : memref<512x128xf32, #tpu.memory_space<vmem>>, vector<1x16xf32>,
        %get3A_1307 = vector.shape_cast %get3A_1306 : vector<1x16xf32> to vector<16xf32>
        %add3A_1308 = arith.addf %get3A_1307, %get3A_169 : vector<16xf32>
        %max3A_1309 = arith.constant 0.000000e+00 : f32
        %max3A_1310 = vector.broadcast %max3A_1309 : f32 to vector<16xf32>
        %max3A_1311 = arith.maximumf %add3A_1308, %max3A_1310 : vector<16xf32>
        %add3A_1312 = arith.addf %add3A_1208, %max3A_1311 : vector<16xf32>
        %mul3A_1313 = arith.constant 16 : i32
        %mul3A_1314 = arith.muli %scan3A_123, %mul3A_1313 : i32
        %add3A_1315 = arith.constant 11 : i32
        %add3A_1316 = arith.addi %mul3A_1314, %add3A_1315 : i32
        %get3A_1317 = arith.index_cast %add3A_1316 : i32 to index
        %get3A_1318 = arith.constant 0 : index
        %get3A_1319 = tpu.vector_load %arg7[%get3A_1317, %get3A_1318] {strides = array<i32>} : memref<512x128xf32, #tpu.memory_space<vmem>>, vector<1x16xf32>,
        %get3A_1320 = vector.shape_cast %get3A_1319 : vector<1x16xf32> to vector<16xf32>
        %add3A_1321 = arith.addf %get3A_1320, %get3A_141 : vector<16xf32>
        %max3A_1322 = arith.constant 0.000000e+00 : f32
        %max3A_1323 = vector.broadcast %max3A_1322 : f32 to vector<16xf32>
        %max3A_1324 = arith.maximumf %add3A_1321, %max3A_1323 : vector<16xf32>
        %add3A_1325 = arith.addf %add3A_1221, %max3A_1324 : vector<16xf32>
        %mul3A_1326 = arith.constant 16 : i32
        %mul3A_1327 = arith.muli %scan3A_123, %mul3A_1326 : i32
        %add3A_1328 = arith.constant 11 : i32
        %add3A_1329 = arith.addi %mul3A_1327, %add3A_1328 : i32
        %get3A_1330 = arith.index_cast %add3A_1329 : i32 to index
        %get3A_1331 = arith.constant 16 : index
        %get3A_1332 = tpu.vector_load %arg7[%get3A_1330, %get3A_1331] {strides = array<i32>} : memref<512x128xf32, #tpu.memory_space<vmem>>, vector<1x16xf32>,
        %get3A_1333 = vector.shape_cast %get3A_1332 : vector<1x16xf32> to vector<16xf32>
        %add3A_1334 = arith.addf %get3A_1333, %get3A_145 : vector<16xf32>
        %max3A_1335 = arith.constant 0.000000e+00 : f32
        %max3A_1336 = vector.broadcast %max3A_1335 : f32 to vector<16xf32>
        %max3A_1337 = arith.maximumf %add3A_1334, %max3A_1336 : vector<16xf32>
        %add3A_1338 = arith.addf %add3A_1234, %max3A_1337 : vector<16xf32>
        %mul3A_1339 = arith.constant 16 : i32
        %mul3A_1340 = arith.muli %scan3A_123, %mul3A_1339 : i32
        %add3A_1341 = arith.constant 11 : i32
        %add3A_1342 = arith.addi %mul3A_1340, %add3A_1341 : i32
        %get3A_1343 = arith.index_cast %add3A_1342 : i32 to index
        %get3A_1344 = arith.constant 32 : index
        %get3A_1345 = tpu.vector_load %arg7[%get3A_1343, %get3A_1344] {strides = array<i32>} : memref<512x128xf32, #tpu.memory_space<vmem>>, vector<1x16xf32>,
        %get3A_1346 = vector.shape_cast %get3A_1345 : vector<1x16xf32> to vector<16xf32>
        %add3A_1347 = arith.addf %get3A_1346, %get3A_149 : vector<16xf32>
        %max3A_1348 = arith.constant 0.000000e+00 : f32
        %max3A_1349 = vector.broadcast %max3A_1348 : f32 to vector<16xf32>
        %max3A_1350 = arith.maximumf %add3A_1347, %max3A_1349 : vector<16xf32>
        %add3A_1351 = arith.addf %add3A_1247, %max3A_1350 : vector<16xf32>
        %mul3A_1352 = arith.constant 16 : i32
        %mul3A_1353 = arith.muli %scan3A_123, %mul3A_1352 : i32
        %add3A_1354 = arith.constant 11 : i32
        %add3A_1355 = arith.addi %mul3A_1353, %add3A_1354 : i32
        %get3A_1356 = arith.index_cast %add3A_1355 : i32 to index
        %get3A_1357 = arith.constant 48 : index
        %get3A_1358 = tpu.vector_load %arg7[%get3A_1356, %get3A_1357] {strides = array<i32>} : memref<512x128xf32, #tpu.memory_space<vmem>>, vector<1x16xf32>,
        %get3A_1359 = vector.shape_cast %get3A_1358 : vector<1x16xf32> to vector<16xf32>
        %add3A_1360 = arith.addf %get3A_1359, %get3A_153 : vector<16xf32>
        %max3A_1361 = arith.constant 0.000000e+00 : f32
        %max3A_1362 = vector.broadcast %max3A_1361 : f32 to vector<16xf32>
        %max3A_1363 = arith.maximumf %add3A_1360, %max3A_1362 : vector<16xf32>
        %add3A_1364 = arith.addf %add3A_1260, %max3A_1363 : vector<16xf32>
        %mul3A_1365 = arith.constant 16 : i32
        %mul3A_1366 = arith.muli %scan3A_123, %mul3A_1365 : i32
        %add3A_1367 = arith.constant 11 : i32
        %add3A_1368 = arith.addi %mul3A_1366, %add3A_1367 : i32
        %get3A_1369 = arith.index_cast %add3A_1368 : i32 to index
        %get3A_1370 = arith.constant 64 : index
        %get3A_1371 = tpu.vector_load %arg7[%get3A_1369, %get3A_1370] {strides = array<i32>} : memref<512x128xf32, #tpu.memory_space<vmem>>, vector<1x16xf32>,
        %get3A_1372 = vector.shape_cast %get3A_1371 : vector<1x16xf32> to vector<16xf32>
        %add3A_1373 = arith.addf %get3A_1372, %get3A_157 : vector<16xf32>
        %max3A_1374 = arith.constant 0.000000e+00 : f32
        %max3A_1375 = vector.broadcast %max3A_1374 : f32 to vector<16xf32>
        %max3A_1376 = arith.maximumf %add3A_1373, %max3A_1375 : vector<16xf32>
        %add3A_1377 = arith.addf %add3A_1273, %max3A_1376 : vector<16xf32>
        %mul3A_1378 = arith.constant 16 : i32
        %mul3A_1379 = arith.muli %scan3A_123, %mul3A_1378 : i32
        %add3A_1380 = arith.constant 11 : i32
        %add3A_1381 = arith.addi %mul3A_1379, %add3A_1380 : i32
        %get3A_1382 = arith.index_cast %add3A_1381 : i32 to index
        %get3A_1383 = arith.constant 80 : index
        %get3A_1384 = tpu.vector_load %arg7[%get3A_1382, %get3A_1383] {strides = array<i32>} : memref<512x128xf32, #tpu.memory_space<vmem>>, vector<1x16xf32>,
        %get3A_1385 = vector.shape_cast %get3A_1384 : vector<1x16xf32> to vector<16xf32>
        %add3A_1386 = arith.addf %get3A_1385, %get3A_161 : vector<16xf32>
        %max3A_1387 = arith.constant 0.000000e+00 : f32
        %max3A_1388 = vector.broadcast %max3A_1387 : f32 to vector<16xf32>
        %max3A_1389 = arith.maximumf %add3A_1386, %max3A_1388 : vector<16xf32>
        %add3A_1390 = arith.addf %add3A_1286, %max3A_1389 : vector<16xf32>
        %mul3A_1391 = arith.constant 16 : i32
        %mul3A_1392 = arith.muli %scan3A_123, %mul3A_1391 : i32
        %add3A_1393 = arith.constant 11 : i32
        %add3A_1394 = arith.addi %mul3A_1392, %add3A_1393 : i32
        %get3A_1395 = arith.index_cast %add3A_1394 : i32 to index
        %get3A_1396 = arith.constant 96 : index
        %get3A_1397 = tpu.vector_load %arg7[%get3A_1395, %get3A_1396] {strides = array<i32>} : memref<512x128xf32, #tpu.memory_space<vmem>>, vector<1x16xf32>,
        %get3A_1398 = vector.shape_cast %get3A_1397 : vector<1x16xf32> to vector<16xf32>
        %add3A_1399 = arith.addf %get3A_1398, %get3A_165 : vector<16xf32>
        %max3A_1400 = arith.constant 0.000000e+00 : f32
        %max3A_1401 = vector.broadcast %max3A_1400 : f32 to vector<16xf32>
        %max3A_1402 = arith.maximumf %add3A_1399, %max3A_1401 : vector<16xf32>
        %add3A_1403 = arith.addf %add3A_1299, %max3A_1402 : vector<16xf32>
        %mul3A_1404 = arith.constant 16 : i32
        %mul3A_1405 = arith.muli %scan3A_123, %mul3A_1404 : i32
        %add3A_1406 = arith.constant 11 : i32
        %add3A_1407 = arith.addi %mul3A_1405, %add3A_1406 : i32
        %get3A_1408 = arith.index_cast %add3A_1407 : i32 to index
        %get3A_1409 = arith.constant 112 : index
        %get3A_1410 = tpu.vector_load %arg7[%get3A_1408, %get3A_1409] {strides = array<i32>} : memref<512x128xf32, #tpu.memory_space<vmem>>, vector<1x16xf32>,
        %get3A_1411 = vector.shape_cast %get3A_1410 : vector<1x16xf32> to vector<16xf32>
        %add3A_1412 = arith.addf %get3A_1411, %get3A_169 : vector<16xf32>
        %max3A_1413 = arith.constant 0.000000e+00 : f32
        %max3A_1414 = vector.broadcast %max3A_1413 : f32 to vector<16xf32>
        %max3A_1415 = arith.maximumf %add3A_1412, %max3A_1414 : vector<16xf32>
        %add3A_1416 = arith.addf %add3A_1312, %max3A_1415 : vector<16xf32>
        %mul3A_1417 = arith.constant 16 : i32
        %mul3A_1418 = arith.muli %scan3A_123, %mul3A_1417 : i32
        %add3A_1419 = arith.constant 12 : i32
        %add3A_1420 = arith.addi %mul3A_1418, %add3A_1419 : i32
        %get3A_1421 = arith.index_cast %add3A_1420 : i32 to index
        %get3A_1422 = arith.constant 0 : index
        %get3A_1423 = tpu.vector_load %arg7[%get3A_1421, %get3A_1422] {strides = array<i32>} : memref<512x128xf32, #tpu.memory_space<vmem>>, vector<1x16xf32>,
        %get3A_1424 = vector.shape_cast %get3A_1423 : vector<1x16xf32> to vector<16xf32>
        %add3A_1425 = arith.addf %get3A_1424, %get3A_141 : vector<16xf32>
        %max3A_1426 = arith.constant 0.000000e+00 : f32
        %max3A_1427 = vector.broadcast %max3A_1426 : f32 to vector<16xf32>
        %max3A_1428 = arith.maximumf %add3A_1425, %max3A_1427 : vector<16xf32>
        %add3A_1429 = arith.addf %add3A_1325, %max3A_1428 : vector<16xf32>
        %mul3A_1430 = arith.constant 16 : i32
        %mul3A_1431 = arith.muli %scan3A_123, %mul3A_1430 : i32
        %add3A_1432 = arith.constant 12 : i32
        %add3A_1433 = arith.addi %mul3A_1431, %add3A_1432 : i32
        %get3A_1434 = arith.index_cast %add3A_1433 : i32 to index
        %get3A_1435 = arith.constant 16 : index
        %get3A_1436 = tpu.vector_load %arg7[%get3A_1434, %get3A_1435] {strides = array<i32>} : memref<512x128xf32, #tpu.memory_space<vmem>>, vector<1x16xf32>,
        %get3A_1437 = vector.shape_cast %get3A_1436 : vector<1x16xf32> to vector<16xf32>
        %add3A_1438 = arith.addf %get3A_1437, %get3A_145 : vector<16xf32>
        %max3A_1439 = arith.constant 0.000000e+00 : f32
        %max3A_1440 = vector.broadcast %max3A_1439 : f32 to vector<16xf32>
        %max3A_1441 = arith.maximumf %add3A_1438, %max3A_1440 : vector<16xf32>
        %add3A_1442 = arith.addf %add3A_1338, %max3A_1441 : vector<16xf32>
        %mul3A_1443 = arith.constant 16 : i32
        %mul3A_1444 = arith.muli %scan3A_123, %mul3A_1443 : i32
        %add3A_1445 = arith.constant 12 : i32
        %add3A_1446 = arith.addi %mul3A_1444, %add3A_1445 : i32
        %get3A_1447 = arith.index_cast %add3A_1446 : i32 to index
        %get3A_1448 = arith.constant 32 : index
        %get3A_1449 = tpu.vector_load %arg7[%get3A_1447, %get3A_1448] {strides = array<i32>} : memref<512x128xf32, #tpu.memory_space<vmem>>, vector<1x16xf32>,
        %get3A_1450 = vector.shape_cast %get3A_1449 : vector<1x16xf32> to vector<16xf32>
        %add3A_1451 = arith.addf %get3A_1450, %get3A_149 : vector<16xf32>
        %max3A_1452 = arith.constant 0.000000e+00 : f32
        %max3A_1453 = vector.broadcast %max3A_1452 : f32 to vector<16xf32>
        %max3A_1454 = arith.maximumf %add3A_1451, %max3A_1453 : vector<16xf32>
        %add3A_1455 = arith.addf %add3A_1351, %max3A_1454 : vector<16xf32>
        %mul3A_1456 = arith.constant 16 : i32
        %mul3A_1457 = arith.muli %scan3A_123, %mul3A_1456 : i32
        %add3A_1458 = arith.constant 12 : i32
        %add3A_1459 = arith.addi %mul3A_1457, %add3A_1458 : i32
        %get3A_1460 = arith.index_cast %add3A_1459 : i32 to index
        %get3A_1461 = arith.constant 48 : index
        %get3A_1462 = tpu.vector_load %arg7[%get3A_1460, %get3A_1461] {strides = array<i32>} : memref<512x128xf32, #tpu.memory_space<vmem>>, vector<1x16xf32>,
        %get3A_1463 = vector.shape_cast %get3A_1462 : vector<1x16xf32> to vector<16xf32>
        %add3A_1464 = arith.addf %get3A_1463, %get3A_153 : vector<16xf32>
        %max3A_1465 = arith.constant 0.000000e+00 : f32
        %max3A_1466 = vector.broadcast %max3A_1465 : f32 to vector<16xf32>
        %max3A_1467 = arith.maximumf %add3A_1464, %max3A_1466 : vector<16xf32>
        %add3A_1468 = arith.addf %add3A_1364, %max3A_1467 : vector<16xf32>
        %mul3A_1469 = arith.constant 16 : i32
        %mul3A_1470 = arith.muli %scan3A_123, %mul3A_1469 : i32
        %add3A_1471 = arith.constant 12 : i32
        %add3A_1472 = arith.addi %mul3A_1470, %add3A_1471 : i32
        %get3A_1473 = arith.index_cast %add3A_1472 : i32 to index
        %get3A_1474 = arith.constant 64 : index
        %get3A_1475 = tpu.vector_load %arg7[%get3A_1473, %get3A_1474] {strides = array<i32>} : memref<512x128xf32, #tpu.memory_space<vmem>>, vector<1x16xf32>,
        %get3A_1476 = vector.shape_cast %get3A_1475 : vector<1x16xf32> to vector<16xf32>
        %add3A_1477 = arith.addf %get3A_1476, %get3A_157 : vector<16xf32>
        %max3A_1478 = arith.constant 0.000000e+00 : f32
        %max3A_1479 = vector.broadcast %max3A_1478 : f32 to vector<16xf32>
        %max3A_1480 = arith.maximumf %add3A_1477, %max3A_1479 : vector<16xf32>
        %add3A_1481 = arith.addf %add3A_1377, %max3A_1480 : vector<16xf32>
        %mul3A_1482 = arith.constant 16 : i32
        %mul3A_1483 = arith.muli %scan3A_123, %mul3A_1482 : i32
        %add3A_1484 = arith.constant 12 : i32
        %add3A_1485 = arith.addi %mul3A_1483, %add3A_1484 : i32
        %get3A_1486 = arith.index_cast %add3A_1485 : i32 to index
        %get3A_1487 = arith.constant 80 : index
        %get3A_1488 = tpu.vector_load %arg7[%get3A_1486, %get3A_1487] {strides = array<i32>} : memref<512x128xf32, #tpu.memory_space<vmem>>, vector<1x16xf32>,
        %get3A_1489 = vector.shape_cast %get3A_1488 : vector<1x16xf32> to vector<16xf32>
        %add3A_1490 = arith.addf %get3A_1489, %get3A_161 : vector<16xf32>
        %max3A_1491 = arith.constant 0.000000e+00 : f32
        %max3A_1492 = vector.broadcast %max3A_1491 : f32 to vector<16xf32>
        %max3A_1493 = arith.maximumf %add3A_1490, %max3A_1492 : vector<16xf32>
        %add3A_1494 = arith.addf %add3A_1390, %max3A_1493 : vector<16xf32>
        %mul3A_1495 = arith.constant 16 : i32
        %mul3A_1496 = arith.muli %scan3A_123, %mul3A_1495 : i32
        %add3A_1497 = arith.constant 12 : i32
        %add3A_1498 = arith.addi %mul3A_1496, %add3A_1497 : i32
        %get3A_1499 = arith.index_cast %add3A_1498 : i32 to index
        %get3A_1500 = arith.constant 96 : index
        %get3A_1501 = tpu.vector_load %arg7[%get3A_1499, %get3A_1500] {strides = array<i32>} : memref<512x128xf32, #tpu.memory_space<vmem>>, vector<1x16xf32>,
        %get3A_1502 = vector.shape_cast %get3A_1501 : vector<1x16xf32> to vector<16xf32>
        %add3A_1503 = arith.addf %get3A_1502, %get3A_165 : vector<16xf32>
        %max3A_1504 = arith.constant 0.000000e+00 : f32
        %max3A_1505 = vector.broadcast %max3A_1504 : f32 to vector<16xf32>
        %max3A_1506 = arith.maximumf %add3A_1503, %max3A_1505 : vector<16xf32>
        %add3A_1507 = arith.addf %add3A_1403, %max3A_1506 : vector<16xf32>
        %mul3A_1508 = arith.constant 16 : i32
        %mul3A_1509 = arith.muli %scan3A_123, %mul3A_1508 : i32
        %add3A_1510 = arith.constant 12 : i32
        %add3A_1511 = arith.addi %mul3A_1509, %add3A_1510 : i32
        %get3A_1512 = arith.index_cast %add3A_1511 : i32 to index
        %get3A_1513 = arith.constant 112 : index
        %get3A_1514 = tpu.vector_load %arg7[%get3A_1512, %get3A_1513] {strides = array<i32>} : memref<512x128xf32, #tpu.memory_space<vmem>>, vector<1x16xf32>,
        %get3A_1515 = vector.shape_cast %get3A_1514 : vector<1x16xf32> to vector<16xf32>
        %add3A_1516 = arith.addf %get3A_1515, %get3A_169 : vector<16xf32>
        %max3A_1517 = arith.constant 0.000000e+00 : f32
        %max3A_1518 = vector.broadcast %max3A_1517 : f32 to vector<16xf32>
        %max3A_1519 = arith.maximumf %add3A_1516, %max3A_1518 : vector<16xf32>
        %add3A_1520 = arith.addf %add3A_1416, %max3A_1519 : vector<16xf32>
        %mul3A_1521 = arith.constant 16 : i32
        %mul3A_1522 = arith.muli %scan3A_123, %mul3A_1521 : i32
        %add3A_1523 = arith.constant 13 : i32
        %add3A_1524 = arith.addi %mul3A_1522, %add3A_1523 : i32
        %get3A_1525 = arith.index_cast %add3A_1524 : i32 to index
        %get3A_1526 = arith.constant 0 : index
        %get3A_1527 = tpu.vector_load %arg7[%get3A_1525, %get3A_1526] {strides = array<i32>} : memref<512x128xf32, #tpu.memory_space<vmem>>, vector<1x16xf32>,
        %get3A_1528 = vector.shape_cast %get3A_1527 : vector<1x16xf32> to vector<16xf32>
        %add3A_1529 = arith.addf %get3A_1528, %get3A_141 : vector<16xf32>
        %max3A_1530 = arith.constant 0.000000e+00 : f32
        %max3A_1531 = vector.broadcast %max3A_1530 : f32 to vector<16xf32>
        %max3A_1532 = arith.maximumf %add3A_1529, %max3A_1531 : vector<16xf32>
        %add3A_1533 = arith.addf %add3A_1429, %max3A_1532 : vector<16xf32>
        %mul3A_1534 = arith.constant 16 : i32
        %mul3A_1535 = arith.muli %scan3A_123, %mul3A_1534 : i32
        %add3A_1536 = arith.constant 13 : i32
        %add3A_1537 = arith.addi %mul3A_1535, %add3A_1536 : i32
        %get3A_1538 = arith.index_cast %add3A_1537 : i32 to index
        %get3A_1539 = arith.constant 16 : index
        %get3A_1540 = tpu.vector_load %arg7[%get3A_1538, %get3A_1539] {strides = array<i32>} : memref<512x128xf32, #tpu.memory_space<vmem>>, vector<1x16xf32>,
        %get3A_1541 = vector.shape_cast %get3A_1540 : vector<1x16xf32> to vector<16xf32>
        %add3A_1542 = arith.addf %get3A_1541, %get3A_145 : vector<16xf32>
        %max3A_1543 = arith.constant 0.000000e+00 : f32
        %max3A_1544 = vector.broadcast %max3A_1543 : f32 to vector<16xf32>
        %max3A_1545 = arith.maximumf %add3A_1542, %max3A_1544 : vector<16xf32>
        %add3A_1546 = arith.addf %add3A_1442, %max3A_1545 : vector<16xf32>
        %mul3A_1547 = arith.constant 16 : i32
        %mul3A_1548 = arith.muli %scan3A_123, %mul3A_1547 : i32
        %add3A_1549 = arith.constant 13 : i32
        %add3A_1550 = arith.addi %mul3A_1548, %add3A_1549 : i32
        %get3A_1551 = arith.index_cast %add3A_1550 : i32 to index
        %get3A_1552 = arith.constant 32 : index
        %get3A_1553 = tpu.vector_load %arg7[%get3A_1551, %get3A_1552] {strides = array<i32>} : memref<512x128xf32, #tpu.memory_space<vmem>>, vector<1x16xf32>,
        %get3A_1554 = vector.shape_cast %get3A_1553 : vector<1x16xf32> to vector<16xf32>
        %add3A_1555 = arith.addf %get3A_1554, %get3A_149 : vector<16xf32>
        %max3A_1556 = arith.constant 0.000000e+00 : f32
        %max3A_1557 = vector.broadcast %max3A_1556 : f32 to vector<16xf32>
        %max3A_1558 = arith.maximumf %add3A_1555, %max3A_1557 : vector<16xf32>
        %add3A_1559 = arith.addf %add3A_1455, %max3A_1558 : vector<16xf32>
        %mul3A_1560 = arith.constant 16 : i32
        %mul3A_1561 = arith.muli %scan3A_123, %mul3A_1560 : i32
        %add3A_1562 = arith.constant 13 : i32
        %add3A_1563 = arith.addi %mul3A_1561, %add3A_1562 : i32
        %get3A_1564 = arith.index_cast %add3A_1563 : i32 to index
        %get3A_1565 = arith.constant 48 : index
        %get3A_1566 = tpu.vector_load %arg7[%get3A_1564, %get3A_1565] {strides = array<i32>} : memref<512x128xf32, #tpu.memory_space<vmem>>, vector<1x16xf32>,
        %get3A_1567 = vector.shape_cast %get3A_1566 : vector<1x16xf32> to vector<16xf32>
        %add3A_1568 = arith.addf %get3A_1567, %get3A_153 : vector<16xf32>
        %max3A_1569 = arith.constant 0.000000e+00 : f32
        %max3A_1570 = vector.broadcast %max3A_1569 : f32 to vector<16xf32>
        %max3A_1571 = arith.maximumf %add3A_1568, %max3A_1570 : vector<16xf32>
        %add3A_1572 = arith.addf %add3A_1468, %max3A_1571 : vector<16xf32>
        %mul3A_1573 = arith.constant 16 : i32
        %mul3A_1574 = arith.muli %scan3A_123, %mul3A_1573 : i32
        %add3A_1575 = arith.constant 13 : i32
        %add3A_1576 = arith.addi %mul3A_1574, %add3A_1575 : i32
        %get3A_1577 = arith.index_cast %add3A_1576 : i32 to index
        %get3A_1578 = arith.constant 64 : index
        %get3A_1579 = tpu.vector_load %arg7[%get3A_1577, %get3A_1578] {strides = array<i32>} : memref<512x128xf32, #tpu.memory_space<vmem>>, vector<1x16xf32>,
        %get3A_1580 = vector.shape_cast %get3A_1579 : vector<1x16xf32> to vector<16xf32>
        %add3A_1581 = arith.addf %get3A_1580, %get3A_157 : vector<16xf32>
        %max3A_1582 = arith.constant 0.000000e+00 : f32
        %max3A_1583 = vector.broadcast %max3A_1582 : f32 to vector<16xf32>
        %max3A_1584 = arith.maximumf %add3A_1581, %max3A_1583 : vector<16xf32>
        %add3A_1585 = arith.addf %add3A_1481, %max3A_1584 : vector<16xf32>
        %mul3A_1586 = arith.constant 16 : i32
        %mul3A_1587 = arith.muli %scan3A_123, %mul3A_1586 : i32
        %add3A_1588 = arith.constant 13 : i32
        %add3A_1589 = arith.addi %mul3A_1587, %add3A_1588 : i32
        %get3A_1590 = arith.index_cast %add3A_1589 : i32 to index
        %get3A_1591 = arith.constant 80 : index
        %get3A_1592 = tpu.vector_load %arg7[%get3A_1590, %get3A_1591] {strides = array<i32>} : memref<512x128xf32, #tpu.memory_space<vmem>>, vector<1x16xf32>,
        %get3A_1593 = vector.shape_cast %get3A_1592 : vector<1x16xf32> to vector<16xf32>
        %add3A_1594 = arith.addf %get3A_1593, %get3A_161 : vector<16xf32>
        %max3A_1595 = arith.constant 0.000000e+00 : f32
        %max3A_1596 = vector.broadcast %max3A_1595 : f32 to vector<16xf32>
        %max3A_1597 = arith.maximumf %add3A_1594, %max3A_1596 : vector<16xf32>
        %add3A_1598 = arith.addf %add3A_1494, %max3A_1597 : vector<16xf32>
        %mul3A_1599 = arith.constant 16 : i32
        %mul3A_1600 = arith.muli %scan3A_123, %mul3A_1599 : i32
        %add3A_1601 = arith.constant 13 : i32
        %add3A_1602 = arith.addi %mul3A_1600, %add3A_1601 : i32
        %get3A_1603 = arith.index_cast %add3A_1602 : i32 to index
        %get3A_1604 = arith.constant 96 : index
        %get3A_1605 = tpu.vector_load %arg7[%get3A_1603, %get3A_1604] {strides = array<i32>} : memref<512x128xf32, #tpu.memory_space<vmem>>, vector<1x16xf32>,
        %get3A_1606 = vector.shape_cast %get3A_1605 : vector<1x16xf32> to vector<16xf32>
        %add3A_1607 = arith.addf %get3A_1606, %get3A_165 : vector<16xf32>
        %max3A_1608 = arith.constant 0.000000e+00 : f32
        %max3A_1609 = vector.broadcast %max3A_1608 : f32 to vector<16xf32>
        %max3A_1610 = arith.maximumf %add3A_1607, %max3A_1609 : vector<16xf32>
        %add3A_1611 = arith.addf %add3A_1507, %max3A_1610 : vector<16xf32>
        %mul3A_1612 = arith.constant 16 : i32
        %mul3A_1613 = arith.muli %scan3A_123, %mul3A_1612 : i32
        %add3A_1614 = arith.constant 13 : i32
        %add3A_1615 = arith.addi %mul3A_1613, %add3A_1614 : i32
        %get3A_1616 = arith.index_cast %add3A_1615 : i32 to index
        %get3A_1617 = arith.constant 112 : index
        %get3A_1618 = tpu.vector_load %arg7[%get3A_1616, %get3A_1617] {strides = array<i32>} : memref<512x128xf32, #tpu.memory_space<vmem>>, vector<1x16xf32>,
        %get3A_1619 = vector.shape_cast %get3A_1618 : vector<1x16xf32> to vector<16xf32>
        %add3A_1620 = arith.addf %get3A_1619, %get3A_169 : vector<16xf32>
        %max3A_1621 = arith.constant 0.000000e+00 : f32
        %max3A_1622 = vector.broadcast %max3A_1621 : f32 to vector<16xf32>
        %max3A_1623 = arith.maximumf %add3A_1620, %max3A_1622 : vector<16xf32>
        %add3A_1624 = arith.addf %add3A_1520, %max3A_1623 : vector<16xf32>
        %mul3A_1625 = arith.constant 16 : i32
        %mul3A_1626 = arith.muli %scan3A_123, %mul3A_1625 : i32
        %add3A_1627 = arith.constant 14 : i32
        %add3A_1628 = arith.addi %mul3A_1626, %add3A_1627 : i32
        %get3A_1629 = arith.index_cast %add3A_1628 : i32 to index
        %get3A_1630 = arith.constant 0 : index
        %get3A_1631 = tpu.vector_load %arg7[%get3A_1629, %get3A_1630] {strides = array<i32>} : memref<512x128xf32, #tpu.memory_space<vmem>>, vector<1x16xf32>,
        %get3A_1632 = vector.shape_cast %get3A_1631 : vector<1x16xf32> to vector<16xf32>
        %add3A_1633 = arith.addf %get3A_1632, %get3A_141 : vector<16xf32>
        %max3A_1634 = arith.constant 0.000000e+00 : f32
        %max3A_1635 = vector.broadcast %max3A_1634 : f32 to vector<16xf32>
        %max3A_1636 = arith.maximumf %add3A_1633, %max3A_1635 : vector<16xf32>
        %add3A_1637 = arith.addf %add3A_1533, %max3A_1636 : vector<16xf32>
        %mul3A_1638 = arith.constant 16 : i32
        %mul3A_1639 = arith.muli %scan3A_123, %mul3A_1638 : i32
        %add3A_1640 = arith.constant 14 : i32
        %add3A_1641 = arith.addi %mul3A_1639, %add3A_1640 : i32
        %get3A_1642 = arith.index_cast %add3A_1641 : i32 to index
        %get3A_1643 = arith.constant 16 : index
        %get3A_1644 = tpu.vector_load %arg7[%get3A_1642, %get3A_1643] {strides = array<i32>} : memref<512x128xf32, #tpu.memory_space<vmem>>, vector<1x16xf32>,
        %get3A_1645 = vector.shape_cast %get3A_1644 : vector<1x16xf32> to vector<16xf32>
        %add3A_1646 = arith.addf %get3A_1645, %get3A_145 : vector<16xf32>
        %max3A_1647 = arith.constant 0.000000e+00 : f32
        %max3A_1648 = vector.broadcast %max3A_1647 : f32 to vector<16xf32>
        %max3A_1649 = arith.maximumf %add3A_1646, %max3A_1648 : vector<16xf32>
        %add3A_1650 = arith.addf %add3A_1546, %max3A_1649 : vector<16xf32>
        %mul3A_1651 = arith.constant 16 : i32
        %mul3A_1652 = arith.muli %scan3A_123, %mul3A_1651 : i32
        %add3A_1653 = arith.constant 14 : i32
        %add3A_1654 = arith.addi %mul3A_1652, %add3A_1653 : i32
        %get3A_1655 = arith.index_cast %add3A_1654 : i32 to index
        %get3A_1656 = arith.constant 32 : index
        %get3A_1657 = tpu.vector_load %arg7[%get3A_1655, %get3A_1656] {strides = array<i32>} : memref<512x128xf32, #tpu.memory_space<vmem>>, vector<1x16xf32>,
        %get3A_1658 = vector.shape_cast %get3A_1657 : vector<1x16xf32> to vector<16xf32>
        %add3A_1659 = arith.addf %get3A_1658, %get3A_149 : vector<16xf32>
        %max3A_1660 = arith.constant 0.000000e+00 : f32
        %max3A_1661 = vector.broadcast %max3A_1660 : f32 to vector<16xf32>
        %max3A_1662 = arith.maximumf %add3A_1659, %max3A_1661 : vector<16xf32>
        %add3A_1663 = arith.addf %add3A_1559, %max3A_1662 : vector<16xf32>
        %mul3A_1664 = arith.constant 16 : i32
        %mul3A_1665 = arith.muli %scan3A_123, %mul3A_1664 : i32
        %add3A_1666 = arith.constant 14 : i32
        %add3A_1667 = arith.addi %mul3A_1665, %add3A_1666 : i32
        %get3A_1668 = arith.index_cast %add3A_1667 : i32 to index
        %get3A_1669 = arith.constant 48 : index
        %get3A_1670 = tpu.vector_load %arg7[%get3A_1668, %get3A_1669] {strides = array<i32>} : memref<512x128xf32, #tpu.memory_space<vmem>>, vector<1x16xf32>,
        %get3A_1671 = vector.shape_cast %get3A_1670 : vector<1x16xf32> to vector<16xf32>
        %add3A_1672 = arith.addf %get3A_1671, %get3A_153 : vector<16xf32>
        %max3A_1673 = arith.constant 0.000000e+00 : f32
        %max3A_1674 = vector.broadcast %max3A_1673 : f32 to vector<16xf32>
        %max3A_1675 = arith.maximumf %add3A_1672, %max3A_1674 : vector<16xf32>
        %add3A_1676 = arith.addf %add3A_1572, %max3A_1675 : vector<16xf32>
        %mul3A_1677 = arith.constant 16 : i32
        %mul3A_1678 = arith.muli %scan3A_123, %mul3A_1677 : i32
        %add3A_1679 = arith.constant 14 : i32
        %add3A_1680 = arith.addi %mul3A_1678, %add3A_1679 : i32
        %get3A_1681 = arith.index_cast %add3A_1680 : i32 to index
        %get3A_1682 = arith.constant 64 : index
        %get3A_1683 = tpu.vector_load %arg7[%get3A_1681, %get3A_1682] {strides = array<i32>} : memref<512x128xf32, #tpu.memory_space<vmem>>, vector<1x16xf32>,
        %get3A_1684 = vector.shape_cast %get3A_1683 : vector<1x16xf32> to vector<16xf32>
        %add3A_1685 = arith.addf %get3A_1684, %get3A_157 : vector<16xf32>
        %max3A_1686 = arith.constant 0.000000e+00 : f32
        %max3A_1687 = vector.broadcast %max3A_1686 : f32 to vector<16xf32>
        %max3A_1688 = arith.maximumf %add3A_1685, %max3A_1687 : vector<16xf32>
        %add3A_1689 = arith.addf %add3A_1585, %max3A_1688 : vector<16xf32>
        %mul3A_1690 = arith.constant 16 : i32
        %mul3A_1691 = arith.muli %scan3A_123, %mul3A_1690 : i32
        %add3A_1692 = arith.constant 14 : i32
        %add3A_1693 = arith.addi %mul3A_1691, %add3A_1692 : i32
        %get3A_1694 = arith.index_cast %add3A_1693 : i32 to index
        %get3A_1695 = arith.constant 80 : index
        %get3A_1696 = tpu.vector_load %arg7[%get3A_1694, %get3A_1695] {strides = array<i32>} : memref<512x128xf32, #tpu.memory_space<vmem>>, vector<1x16xf32>,
        %get3A_1697 = vector.shape_cast %get3A_1696 : vector<1x16xf32> to vector<16xf32>
        %add3A_1698 = arith.addf %get3A_1697, %get3A_161 : vector<16xf32>
        %max3A_1699 = arith.constant 0.000000e+00 : f32
        %max3A_1700 = vector.broadcast %max3A_1699 : f32 to vector<16xf32>
        %max3A_1701 = arith.maximumf %add3A_1698, %max3A_1700 : vector<16xf32>
        %add3A_1702 = arith.addf %add3A_1598, %max3A_1701 : vector<16xf32>
        %mul3A_1703 = arith.constant 16 : i32
        %mul3A_1704 = arith.muli %scan3A_123, %mul3A_1703 : i32
        %add3A_1705 = arith.constant 14 : i32
        %add3A_1706 = arith.addi %mul3A_1704, %add3A_1705 : i32
        %get3A_1707 = arith.index_cast %add3A_1706 : i32 to index
        %get3A_1708 = arith.constant 96 : index
        %get3A_1709 = tpu.vector_load %arg7[%get3A_1707, %get3A_1708] {strides = array<i32>} : memref<512x128xf32, #tpu.memory_space<vmem>>, vector<1x16xf32>,
        %get3A_1710 = vector.shape_cast %get3A_1709 : vector<1x16xf32> to vector<16xf32>
        %add3A_1711 = arith.addf %get3A_1710, %get3A_165 : vector<16xf32>
        %max3A_1712 = arith.constant 0.000000e+00 : f32
        %max3A_1713 = vector.broadcast %max3A_1712 : f32 to vector<16xf32>
        %max3A_1714 = arith.maximumf %add3A_1711, %max3A_1713 : vector<16xf32>
        %add3A_1715 = arith.addf %add3A_1611, %max3A_1714 : vector<16xf32>
        %mul3A_1716 = arith.constant 16 : i32
        %mul3A_1717 = arith.muli %scan3A_123, %mul3A_1716 : i32
        %add3A_1718 = arith.constant 14 : i32
        %add3A_1719 = arith.addi %mul3A_1717, %add3A_1718 : i32
        %get3A_1720 = arith.index_cast %add3A_1719 : i32 to index
        %get3A_1721 = arith.constant 112 : index
        %get3A_1722 = tpu.vector_load %arg7[%get3A_1720, %get3A_1721] {strides = array<i32>} : memref<512x128xf32, #tpu.memory_space<vmem>>, vector<1x16xf32>,
        %get3A_1723 = vector.shape_cast %get3A_1722 : vector<1x16xf32> to vector<16xf32>
        %add3A_1724 = arith.addf %get3A_1723, %get3A_169 : vector<16xf32>
        %max3A_1725 = arith.constant 0.000000e+00 : f32
        %max3A_1726 = vector.broadcast %max3A_1725 : f32 to vector<16xf32>
        %max3A_1727 = arith.maximumf %add3A_1724, %max3A_1726 : vector<16xf32>
        %add3A_1728 = arith.addf %add3A_1624, %max3A_1727 : vector<16xf32>
        %mul3A_1729 = arith.constant 16 : i32
        %mul3A_1730 = arith.muli %scan3A_123, %mul3A_1729 : i32
        %add3A_1731 = arith.constant 15 : i32
        %add3A_1732 = arith.addi %mul3A_1730, %add3A_1731 : i32
        %get3A_1733 = arith.index_cast %add3A_1732 : i32 to index
        %get3A_1734 = arith.constant 0 : index
        %get3A_1735 = tpu.vector_load %arg7[%get3A_1733, %get3A_1734] {strides = array<i32>} : memref<512x128xf32, #tpu.memory_space<vmem>>, vector<1x16xf32>,
        %get3A_1736 = vector.shape_cast %get3A_1735 : vector<1x16xf32> to vector<16xf32>
        %add3A_1737 = arith.addf %get3A_1736, %get3A_141 : vector<16xf32>
        %max3A_1738 = arith.constant 0.000000e+00 : f32
        %max3A_1739 = vector.broadcast %max3A_1738 : f32 to vector<16xf32>
        %max3A_1740 = arith.maximumf %add3A_1737, %max3A_1739 : vector<16xf32>
        %add3A_1741 = arith.addf %add3A_1637, %max3A_1740 : vector<16xf32>
        %mul3A_1742 = arith.constant 16 : i32
        %mul3A_1743 = arith.muli %scan3A_123, %mul3A_1742 : i32
        %add3A_1744 = arith.constant 15 : i32
        %add3A_1745 = arith.addi %mul3A_1743, %add3A_1744 : i32
        %get3A_1746 = arith.index_cast %add3A_1745 : i32 to index
        %get3A_1747 = arith.constant 16 : index
        %get3A_1748 = tpu.vector_load %arg7[%get3A_1746, %get3A_1747] {strides = array<i32>} : memref<512x128xf32, #tpu.memory_space<vmem>>, vector<1x16xf32>,
        %get3A_1749 = vector.shape_cast %get3A_1748 : vector<1x16xf32> to vector<16xf32>
        %add3A_1750 = arith.addf %get3A_1749, %get3A_145 : vector<16xf32>
        %max3A_1751 = arith.constant 0.000000e+00 : f32
        %max3A_1752 = vector.broadcast %max3A_1751 : f32 to vector<16xf32>
        %max3A_1753 = arith.maximumf %add3A_1750, %max3A_1752 : vector<16xf32>
        %add3A_1754 = arith.addf %add3A_1650, %max3A_1753 : vector<16xf32>
        %mul3A_1755 = arith.constant 16 : i32
        %mul3A_1756 = arith.muli %scan3A_123, %mul3A_1755 : i32
        %add3A_1757 = arith.constant 15 : i32
        %add3A_1758 = arith.addi %mul3A_1756, %add3A_1757 : i32
        %get3A_1759 = arith.index_cast %add3A_1758 : i32 to index
        %get3A_1760 = arith.constant 32 : index
        %get3A_1761 = tpu.vector_load %arg7[%get3A_1759, %get3A_1760] {strides = array<i32>} : memref<512x128xf32, #tpu.memory_space<vmem>>, vector<1x16xf32>,
        %get3A_1762 = vector.shape_cast %get3A_1761 : vector<1x16xf32> to vector<16xf32>
        %add3A_1763 = arith.addf %get3A_1762, %get3A_149 : vector<16xf32>
        %max3A_1764 = arith.constant 0.000000e+00 : f32
        %max3A_1765 = vector.broadcast %max3A_1764 : f32 to vector<16xf32>
        %max3A_1766 = arith.maximumf %add3A_1763, %max3A_1765 : vector<16xf32>
        %add3A_1767 = arith.addf %add3A_1663, %max3A_1766 : vector<16xf32>
        %mul3A_1768 = arith.constant 16 : i32
        %mul3A_1769 = arith.muli %scan3A_123, %mul3A_1768 : i32
        %add3A_1770 = arith.constant 15 : i32
        %add3A_1771 = arith.addi %mul3A_1769, %add3A_1770 : i32
        %get3A_1772 = arith.index_cast %add3A_1771 : i32 to index
        %get3A_1773 = arith.constant 48 : index
        %get3A_1774 = tpu.vector_load %arg7[%get3A_1772, %get3A_1773] {strides = array<i32>} : memref<512x128xf32, #tpu.memory_space<vmem>>, vector<1x16xf32>,
        %get3A_1775 = vector.shape_cast %get3A_1774 : vector<1x16xf32> to vector<16xf32>
        %add3A_1776 = arith.addf %get3A_1775, %get3A_153 : vector<16xf32>
        %max3A_1777 = arith.constant 0.000000e+00 : f32
        %max3A_1778 = vector.broadcast %max3A_1777 : f32 to vector<16xf32>
        %max3A_1779 = arith.maximumf %add3A_1776, %max3A_1778 : vector<16xf32>
        %add3A_1780 = arith.addf %add3A_1676, %max3A_1779 : vector<16xf32>
        %mul3A_1781 = arith.constant 16 : i32
        %mul3A_1782 = arith.muli %scan3A_123, %mul3A_1781 : i32
        %add3A_1783 = arith.constant 15 : i32
        %add3A_1784 = arith.addi %mul3A_1782, %add3A_1783 : i32
        %get3A_1785 = arith.index_cast %add3A_1784 : i32 to index
        %get3A_1786 = arith.constant 64 : index
        %get3A_1787 = tpu.vector_load %arg7[%get3A_1785, %get3A_1786] {strides = array<i32>} : memref<512x128xf32, #tpu.memory_space<vmem>>, vector<1x16xf32>,
        %get3A_1788 = vector.shape_cast %get3A_1787 : vector<1x16xf32> to vector<16xf32>
        %add3A_1789 = arith.addf %get3A_1788, %get3A_157 : vector<16xf32>
        %max3A_1790 = arith.constant 0.000000e+00 : f32
        %max3A_1791 = vector.broadcast %max3A_1790 : f32 to vector<16xf32>
        %max3A_1792 = arith.maximumf %add3A_1789, %max3A_1791 : vector<16xf32>
        %add3A_1793 = arith.addf %add3A_1689, %max3A_1792 : vector<16xf32>
        %mul3A_1794 = arith.constant 16 : i32
        %mul3A_1795 = arith.muli %scan3A_123, %mul3A_1794 : i32
        %add3A_1796 = arith.constant 15 : i32
        %add3A_1797 = arith.addi %mul3A_1795, %add3A_1796 : i32
        %get3A_1798 = arith.index_cast %add3A_1797 : i32 to index
        %get3A_1799 = arith.constant 80 : index
        %get3A_1800 = tpu.vector_load %arg7[%get3A_1798, %get3A_1799] {strides = array<i32>} : memref<512x128xf32, #tpu.memory_space<vmem>>, vector<1x16xf32>,
        %get3A_1801 = vector.shape_cast %get3A_1800 : vector<1x16xf32> to vector<16xf32>
        %add3A_1802 = arith.addf %get3A_1801, %get3A_161 : vector<16xf32>
        %max3A_1803 = arith.constant 0.000000e+00 : f32
        %max3A_1804 = vector.broadcast %max3A_1803 : f32 to vector<16xf32>
        %max3A_1805 = arith.maximumf %add3A_1802, %max3A_1804 : vector<16xf32>
        %add3A_1806 = arith.addf %add3A_1702, %max3A_1805 : vector<16xf32>
        %mul3A_1807 = arith.constant 16 : i32
        %mul3A_1808 = arith.muli %scan3A_123, %mul3A_1807 : i32
        %add3A_1809 = arith.constant 15 : i32
        %add3A_1810 = arith.addi %mul3A_1808, %add3A_1809 : i32
        %get3A_1811 = arith.index_cast %add3A_1810 : i32 to index
        %get3A_1812 = arith.constant 96 : index
        %get3A_1813 = tpu.vector_load %arg7[%get3A_1811, %get3A_1812] {strides = array<i32>} : memref<512x128xf32, #tpu.memory_space<vmem>>, vector<1x16xf32>,
        %get3A_1814 = vector.shape_cast %get3A_1813 : vector<1x16xf32> to vector<16xf32>
        %add3A_1815 = arith.addf %get3A_1814, %get3A_165 : vector<16xf32>
        %max3A_1816 = arith.constant 0.000000e+00 : f32
        %max3A_1817 = vector.broadcast %max3A_1816 : f32 to vector<16xf32>
        %max3A_1818 = arith.maximumf %add3A_1815, %max3A_1817 : vector<16xf32>
        %add3A_1819 = arith.addf %add3A_1715, %max3A_1818 : vector<16xf32>
        %mul3A_1820 = arith.constant 16 : i32
        %mul3A_1821 = arith.muli %scan3A_123, %mul3A_1820 : i32
        %add3A_1822 = arith.constant 15 : i32
        %add3A_1823 = arith.addi %mul3A_1821, %add3A_1822 : i32
        %get3A_1824 = arith.index_cast %add3A_1823 : i32 to index
        %get3A_1825 = arith.constant 112 : index
        %get3A_1826 = tpu.vector_load %arg7[%get3A_1824, %get3A_1825] {strides = array<i32>} : memref<512x128xf32, #tpu.memory_space<vmem>>, vector<1x16xf32>,
        %get3A_1827 = vector.shape_cast %get3A_1826 : vector<1x16xf32> to vector<16xf32>
        %add3A_1828 = arith.addf %get3A_1827, %get3A_169 : vector<16xf32>
        %max3A_1829 = arith.constant 0.000000e+00 : f32
        %max3A_1830 = vector.broadcast %max3A_1829 : f32 to vector<16xf32>
        %max3A_1831 = arith.maximumf %add3A_1828, %max3A_1830 : vector<16xf32>
        %add3A_1832 = arith.addf %add3A_1728, %max3A_1831 : vector<16xf32>
        %mul3A_1833 = arith.constant 6.250000e-02 : f32
        %mul3A_1834 = vector.broadcast %mul3A_1833 : f32 to vector<16xf32>
        %mul3A_1835 = arith.mulf %add3A_1741, %mul3A_1834 : vector<16xf32>
        %swap3A = arith.index_cast %scan3A_123 : i32 to index
        %swap3A_1836 = arith.constant 0 : index
        %swap3A_1837 = tpu.vector_load %arg9[%swap3A, %swap3A_1836] {strides = array<i32>} : memref<32x128xf32, #tpu.memory_space<vmem>>, vector<1x16xf32>,
        %swap3A_1838 = vector.shape_cast %swap3A_1837 : vector<1x16xf32> to vector<16xf32>
        %swap3A_1839 = vector.shape_cast %mul3A_1835 : vector<16xf32> to vector<1x16xf32>
        tpu.vector_store %arg9[%swap3A, %swap3A_1836], %swap3A_1839 {strides = array<i32>} : memref<32x128xf32, #tpu.memory_space<vmem>>, vector<1x16xf32>,
        %mul3A_1840 = arith.constant 6.250000e-02 : f32
        %mul3A_1841 = vector.broadcast %mul3A_1840 : f32 to vector<16xf32>
        %mul3A_1842 = arith.mulf %add3A_1754, %mul3A_1841 : vector<16xf32>
        %swap3A_1843 = arith.index_cast %scan3A_123 : i32 to index
        %swap3A_1844 = arith.constant 16 : index
        %swap3A_1845 = tpu.vector_load %arg9[%swap3A_1843, %swap3A_1844] {strides = array<i32>} : memref<32x128xf32, #tpu.memory_space<vmem>>, vector<1x16xf32>,
        %swap3A_1846 = vector.shape_cast %swap3A_1845 : vector<1x16xf32> to vector<16xf32>
        %swap3A_1847 = vector.shape_cast %mul3A_1842 : vector<16xf32> to vector<1x16xf32>
        tpu.vector_store %arg9[%swap3A_1843, %swap3A_1844], %swap3A_1847 {strides = array<i32>} : memref<32x128xf32, #tpu.memory_space<vmem>>, vector<1x16xf32>,
        %mul3A_1848 = arith.constant 6.250000e-02 : f32
        %mul3A_1849 = vector.broadcast %mul3A_1848 : f32 to vector<16xf32>
        %mul3A_1850 = arith.mulf %add3A_1767, %mul3A_1849 : vector<16xf32>
        %swap3A_1851 = arith.index_cast %scan3A_123 : i32 to index
        %swap3A_1852 = arith.constant 32 : index
        %swap3A_1853 = tpu.vector_load %arg9[%swap3A_1851, %swap3A_1852] {strides = array<i32>} : memref<32x128xf32, #tpu.memory_space<vmem>>, vector<1x16xf32>,
        %swap3A_1854 = vector.shape_cast %swap3A_1853 : vector<1x16xf32> to vector<16xf32>
        %swap3A_1855 = vector.shape_cast %mul3A_1850 : vector<16xf32> to vector<1x16xf32>
        tpu.vector_store %arg9[%swap3A_1851, %swap3A_1852], %swap3A_1855 {strides = array<i32>} : memref<32x128xf32, #tpu.memory_space<vmem>>, vector<1x16xf32>,
        %mul3A_1856 = arith.constant 6.250000e-02 : f32
        %mul3A_1857 = vector.broadcast %mul3A_1856 : f32 to vector<16xf32>
        %mul3A_1858 = arith.mulf %add3A_1780, %mul3A_1857 : vector<16xf32>
        %swap3A_1859 = arith.index_cast %scan3A_123 : i32 to index
        %swap3A_1860 = arith.constant 48 : index
        %swap3A_1861 = tpu.vector_load %arg9[%swap3A_1859, %swap3A_1860] {strides = array<i32>} : memref<32x128xf32, #tpu.memory_space<vmem>>, vector<1x16xf32>,
        %swap3A_1862 = vector.shape_cast %swap3A_1861 : vector<1x16xf32> to vector<16xf32>
        %swap3A_1863 = vector.shape_cast %mul3A_1858 : vector<16xf32> to vector<1x16xf32>
        tpu.vector_store %arg9[%swap3A_1859, %swap3A_1860], %swap3A_1863 {strides = array<i32>} : memref<32x128xf32, #tpu.memory_space<vmem>>, vector<1x16xf32>,
        %mul3A_1864 = arith.constant 6.250000e-02 : f32
        %mul3A_1865 = vector.broadcast %mul3A_1864 : f32 to vector<16xf32>
        %mul3A_1866 = arith.mulf %add3A_1793, %mul3A_1865 : vector<16xf32>
        %swap3A_1867 = arith.index_cast %scan3A_123 : i32 to index
        %swap3A_1868 = arith.constant 64 : index
        %swap3A_1869 = tpu.vector_load %arg9[%swap3A_1867, %swap3A_1868] {strides = array<i32>} : memref<32x128xf32, #tpu.memory_space<vmem>>, vector<1x16xf32>,
        %swap3A_1870 = vector.shape_cast %swap3A_1869 : vector<1x16xf32> to vector<16xf32>
        %swap3A_1871 = vector.shape_cast %mul3A_1866 : vector<16xf32> to vector<1x16xf32>
        tpu.vector_store %arg9[%swap3A_1867, %swap3A_1868], %swap3A_1871 {strides = array<i32>} : memref<32x128xf32, #tpu.memory_space<vmem>>, vector<1x16xf32>,
        %mul3A_1872 = arith.constant 6.250000e-02 : f32
        %mul3A_1873 = vector.broadcast %mul3A_1872 : f32 to vector<16xf32>
        %mul3A_1874 = arith.mulf %add3A_1806, %mul3A_1873 : vector<16xf32>
        %swap3A_1875 = arith.index_cast %scan3A_123 : i32 to index
        %swap3A_1876 = arith.constant 80 : index
        %swap3A_1877 = tpu.vector_load %arg9[%swap3A_1875, %swap3A_1876] {strides = array<i32>} : memref<32x128xf32, #tpu.memory_space<vmem>>, vector<1x16xf32>,
        %swap3A_1878 = vector.shape_cast %swap3A_1877 : vector<1x16xf32> to vector<16xf32>
        %swap3A_1879 = vector.shape_cast %mul3A_1874 : vector<16xf32> to vector<1x16xf32>
        tpu.vector_store %arg9[%swap3A_1875, %swap3A_1876], %swap3A_1879 {strides = array<i32>} : memref<32x128xf32, #tpu.memory_space<vmem>>, vector<1x16xf32>,
        %mul3A_1880 = arith.constant 6.250000e-02 : f32
        %mul3A_1881 = vector.broadcast %mul3A_1880 : f32 to vector<16xf32>
        %mul3A_1882 = arith.mulf %add3A_1819, %mul3A_1881 : vector<16xf32>
        %swap3A_1883 = arith.index_cast %scan3A_123 : i32 to index
        %swap3A_1884 = arith.constant 96 : index
        %swap3A_1885 = tpu.vector_load %arg9[%swap3A_1883, %swap3A_1884] {strides = array<i32>} : memref<32x128xf32, #tpu.memory_space<vmem>>, vector<1x16xf32>,
        %swap3A_1886 = vector.shape_cast %swap3A_1885 : vector<1x16xf32> to vector<16xf32>
        %swap3A_1887 = vector.shape_cast %mul3A_1882 : vector<16xf32> to vector<1x16xf32>
        tpu.vector_store %arg9[%swap3A_1883, %swap3A_1884], %swap3A_1887 {strides = array<i32>} : memref<32x128xf32, #tpu.memory_space<vmem>>, vector<1x16xf32>,
        %mul3A_1888 = arith.constant 6.250000e-02 : f32
        %mul3A_1889 = vector.broadcast %mul3A_1888 : f32 to vector<16xf32>
        %mul3A_1890 = arith.mulf %add3A_1832, %mul3A_1889 : vector<16xf32>
        %swap3A_1891 = arith.index_cast %scan3A_123 : i32 to index
        %swap3A_1892 = arith.constant 112 : index
        %swap3A_1893 = tpu.vector_load %arg9[%swap3A_1891, %swap3A_1892] {strides = array<i32>} : memref<32x128xf32, #tpu.memory_space<vmem>>, vector<1x16xf32>,
        %swap3A_1894 = vector.shape_cast %swap3A_1893 : vector<1x16xf32> to vector<16xf32>
        %swap3A_1895 = vector.shape_cast %mul3A_1890 : vector<16xf32> to vector<1x16xf32>
        tpu.vector_store %arg9[%swap3A_1891, %swap3A_1892], %swap3A_1895 {strides = array<i32>} : memref<32x128xf32, #tpu.memory_space<vmem>>, vector<1x16xf32>,
      }
      %scan3A_122 = arith.constant 32 : i32
      "tpu.region"() ({
        %run_scoped3A = tpu.sem_alloc : memref<!tpu.dma_semaphore, #tpu.memory_space<semaphore_mem>>
        %dma_start3A_123 = arith.constant 0 : i32
        %dma_start3A_124 = tpu.memref_slice %arg5[%multiple_of3A_30, %dma_start3A_123] : memref<16384x128xf32, #tpu.memory_space<hbm>> -> memref<32x128xf32, #tpu.memory_space<hbm>>
        %dma_start3A_125 = arith.constant 0 : i32
        %dma_start3A_126 = tpu.memref_slice %arg5[%multiple_of3A_30, %dma_start3A_125] : memref<16384x128xf32, #tpu.memory_space<hbm>> -> memref<32x128xf32, #tpu.memory_space<hbm>>
        tpu.enqueue_dma source(%arg9 : memref<32x128xf32, #tpu.memory_space<vmem>>) target(%dma_start3A_126 : memref<32x128xf32, #tpu.memory_space<hbm>>) target_semaphore(%run_scoped3A : memref<!tpu.dma_semaphore, #tpu.memory_space<semaphore_mem>>)
        %dma_wait3A_127 = arith.constant 0 : i32
        %dma_wait3A_128 = tpu.memref_slice %arg5[%multiple_of3A_30, %dma_wait3A_127] : memref<16384x128xf32, #tpu.memory_space<hbm>> -> memref<32x128xf32, #tpu.memory_space<hbm>>
        %dma_wait3A_129 = arith.constant 0 : i32
        %dma_wait3A_130 = tpu.memref_slice %arg5[%multiple_of3A_30, %dma_wait3A_129] : memref<16384x128xf32, #tpu.memory_space<hbm>> -> memref<32x128xf32, #tpu.memory_space<hbm>>
        tpu.wait_dma2 semaphore(%run_scoped3A : memref<!tpu.dma_semaphore, #tpu.memory_space<semaphore_mem>>) src(%arg9 : memref<32x128xf32, #tpu.memory_space<vmem>>) dst(%dma_wait3A_130 : memref<32x128xf32, #tpu.memory_space<hbm>>)
        tpu.yield
      }) : () -> ()
    }
    %scan3A_25 = arith.constant 16 : i32
    return
  }
}

module attributes {stable_mosaic.version = 14 : i64} {
  func.func @_knn_body(%arg0: i32, %arg1: i32, %arg2: memref<1x256x64xf32, #tpu.memory_space<vmem>>, %arg3: memref<1x2048x64xf32, #tpu.memory_space<vmem>>, %arg4: memref<64x128xf32, #tpu.memory_space<vmem>>, %arg5: memref<64x128xf32, #tpu.memory_space<vmem>>, %arg6: memref<1x128xf32, #tpu.memory_space<vmem>>, %arg7: memref<256x16xi32, #tpu.memory_space<vmem>>, %arg8: memref<256x128xf32, #tpu.memory_space<vmem>>, %arg9: memref<256x128xf32, #tpu.memory_space<vmem>>) attributes {dimension_semantics = [#tpu.dimension_semantics<arbitrary>, #tpu.dimension_semantics<arbitrary>], iteration_bounds = array<i64: 8, 8>, scalar_prefetch = 0 : i64, scratch_operands = 0 : i64, tpu.core_type = #tpu.core_type<tc>, window_params = [{transform_indices = @transform_0, window_bounds = array<i64: 1, 256, 64>}, {transform_indices = @transform_1, window_bounds = array<i64: 1, 2048, 64>}, {pipeline_mode = #tpu.pipeline_mode<synchronous>, transform_indices = @transform_2, window_bounds = array<i64: 64, 128>}, {pipeline_mode = #tpu.pipeline_mode<synchronous>, transform_indices = @transform_3, window_bounds = array<i64: 64, 128>}, {pipeline_mode = #tpu.pipeline_mode<synchronous>, transform_indices = @transform_4, window_bounds = array<i64: 1, 128>}, {transform_indices = @transform_5, window_bounds = array<i64: 256, 16>}, {transform_indices = @transform_6, window_bounds = array<i64: 256, 128>}, {transform_indices = @transform_7, window_bounds = array<i64: 256, 128>}]} {
    %get3A = arith.constant 0 : index
    %get3A_0 = arith.constant 0 : index
    %get3A_1 = arith.constant 0 : index
    %get3A_2 = vector.load %arg2[%get3A, %get3A_0, %get3A_1] : memref<1x256x64xf32, #tpu.memory_space<vmem>>, vector<1x256x64xf32>
    %get3A_3 = vector.shape_cast %get3A_2 : vector<1x256x64xf32> to vector<256x64xf32>
    %get3A_4 = arith.constant 0 : index
    %get3A_5 = arith.constant 0 : index
    %get3A_6 = arith.constant 0 : index
    %get3A_7 = vector.load %arg3[%get3A_4, %get3A_5, %get3A_6] : memref<1x2048x64xf32, #tpu.memory_space<vmem>>, vector<1x2048x64xf32>
    %get3A_8 = vector.shape_cast %get3A_7 : vector<1x2048x64xf32> to vector<2048x64xf32>
    %dot_general3A = arith.constant dense<0.000000e+00> : vector<256x2048xf32>
    %dot_general3A_9 = tpu.matmul %get3A_3, %get3A_8, %dot_general3A {dimension_numbers = #tpu.dot_dimension_numbers<[1], [1], [0], [0], [0, 0, 1, 0], [], []>, transpose_lhs_hint = false} : vector<256x64xf32>, vector<2048x64xf32>, vector<256x2048xf32> -> vector<256x2048xf32>
    %mul3A = arith.mulf %get3A_3, %get3A_3 : vector<256x64xf32>
    %reduce_sum3A = arith.constant dense<0.000000e+00> : vector<256xf32>
    %reduce_sum3A_10 = vector.multi_reduction <add>, %mul3A, %reduce_sum3A [1] : vector<256x64xf32> to vector<256xf32>
    %broadcast_in_dim3A = vector.shape_cast %reduce_sum3A_10 : vector<256xf32> to vector<256x1xf32>
    %mul3A_11 = arith.mulf %get3A_8, %get3A_8 : vector<2048x64xf32>
    %reduce_sum3A_12 = arith.constant dense<0.000000e+00> : vector<2048xf32>
    %reduce_sum3A_13 = vector.multi_reduction <add>, %mul3A_11, %reduce_sum3A_12 [1] : vector<2048x64xf32> to vector<2048xf32>
    %broadcast_in_dim3A_14 = vector.shape_cast %reduce_sum3A_13 : vector<2048xf32> to vector<1x2048xf32>
    %mul3A_15 = arith.constant -2.000000e+00 : f32
    %mul3A_16 = vector.broadcast %mul3A_15 : f32 to vector<256x2048xf32>
    %mul3A_17 = arith.mulf %mul3A_16, %dot_general3A_9 : vector<256x2048xf32>
    %add3A = vector.broadcast %broadcast_in_dim3A : vector<256x1xf32> to vector<256x2048xf32>
    %add3A_18 = arith.addf %mul3A_17, %add3A : vector<256x2048xf32>
    %add3A_19 = vector.broadcast %broadcast_in_dim3A_14 : vector<1x2048xf32> to vector<256x2048xf32>
    %add3A_20 = arith.addf %add3A_18, %add3A_19 : vector<256x2048xf32>
    %abs3A = math.absf %add3A_20 : vector<256x2048xf32>
    %iota3A = tpu.iota {dimensions = array<i32: 1>} : vector<256x2048xi32>
    %iota3A_21 = tpu.iota {dimensions = array<i32: 0>} : vector<256x2048xi32>
    %mul3A_22 = arith.constant 256 : i32
    %mul3A_23 = arith.muli %arg1, %mul3A_22 : i32
    %add3A_24 = vector.broadcast %mul3A_23 : i32 to vector<256x2048xi32>
    %add3A_25 = arith.addi %iota3A_21, %add3A_24 : vector<256x2048xi32>
    %eq3A = arith.cmpi eq, %iota3A, %add3A_25 : vector<256x2048xi32>
    %jit3A = arith.constant 0x7F800000 : f32
    %broadcast_in_dim3A_26 = vector.broadcast %jit3A : f32 to vector<256x2048xf32>
    %select_n3A = arith.select %eq3A, %broadcast_in_dim3A_26, %abs3A : vector<256x2048xi1>, vector<256x2048xf32>
    %mul3A_27 = arith.constant 2048 : i32
    %mul3A_28 = arith.muli %arg0, %mul3A_27 : i32
    %reduce_min3A = arith.constant dense<0x7F800000> : vector<256xf32>
    %reduce_min3A_29 = vector.multi_reduction <minimumf>, %select_n3A, %reduce_min3A [1] : vector<256x2048xf32> to vector<256xf32>
    %broadcast_in_dim3A_30 = vector.shape_cast %reduce_min3A_29 : vector<256xf32> to vector<256x1xf32>
    %eq3A_31 = vector.broadcast %broadcast_in_dim3A_30 : vector<256x1xf32> to vector<256x2048xf32>
    %eq3A_32 = arith.cmpf oeq, %select_n3A, %eq3A_31 : vector<256x2048xf32>
    %jit3A_33 = arith.constant 2048 : i32
    %broadcast_in_dim3A_34 = vector.broadcast %jit3A_33 : i32 to vector<256x2048xi32>
    %select_n3A_35 = arith.select %eq3A_32, %iota3A, %broadcast_in_dim3A_34 : vector<256x2048xi1>, vector<256x2048xi32>
    %reduce_min3A_36 = arith.constant dense<2147483647> : vector<256xi32>
    %reduce_min3A_37 = vector.multi_reduction <minsi>, %select_n3A_35, %reduce_min3A_36 [1] : vector<256x2048xi32> to vector<256xi32>
    %broadcast_in_dim3A_38 = vector.shape_cast %reduce_min3A_37 : vector<256xi32> to vector<256x1xi32>
    %add3A_39 = vector.broadcast %mul3A_28 : i32 to vector<256x1xi32>
    %add3A_40 = arith.addi %broadcast_in_dim3A_38, %add3A_39 : vector<256x1xi32>
    %eq3A_41 = vector.broadcast %broadcast_in_dim3A_38 : vector<256x1xi32> to vector<256x2048xi32>
    %eq3A_42 = arith.cmpi eq, %iota3A, %eq3A_41 : vector<256x2048xi32>
    %jit3A_43 = arith.constant 0x7F800000 : f32
    %broadcast_in_dim3A_44 = vector.broadcast %jit3A_43 : f32 to vector<256x2048xf32>
    %select_n3A_45 = arith.select %eq3A_42, %broadcast_in_dim3A_44, %select_n3A : vector<256x2048xi1>, vector<256x2048xf32>
    %reduce_min3A_46 = arith.constant dense<0x7F800000> : vector<256xf32>
    %reduce_min3A_47 = vector.multi_reduction <minimumf>, %select_n3A_45, %reduce_min3A_46 [1] : vector<256x2048xf32> to vector<256xf32>
    %broadcast_in_dim3A_48 = vector.shape_cast %reduce_min3A_47 : vector<256xf32> to vector<256x1xf32>
    %eq3A_49 = vector.broadcast %broadcast_in_dim3A_48 : vector<256x1xf32> to vector<256x2048xf32>
    %eq3A_50 = arith.cmpf oeq, %select_n3A_45, %eq3A_49 : vector<256x2048xf32>
    %jit3A_51 = arith.constant 2048 : i32
    %broadcast_in_dim3A_52 = vector.broadcast %jit3A_51 : i32 to vector<256x2048xi32>
    %select_n3A_53 = arith.select %eq3A_50, %iota3A, %broadcast_in_dim3A_52 : vector<256x2048xi1>, vector<256x2048xi32>
    %reduce_min3A_54 = arith.constant dense<2147483647> : vector<256xi32>
    %reduce_min3A_55 = vector.multi_reduction <minsi>, %select_n3A_53, %reduce_min3A_54 [1] : vector<256x2048xi32> to vector<256xi32>
    %broadcast_in_dim3A_56 = vector.shape_cast %reduce_min3A_55 : vector<256xi32> to vector<256x1xi32>
    %add3A_57 = vector.broadcast %mul3A_28 : i32 to vector<256x1xi32>
    %add3A_58 = arith.addi %broadcast_in_dim3A_56, %add3A_57 : vector<256x1xi32>
    %eq3A_59 = vector.broadcast %broadcast_in_dim3A_56 : vector<256x1xi32> to vector<256x2048xi32>
    %eq3A_60 = arith.cmpi eq, %iota3A, %eq3A_59 : vector<256x2048xi32>
    %jit3A_61 = arith.constant 0x7F800000 : f32
    %broadcast_in_dim3A_62 = vector.broadcast %jit3A_61 : f32 to vector<256x2048xf32>
    %select_n3A_63 = arith.select %eq3A_60, %broadcast_in_dim3A_62, %select_n3A_45 : vector<256x2048xi1>, vector<256x2048xf32>
    %reduce_min3A_64 = arith.constant dense<0x7F800000> : vector<256xf32>
    %reduce_min3A_65 = vector.multi_reduction <minimumf>, %select_n3A_63, %reduce_min3A_64 [1] : vector<256x2048xf32> to vector<256xf32>
    %broadcast_in_dim3A_66 = vector.shape_cast %reduce_min3A_65 : vector<256xf32> to vector<256x1xf32>
    %eq3A_67 = vector.broadcast %broadcast_in_dim3A_66 : vector<256x1xf32> to vector<256x2048xf32>
    %eq3A_68 = arith.cmpf oeq, %select_n3A_63, %eq3A_67 : vector<256x2048xf32>
    %jit3A_69 = arith.constant 2048 : i32
    %broadcast_in_dim3A_70 = vector.broadcast %jit3A_69 : i32 to vector<256x2048xi32>
    %select_n3A_71 = arith.select %eq3A_68, %iota3A, %broadcast_in_dim3A_70 : vector<256x2048xi1>, vector<256x2048xi32>
    %reduce_min3A_72 = arith.constant dense<2147483647> : vector<256xi32>
    %reduce_min3A_73 = vector.multi_reduction <minsi>, %select_n3A_71, %reduce_min3A_72 [1] : vector<256x2048xi32> to vector<256xi32>
    %broadcast_in_dim3A_74 = vector.shape_cast %reduce_min3A_73 : vector<256xi32> to vector<256x1xi32>
    %add3A_75 = vector.broadcast %mul3A_28 : i32 to vector<256x1xi32>
    %add3A_76 = arith.addi %broadcast_in_dim3A_74, %add3A_75 : vector<256x1xi32>
    %eq3A_77 = vector.broadcast %broadcast_in_dim3A_74 : vector<256x1xi32> to vector<256x2048xi32>
    %eq3A_78 = arith.cmpi eq, %iota3A, %eq3A_77 : vector<256x2048xi32>
    %jit3A_79 = arith.constant 0x7F800000 : f32
    %broadcast_in_dim3A_80 = vector.broadcast %jit3A_79 : f32 to vector<256x2048xf32>
    %select_n3A_81 = arith.select %eq3A_78, %broadcast_in_dim3A_80, %select_n3A_63 : vector<256x2048xi1>, vector<256x2048xf32>
    %reduce_min3A_82 = arith.constant dense<0x7F800000> : vector<256xf32>
    %reduce_min3A_83 = vector.multi_reduction <minimumf>, %select_n3A_81, %reduce_min3A_82 [1] : vector<256x2048xf32> to vector<256xf32>
    %broadcast_in_dim3A_84 = vector.shape_cast %reduce_min3A_83 : vector<256xf32> to vector<256x1xf32>
    %eq3A_85 = vector.broadcast %broadcast_in_dim3A_84 : vector<256x1xf32> to vector<256x2048xf32>
    %eq3A_86 = arith.cmpf oeq, %select_n3A_81, %eq3A_85 : vector<256x2048xf32>
    %jit3A_87 = arith.constant 2048 : i32
    %broadcast_in_dim3A_88 = vector.broadcast %jit3A_87 : i32 to vector<256x2048xi32>
    %select_n3A_89 = arith.select %eq3A_86, %iota3A, %broadcast_in_dim3A_88 : vector<256x2048xi1>, vector<256x2048xi32>
    %reduce_min3A_90 = arith.constant dense<2147483647> : vector<256xi32>
    %reduce_min3A_91 = vector.multi_reduction <minsi>, %select_n3A_89, %reduce_min3A_90 [1] : vector<256x2048xi32> to vector<256xi32>
    %broadcast_in_dim3A_92 = vector.shape_cast %reduce_min3A_91 : vector<256xi32> to vector<256x1xi32>
    %add3A_93 = vector.broadcast %mul3A_28 : i32 to vector<256x1xi32>
    %add3A_94 = arith.addi %broadcast_in_dim3A_92, %add3A_93 : vector<256x1xi32>
    %eq3A_95 = vector.broadcast %broadcast_in_dim3A_92 : vector<256x1xi32> to vector<256x2048xi32>
    %eq3A_96 = arith.cmpi eq, %iota3A, %eq3A_95 : vector<256x2048xi32>
    %jit3A_97 = arith.constant 0x7F800000 : f32
    %broadcast_in_dim3A_98 = vector.broadcast %jit3A_97 : f32 to vector<256x2048xf32>
    %select_n3A_99 = arith.select %eq3A_96, %broadcast_in_dim3A_98, %select_n3A_81 : vector<256x2048xi1>, vector<256x2048xf32>
    %reduce_min3A_100 = arith.constant dense<0x7F800000> : vector<256xf32>
    %reduce_min3A_101 = vector.multi_reduction <minimumf>, %select_n3A_99, %reduce_min3A_100 [1] : vector<256x2048xf32> to vector<256xf32>
    %broadcast_in_dim3A_102 = vector.shape_cast %reduce_min3A_101 : vector<256xf32> to vector<256x1xf32>
    %eq3A_103 = vector.broadcast %broadcast_in_dim3A_102 : vector<256x1xf32> to vector<256x2048xf32>
    %eq3A_104 = arith.cmpf oeq, %select_n3A_99, %eq3A_103 : vector<256x2048xf32>
    %jit3A_105 = arith.constant 2048 : i32
    %broadcast_in_dim3A_106 = vector.broadcast %jit3A_105 : i32 to vector<256x2048xi32>
    %select_n3A_107 = arith.select %eq3A_104, %iota3A, %broadcast_in_dim3A_106 : vector<256x2048xi1>, vector<256x2048xi32>
    %reduce_min3A_108 = arith.constant dense<2147483647> : vector<256xi32>
    %reduce_min3A_109 = vector.multi_reduction <minsi>, %select_n3A_107, %reduce_min3A_108 [1] : vector<256x2048xi32> to vector<256xi32>
    %broadcast_in_dim3A_110 = vector.shape_cast %reduce_min3A_109 : vector<256xi32> to vector<256x1xi32>
    %add3A_111 = vector.broadcast %mul3A_28 : i32 to vector<256x1xi32>
    %add3A_112 = arith.addi %broadcast_in_dim3A_110, %add3A_111 : vector<256x1xi32>
    %eq3A_113 = vector.broadcast %broadcast_in_dim3A_110 : vector<256x1xi32> to vector<256x2048xi32>
    %eq3A_114 = arith.cmpi eq, %iota3A, %eq3A_113 : vector<256x2048xi32>
    %jit3A_115 = arith.constant 0x7F800000 : f32
    %broadcast_in_dim3A_116 = vector.broadcast %jit3A_115 : f32 to vector<256x2048xf32>
    %select_n3A_117 = arith.select %eq3A_114, %broadcast_in_dim3A_116, %select_n3A_99 : vector<256x2048xi1>, vector<256x2048xf32>
    %reduce_min3A_118 = arith.constant dense<0x7F800000> : vector<256xf32>
    %reduce_min3A_119 = vector.multi_reduction <minimumf>, %select_n3A_117, %reduce_min3A_118 [1] : vector<256x2048xf32> to vector<256xf32>
    %broadcast_in_dim3A_120 = vector.shape_cast %reduce_min3A_119 : vector<256xf32> to vector<256x1xf32>
    %eq3A_121 = vector.broadcast %broadcast_in_dim3A_120 : vector<256x1xf32> to vector<256x2048xf32>
    %eq3A_122 = arith.cmpf oeq, %select_n3A_117, %eq3A_121 : vector<256x2048xf32>
    %jit3A_123 = arith.constant 2048 : i32
    %broadcast_in_dim3A_124 = vector.broadcast %jit3A_123 : i32 to vector<256x2048xi32>
    %select_n3A_125 = arith.select %eq3A_122, %iota3A, %broadcast_in_dim3A_124 : vector<256x2048xi1>, vector<256x2048xi32>
    %reduce_min3A_126 = arith.constant dense<2147483647> : vector<256xi32>
    %reduce_min3A_127 = vector.multi_reduction <minsi>, %select_n3A_125, %reduce_min3A_126 [1] : vector<256x2048xi32> to vector<256xi32>
    %broadcast_in_dim3A_128 = vector.shape_cast %reduce_min3A_127 : vector<256xi32> to vector<256x1xi32>
    %add3A_129 = vector.broadcast %mul3A_28 : i32 to vector<256x1xi32>
    %add3A_130 = arith.addi %broadcast_in_dim3A_128, %add3A_129 : vector<256x1xi32>
    %eq3A_131 = vector.broadcast %broadcast_in_dim3A_128 : vector<256x1xi32> to vector<256x2048xi32>
    %eq3A_132 = arith.cmpi eq, %iota3A, %eq3A_131 : vector<256x2048xi32>
    %jit3A_133 = arith.constant 0x7F800000 : f32
    %broadcast_in_dim3A_134 = vector.broadcast %jit3A_133 : f32 to vector<256x2048xf32>
    %select_n3A_135 = arith.select %eq3A_132, %broadcast_in_dim3A_134, %select_n3A_117 : vector<256x2048xi1>, vector<256x2048xf32>
    %reduce_min3A_136 = arith.constant dense<0x7F800000> : vector<256xf32>
    %reduce_min3A_137 = vector.multi_reduction <minimumf>, %select_n3A_135, %reduce_min3A_136 [1] : vector<256x2048xf32> to vector<256xf32>
    %broadcast_in_dim3A_138 = vector.shape_cast %reduce_min3A_137 : vector<256xf32> to vector<256x1xf32>
    %eq3A_139 = vector.broadcast %broadcast_in_dim3A_138 : vector<256x1xf32> to vector<256x2048xf32>
    %eq3A_140 = arith.cmpf oeq, %select_n3A_135, %eq3A_139 : vector<256x2048xf32>
    %jit3A_141 = arith.constant 2048 : i32
    %broadcast_in_dim3A_142 = vector.broadcast %jit3A_141 : i32 to vector<256x2048xi32>
    %select_n3A_143 = arith.select %eq3A_140, %iota3A, %broadcast_in_dim3A_142 : vector<256x2048xi1>, vector<256x2048xi32>
    %reduce_min3A_144 = arith.constant dense<2147483647> : vector<256xi32>
    %reduce_min3A_145 = vector.multi_reduction <minsi>, %select_n3A_143, %reduce_min3A_144 [1] : vector<256x2048xi32> to vector<256xi32>
    %broadcast_in_dim3A_146 = vector.shape_cast %reduce_min3A_145 : vector<256xi32> to vector<256x1xi32>
    %add3A_147 = vector.broadcast %mul3A_28 : i32 to vector<256x1xi32>
    %add3A_148 = arith.addi %broadcast_in_dim3A_146, %add3A_147 : vector<256x1xi32>
    %eq3A_149 = vector.broadcast %broadcast_in_dim3A_146 : vector<256x1xi32> to vector<256x2048xi32>
    %eq3A_150 = arith.cmpi eq, %iota3A, %eq3A_149 : vector<256x2048xi32>
    %jit3A_151 = arith.constant 0x7F800000 : f32
    %broadcast_in_dim3A_152 = vector.broadcast %jit3A_151 : f32 to vector<256x2048xf32>
    %select_n3A_153 = arith.select %eq3A_150, %broadcast_in_dim3A_152, %select_n3A_135 : vector<256x2048xi1>, vector<256x2048xf32>
    %reduce_min3A_154 = arith.constant dense<0x7F800000> : vector<256xf32>
    %reduce_min3A_155 = vector.multi_reduction <minimumf>, %select_n3A_153, %reduce_min3A_154 [1] : vector<256x2048xf32> to vector<256xf32>
    %broadcast_in_dim3A_156 = vector.shape_cast %reduce_min3A_155 : vector<256xf32> to vector<256x1xf32>
    %eq3A_157 = vector.broadcast %broadcast_in_dim3A_156 : vector<256x1xf32> to vector<256x2048xf32>
    %eq3A_158 = arith.cmpf oeq, %select_n3A_153, %eq3A_157 : vector<256x2048xf32>
    %jit3A_159 = arith.constant 2048 : i32
    %broadcast_in_dim3A_160 = vector.broadcast %jit3A_159 : i32 to vector<256x2048xi32>
    %select_n3A_161 = arith.select %eq3A_158, %iota3A, %broadcast_in_dim3A_160 : vector<256x2048xi1>, vector<256x2048xi32>
    %reduce_min3A_162 = arith.constant dense<2147483647> : vector<256xi32>
    %reduce_min3A_163 = vector.multi_reduction <minsi>, %select_n3A_161, %reduce_min3A_162 [1] : vector<256x2048xi32> to vector<256xi32>
    %broadcast_in_dim3A_164 = vector.shape_cast %reduce_min3A_163 : vector<256xi32> to vector<256x1xi32>
    %add3A_165 = vector.broadcast %mul3A_28 : i32 to vector<256x1xi32>
    %add3A_166 = arith.addi %broadcast_in_dim3A_164, %add3A_165 : vector<256x1xi32>
    %eq3A_167 = vector.broadcast %broadcast_in_dim3A_164 : vector<256x1xi32> to vector<256x2048xi32>
    %eq3A_168 = arith.cmpi eq, %iota3A, %eq3A_167 : vector<256x2048xi32>
    %jit3A_169 = arith.constant 0x7F800000 : f32
    %broadcast_in_dim3A_170 = vector.broadcast %jit3A_169 : f32 to vector<256x2048xf32>
    %select_n3A_171 = arith.select %eq3A_168, %broadcast_in_dim3A_170, %select_n3A_153 : vector<256x2048xi1>, vector<256x2048xf32>
    %reduce_min3A_172 = arith.constant dense<0x7F800000> : vector<256xf32>
    %reduce_min3A_173 = vector.multi_reduction <minimumf>, %select_n3A_171, %reduce_min3A_172 [1] : vector<256x2048xf32> to vector<256xf32>
    %broadcast_in_dim3A_174 = vector.shape_cast %reduce_min3A_173 : vector<256xf32> to vector<256x1xf32>
    %eq3A_175 = vector.broadcast %broadcast_in_dim3A_174 : vector<256x1xf32> to vector<256x2048xf32>
    %eq3A_176 = arith.cmpf oeq, %select_n3A_171, %eq3A_175 : vector<256x2048xf32>
    %jit3A_177 = arith.constant 2048 : i32
    %broadcast_in_dim3A_178 = vector.broadcast %jit3A_177 : i32 to vector<256x2048xi32>
    %select_n3A_179 = arith.select %eq3A_176, %iota3A, %broadcast_in_dim3A_178 : vector<256x2048xi1>, vector<256x2048xi32>
    %reduce_min3A_180 = arith.constant dense<2147483647> : vector<256xi32>
    %reduce_min3A_181 = vector.multi_reduction <minsi>, %select_n3A_179, %reduce_min3A_180 [1] : vector<256x2048xi32> to vector<256xi32>
    %broadcast_in_dim3A_182 = vector.shape_cast %reduce_min3A_181 : vector<256xi32> to vector<256x1xi32>
    %add3A_183 = vector.broadcast %mul3A_28 : i32 to vector<256x1xi32>
    %add3A_184 = arith.addi %broadcast_in_dim3A_182, %add3A_183 : vector<256x1xi32>
    %eq3A_185 = vector.broadcast %broadcast_in_dim3A_182 : vector<256x1xi32> to vector<256x2048xi32>
    %eq3A_186 = arith.cmpi eq, %iota3A, %eq3A_185 : vector<256x2048xi32>
    %jit3A_187 = arith.constant 0x7F800000 : f32
    %broadcast_in_dim3A_188 = vector.broadcast %jit3A_187 : f32 to vector<256x2048xf32>
    %select_n3A_189 = arith.select %eq3A_186, %broadcast_in_dim3A_188, %select_n3A_171 : vector<256x2048xi1>, vector<256x2048xf32>
    %reduce_min3A_190 = arith.constant dense<0x7F800000> : vector<256xf32>
    %reduce_min3A_191 = vector.multi_reduction <minimumf>, %select_n3A_189, %reduce_min3A_190 [1] : vector<256x2048xf32> to vector<256xf32>
    %broadcast_in_dim3A_192 = vector.shape_cast %reduce_min3A_191 : vector<256xf32> to vector<256x1xf32>
    %eq3A_193 = vector.broadcast %broadcast_in_dim3A_192 : vector<256x1xf32> to vector<256x2048xf32>
    %eq3A_194 = arith.cmpf oeq, %select_n3A_189, %eq3A_193 : vector<256x2048xf32>
    %jit3A_195 = arith.constant 2048 : i32
    %broadcast_in_dim3A_196 = vector.broadcast %jit3A_195 : i32 to vector<256x2048xi32>
    %select_n3A_197 = arith.select %eq3A_194, %iota3A, %broadcast_in_dim3A_196 : vector<256x2048xi1>, vector<256x2048xi32>
    %reduce_min3A_198 = arith.constant dense<2147483647> : vector<256xi32>
    %reduce_min3A_199 = vector.multi_reduction <minsi>, %select_n3A_197, %reduce_min3A_198 [1] : vector<256x2048xi32> to vector<256xi32>
    %broadcast_in_dim3A_200 = vector.shape_cast %reduce_min3A_199 : vector<256xi32> to vector<256x1xi32>
    %add3A_201 = vector.broadcast %mul3A_28 : i32 to vector<256x1xi32>
    %add3A_202 = arith.addi %broadcast_in_dim3A_200, %add3A_201 : vector<256x1xi32>
    %eq3A_203 = vector.broadcast %broadcast_in_dim3A_200 : vector<256x1xi32> to vector<256x2048xi32>
    %eq3A_204 = arith.cmpi eq, %iota3A, %eq3A_203 : vector<256x2048xi32>
    %jit3A_205 = arith.constant 0x7F800000 : f32
    %broadcast_in_dim3A_206 = vector.broadcast %jit3A_205 : f32 to vector<256x2048xf32>
    %select_n3A_207 = arith.select %eq3A_204, %broadcast_in_dim3A_206, %select_n3A_189 : vector<256x2048xi1>, vector<256x2048xf32>
    %reduce_min3A_208 = arith.constant dense<0x7F800000> : vector<256xf32>
    %reduce_min3A_209 = vector.multi_reduction <minimumf>, %select_n3A_207, %reduce_min3A_208 [1] : vector<256x2048xf32> to vector<256xf32>
    %broadcast_in_dim3A_210 = vector.shape_cast %reduce_min3A_209 : vector<256xf32> to vector<256x1xf32>
    %eq3A_211 = vector.broadcast %broadcast_in_dim3A_210 : vector<256x1xf32> to vector<256x2048xf32>
    %eq3A_212 = arith.cmpf oeq, %select_n3A_207, %eq3A_211 : vector<256x2048xf32>
    %jit3A_213 = arith.constant 2048 : i32
    %broadcast_in_dim3A_214 = vector.broadcast %jit3A_213 : i32 to vector<256x2048xi32>
    %select_n3A_215 = arith.select %eq3A_212, %iota3A, %broadcast_in_dim3A_214 : vector<256x2048xi1>, vector<256x2048xi32>
    %reduce_min3A_216 = arith.constant dense<2147483647> : vector<256xi32>
    %reduce_min3A_217 = vector.multi_reduction <minsi>, %select_n3A_215, %reduce_min3A_216 [1] : vector<256x2048xi32> to vector<256xi32>
    %broadcast_in_dim3A_218 = vector.shape_cast %reduce_min3A_217 : vector<256xi32> to vector<256x1xi32>
    %add3A_219 = vector.broadcast %mul3A_28 : i32 to vector<256x1xi32>
    %add3A_220 = arith.addi %broadcast_in_dim3A_218, %add3A_219 : vector<256x1xi32>
    %eq3A_221 = vector.broadcast %broadcast_in_dim3A_218 : vector<256x1xi32> to vector<256x2048xi32>
    %eq3A_222 = arith.cmpi eq, %iota3A, %eq3A_221 : vector<256x2048xi32>
    %jit3A_223 = arith.constant 0x7F800000 : f32
    %broadcast_in_dim3A_224 = vector.broadcast %jit3A_223 : f32 to vector<256x2048xf32>
    %select_n3A_225 = arith.select %eq3A_222, %broadcast_in_dim3A_224, %select_n3A_207 : vector<256x2048xi1>, vector<256x2048xf32>
    %reduce_min3A_226 = arith.constant dense<0x7F800000> : vector<256xf32>
    %reduce_min3A_227 = vector.multi_reduction <minimumf>, %select_n3A_225, %reduce_min3A_226 [1] : vector<256x2048xf32> to vector<256xf32>
    %broadcast_in_dim3A_228 = vector.shape_cast %reduce_min3A_227 : vector<256xf32> to vector<256x1xf32>
    %eq3A_229 = vector.broadcast %broadcast_in_dim3A_228 : vector<256x1xf32> to vector<256x2048xf32>
    %eq3A_230 = arith.cmpf oeq, %select_n3A_225, %eq3A_229 : vector<256x2048xf32>
    %jit3A_231 = arith.constant 2048 : i32
    %broadcast_in_dim3A_232 = vector.broadcast %jit3A_231 : i32 to vector<256x2048xi32>
    %select_n3A_233 = arith.select %eq3A_230, %iota3A, %broadcast_in_dim3A_232 : vector<256x2048xi1>, vector<256x2048xi32>
    %reduce_min3A_234 = arith.constant dense<2147483647> : vector<256xi32>
    %reduce_min3A_235 = vector.multi_reduction <minsi>, %select_n3A_233, %reduce_min3A_234 [1] : vector<256x2048xi32> to vector<256xi32>
    %broadcast_in_dim3A_236 = vector.shape_cast %reduce_min3A_235 : vector<256xi32> to vector<256x1xi32>
    %add3A_237 = vector.broadcast %mul3A_28 : i32 to vector<256x1xi32>
    %add3A_238 = arith.addi %broadcast_in_dim3A_236, %add3A_237 : vector<256x1xi32>
    %eq3A_239 = vector.broadcast %broadcast_in_dim3A_236 : vector<256x1xi32> to vector<256x2048xi32>
    %eq3A_240 = arith.cmpi eq, %iota3A, %eq3A_239 : vector<256x2048xi32>
    %jit3A_241 = arith.constant 0x7F800000 : f32
    %broadcast_in_dim3A_242 = vector.broadcast %jit3A_241 : f32 to vector<256x2048xf32>
    %select_n3A_243 = arith.select %eq3A_240, %broadcast_in_dim3A_242, %select_n3A_225 : vector<256x2048xi1>, vector<256x2048xf32>
    %reduce_min3A_244 = arith.constant dense<0x7F800000> : vector<256xf32>
    %reduce_min3A_245 = vector.multi_reduction <minimumf>, %select_n3A_243, %reduce_min3A_244 [1] : vector<256x2048xf32> to vector<256xf32>
    %broadcast_in_dim3A_246 = vector.shape_cast %reduce_min3A_245 : vector<256xf32> to vector<256x1xf32>
    %eq3A_247 = vector.broadcast %broadcast_in_dim3A_246 : vector<256x1xf32> to vector<256x2048xf32>
    %eq3A_248 = arith.cmpf oeq, %select_n3A_243, %eq3A_247 : vector<256x2048xf32>
    %jit3A_249 = arith.constant 2048 : i32
    %broadcast_in_dim3A_250 = vector.broadcast %jit3A_249 : i32 to vector<256x2048xi32>
    %select_n3A_251 = arith.select %eq3A_248, %iota3A, %broadcast_in_dim3A_250 : vector<256x2048xi1>, vector<256x2048xi32>
    %reduce_min3A_252 = arith.constant dense<2147483647> : vector<256xi32>
    %reduce_min3A_253 = vector.multi_reduction <minsi>, %select_n3A_251, %reduce_min3A_252 [1] : vector<256x2048xi32> to vector<256xi32>
    %broadcast_in_dim3A_254 = vector.shape_cast %reduce_min3A_253 : vector<256xi32> to vector<256x1xi32>
    %add3A_255 = vector.broadcast %mul3A_28 : i32 to vector<256x1xi32>
    %add3A_256 = arith.addi %broadcast_in_dim3A_254, %add3A_255 : vector<256x1xi32>
    %eq3A_257 = vector.broadcast %broadcast_in_dim3A_254 : vector<256x1xi32> to vector<256x2048xi32>
    %eq3A_258 = arith.cmpi eq, %iota3A, %eq3A_257 : vector<256x2048xi32>
    %jit3A_259 = arith.constant 0x7F800000 : f32
    %broadcast_in_dim3A_260 = vector.broadcast %jit3A_259 : f32 to vector<256x2048xf32>
    %select_n3A_261 = arith.select %eq3A_258, %broadcast_in_dim3A_260, %select_n3A_243 : vector<256x2048xi1>, vector<256x2048xf32>
    %reduce_min3A_262 = arith.constant dense<0x7F800000> : vector<256xf32>
    %reduce_min3A_263 = vector.multi_reduction <minimumf>, %select_n3A_261, %reduce_min3A_262 [1] : vector<256x2048xf32> to vector<256xf32>
    %broadcast_in_dim3A_264 = vector.shape_cast %reduce_min3A_263 : vector<256xf32> to vector<256x1xf32>
    %eq3A_265 = vector.broadcast %broadcast_in_dim3A_264 : vector<256x1xf32> to vector<256x2048xf32>
    %eq3A_266 = arith.cmpf oeq, %select_n3A_261, %eq3A_265 : vector<256x2048xf32>
    %jit3A_267 = arith.constant 2048 : i32
    %broadcast_in_dim3A_268 = vector.broadcast %jit3A_267 : i32 to vector<256x2048xi32>
    %select_n3A_269 = arith.select %eq3A_266, %iota3A, %broadcast_in_dim3A_268 : vector<256x2048xi1>, vector<256x2048xi32>
    %reduce_min3A_270 = arith.constant dense<2147483647> : vector<256xi32>
    %reduce_min3A_271 = vector.multi_reduction <minsi>, %select_n3A_269, %reduce_min3A_270 [1] : vector<256x2048xi32> to vector<256xi32>
    %broadcast_in_dim3A_272 = vector.shape_cast %reduce_min3A_271 : vector<256xi32> to vector<256x1xi32>
    %add3A_273 = vector.broadcast %mul3A_28 : i32 to vector<256x1xi32>
    %add3A_274 = arith.addi %broadcast_in_dim3A_272, %add3A_273 : vector<256x1xi32>
    %eq3A_275 = vector.broadcast %broadcast_in_dim3A_272 : vector<256x1xi32> to vector<256x2048xi32>
    %eq3A_276 = arith.cmpi eq, %iota3A, %eq3A_275 : vector<256x2048xi32>
    %jit3A_277 = arith.constant 0x7F800000 : f32
    %broadcast_in_dim3A_278 = vector.broadcast %jit3A_277 : f32 to vector<256x2048xf32>
    %select_n3A_279 = arith.select %eq3A_276, %broadcast_in_dim3A_278, %select_n3A_261 : vector<256x2048xi1>, vector<256x2048xf32>
    %reduce_min3A_280 = arith.constant dense<0x7F800000> : vector<256xf32>
    %reduce_min3A_281 = vector.multi_reduction <minimumf>, %select_n3A_279, %reduce_min3A_280 [1] : vector<256x2048xf32> to vector<256xf32>
    %broadcast_in_dim3A_282 = vector.shape_cast %reduce_min3A_281 : vector<256xf32> to vector<256x1xf32>
    %eq3A_283 = vector.broadcast %broadcast_in_dim3A_282 : vector<256x1xf32> to vector<256x2048xf32>
    %eq3A_284 = arith.cmpf oeq, %select_n3A_279, %eq3A_283 : vector<256x2048xf32>
    %jit3A_285 = arith.constant 2048 : i32
    %broadcast_in_dim3A_286 = vector.broadcast %jit3A_285 : i32 to vector<256x2048xi32>
    %select_n3A_287 = arith.select %eq3A_284, %iota3A, %broadcast_in_dim3A_286 : vector<256x2048xi1>, vector<256x2048xi32>
    %reduce_min3A_288 = arith.constant dense<2147483647> : vector<256xi32>
    %reduce_min3A_289 = vector.multi_reduction <minsi>, %select_n3A_287, %reduce_min3A_288 [1] : vector<256x2048xi32> to vector<256xi32>
    %broadcast_in_dim3A_290 = vector.shape_cast %reduce_min3A_289 : vector<256xi32> to vector<256x1xi32>
    %add3A_291 = vector.broadcast %mul3A_28 : i32 to vector<256x1xi32>
    %add3A_292 = arith.addi %broadcast_in_dim3A_290, %add3A_291 : vector<256x1xi32>
    %eq3A_293 = vector.broadcast %broadcast_in_dim3A_290 : vector<256x1xi32> to vector<256x2048xi32>
    %eq3A_294 = arith.cmpi eq, %iota3A, %eq3A_293 : vector<256x2048xi32>
    %jit3A_295 = arith.constant 0x7F800000 : f32
    %broadcast_in_dim3A_296 = vector.broadcast %jit3A_295 : f32 to vector<256x2048xf32>
    %select_n3A_297 = arith.select %eq3A_294, %broadcast_in_dim3A_296, %select_n3A_279 : vector<256x2048xi1>, vector<256x2048xf32>
    %reduce_min3A_298 = arith.constant dense<0x7F800000> : vector<256xf32>
    %reduce_min3A_299 = vector.multi_reduction <minimumf>, %select_n3A_297, %reduce_min3A_298 [1] : vector<256x2048xf32> to vector<256xf32>
    %broadcast_in_dim3A_300 = vector.shape_cast %reduce_min3A_299 : vector<256xf32> to vector<256x1xf32>
    %eq3A_301 = vector.broadcast %broadcast_in_dim3A_300 : vector<256x1xf32> to vector<256x2048xf32>
    %eq3A_302 = arith.cmpf oeq, %select_n3A_297, %eq3A_301 : vector<256x2048xf32>
    %jit3A_303 = arith.constant 2048 : i32
    %broadcast_in_dim3A_304 = vector.broadcast %jit3A_303 : i32 to vector<256x2048xi32>
    %select_n3A_305 = arith.select %eq3A_302, %iota3A, %broadcast_in_dim3A_304 : vector<256x2048xi1>, vector<256x2048xi32>
    %reduce_min3A_306 = arith.constant dense<2147483647> : vector<256xi32>
    %reduce_min3A_307 = vector.multi_reduction <minsi>, %select_n3A_305, %reduce_min3A_306 [1] : vector<256x2048xi32> to vector<256xi32>
    %broadcast_in_dim3A_308 = vector.shape_cast %reduce_min3A_307 : vector<256xi32> to vector<256x1xi32>
    %add3A_309 = vector.broadcast %mul3A_28 : i32 to vector<256x1xi32>
    %add3A_310 = arith.addi %broadcast_in_dim3A_308, %add3A_309 : vector<256x1xi32>
    %concatenate3A = tpu.concatenate %add3A_40, %add3A_58, %add3A_76, %add3A_94, %add3A_112, %add3A_130, %add3A_148, %add3A_166, %add3A_184, %add3A_202, %add3A_220, %add3A_238, %add3A_256, %add3A_274, %add3A_292, %add3A_310 in 1 : vector<256x1xi32>, vector<256x1xi32>, vector<256x1xi32>, vector<256x1xi32>, vector<256x1xi32>, vector<256x1xi32>, vector<256x1xi32>, vector<256x1xi32>, vector<256x1xi32>, vector<256x1xi32>, vector<256x1xi32>, vector<256x1xi32>, vector<256x1xi32>, vector<256x1xi32>, vector<256x1xi32>, vector<256x1xi32> -> vector<256x16xi32>
    %swap3A = arith.constant 0 : index
    %swap3A_311 = arith.constant 0 : index
    %swap3A_312 = vector.load %arg7[%swap3A, %swap3A_311] : memref<256x16xi32, #tpu.memory_space<vmem>>, vector<256x16xi32>
    tpu.vector_store %arg7[%swap3A, %swap3A_311], %concatenate3A {strides = array<i32>} : memref<256x16xi32, #tpu.memory_space<vmem>>, vector<256x16xi32>,
    %get3A_313 = arith.constant 0 : index
    %get3A_314 = arith.constant 0 : index
    %get3A_315 = vector.load %arg4[%get3A_313, %get3A_314] : memref<64x128xf32, #tpu.memory_space<vmem>>, vector<64x128xf32>
    %dot_general3A_316 = arith.constant dense<0.000000e+00> : vector<256x128xf32>
    %dot_general3A_317 = tpu.matmul %get3A_3, %get3A_315, %dot_general3A_316 {dimension_numbers = #tpu.dot_dimension_numbers<[1], [0], [0], [1], [0, 0, 1, 1], [], []>, transpose_lhs_hint = false} : vector<256x64xf32>, vector<64x128xf32>, vector<256x128xf32> -> vector<256x128xf32>
    %get3A_318 = arith.constant 0 : index
    %get3A_319 = arith.constant 0 : index
    %get3A_320 = vector.load %arg6[%get3A_318, %get3A_319] : memref<1x128xf32, #tpu.memory_space<vmem>>, vector<1x128xf32>
    %add3A_321 = vector.broadcast %get3A_320 : vector<1x128xf32> to vector<256x128xf32>
    %add3A_322 = arith.addf %dot_general3A_317, %add3A_321 : vector<256x128xf32>
    %swap3A_323 = arith.constant 0 : index
    %swap3A_324 = arith.constant 0 : index
    %swap3A_325 = vector.load %arg8[%swap3A_323, %swap3A_324] : memref<256x128xf32, #tpu.memory_space<vmem>>, vector<256x128xf32>
    tpu.vector_store %arg8[%swap3A_323, %swap3A_324], %add3A_322 {strides = array<i32>} : memref<256x128xf32, #tpu.memory_space<vmem>>, vector<256x128xf32>,
    %get3A_326 = arith.constant 0 : index
    %get3A_327 = arith.constant 0 : index
    %get3A_328 = vector.load %arg5[%get3A_326, %get3A_327] : memref<64x128xf32, #tpu.memory_space<vmem>>, vector<64x128xf32>
    %dot_general3A_329 = arith.constant dense<0.000000e+00> : vector<256x128xf32>
    %dot_general3A_330 = tpu.matmul %get3A_3, %get3A_328, %dot_general3A_329 {dimension_numbers = #tpu.dot_dimension_numbers<[1], [0], [0], [1], [0, 0, 1, 1], [], []>, transpose_lhs_hint = false} : vector<256x64xf32>, vector<64x128xf32>, vector<256x128xf32> -> vector<256x128xf32>
    %swap3A_331 = arith.constant 0 : index
    %swap3A_332 = arith.constant 0 : index
    %swap3A_333 = vector.load %arg9[%swap3A_331, %swap3A_332] : memref<256x128xf32, #tpu.memory_space<vmem>>, vector<256x128xf32>
    tpu.vector_store %arg9[%swap3A_331, %swap3A_332], %dot_general3A_330 {strides = array<i32>} : memref<256x128xf32, #tpu.memory_space<vmem>>, vector<256x128xf32>,
    return
  }
  func.func @transform_0(%arg0: i32, %arg1: i32) -> (i32, i32, i32) {
    %c0_i32 = arith.constant 0 : i32
    %c0_i32_0 = arith.constant 0 : i32
    return %arg0, %arg1, %c0_i32 : i32, i32, i32
  }
  func.func @transform_1(%arg0: i32, %arg1: i32) -> (i32, i32, i32) {
    %c0_i32 = arith.constant 0 : i32
    %c0_i32_0 = arith.constant 0 : i32
    %c0_i32_1 = arith.constant 0 : i32
    return %arg0, %c0_i32, %c0_i32_0 : i32, i32, i32
  }
  func.func @transform_2(%arg0: i32, %arg1: i32) -> (i32, i32) {
    %c0_i32 = arith.constant 0 : i32
    %c0_i32_0 = arith.constant 0 : i32
    %c0_i32_1 = arith.constant 0 : i32
    return %c0_i32, %c0_i32_0 : i32, i32
  }
  func.func @transform_3(%arg0: i32, %arg1: i32) -> (i32, i32) {
    %c0_i32 = arith.constant 0 : i32
    %c0_i32_0 = arith.constant 0 : i32
    %c0_i32_1 = arith.constant 0 : i32
    return %c0_i32, %c0_i32_0 : i32, i32
  }
  func.func @transform_4(%arg0: i32, %arg1: i32) -> (i32, i32) {
    %c0_i32 = arith.constant 0 : i32
    %c0_i32_0 = arith.constant 0 : i32
    %c0_i32_1 = arith.constant 0 : i32
    return %c0_i32, %c0_i32_0 : i32, i32
  }
  func.func @transform_5(%arg0: i32, %arg1: i32) -> (i32, i32) {
    %mul3A = arith.constant 8 : i32
    %mul3A_0 = arith.muli %arg0, %mul3A : i32
    %add3A = arith.addi %mul3A_0, %arg1 : i32
    %c0_i32 = arith.constant 0 : i32
    %c0_i32_1 = arith.constant 0 : i32
    return %add3A, %c0_i32 : i32, i32
  }
  func.func @transform_6(%arg0: i32, %arg1: i32) -> (i32, i32) {
    %mul3A = arith.constant 8 : i32
    %mul3A_0 = arith.muli %arg0, %mul3A : i32
    %add3A = arith.addi %mul3A_0, %arg1 : i32
    %c0_i32 = arith.constant 0 : i32
    %c0_i32_1 = arith.constant 0 : i32
    return %add3A, %c0_i32 : i32, i32
  }
  func.func @transform_7(%arg0: i32, %arg1: i32) -> (i32, i32) {
    %mul3A = arith.constant 8 : i32
    %mul3A_0 = arith.muli %arg0, %mul3A : i32
    %add3A = arith.addi %mul3A_0, %arg1 : i32
    %c0_i32 = arith.constant 0 : i32
    %c0_i32_1 = arith.constant 0 : i32
    return %add3A, %c0_i32 : i32, i32
  }
}

module attributes {stable_mosaic.version = 14 : i64} {
  func.func @_node_body(%arg0: i32, %arg1: memref<1024x64xf32, #tpu.memory_space<vmem>>, %arg2: memref<1024x128xf32, #tpu.memory_space<vmem>>, %arg3: memref<64x128xf32, #tpu.memory_space<vmem>>, %arg4: memref<128x128xf32, #tpu.memory_space<vmem>>, %arg5: memref<1x128xf32, #tpu.memory_space<vmem>>, %arg6: memref<1024x1xf32, #tpu.memory_space<vmem>>, %arg7: memref<1024x128xf32, #tpu.memory_space<vmem>>) attributes {dimension_semantics = [#tpu.dimension_semantics<arbitrary>], iteration_bounds = array<i64: 16>, scalar_prefetch = 0 : i64, scratch_operands = 0 : i64, tpu.core_type = #tpu.core_type<tc>, window_params = [{transform_indices = @transform_0, window_bounds = array<i64: 1024, 64>}, {transform_indices = @transform_1, window_bounds = array<i64: 1024, 128>}, {pipeline_mode = #tpu.pipeline_mode<synchronous>, transform_indices = @transform_2, window_bounds = array<i64: 64, 128>}, {pipeline_mode = #tpu.pipeline_mode<synchronous>, transform_indices = @transform_3, window_bounds = array<i64: 128, 128>}, {pipeline_mode = #tpu.pipeline_mode<synchronous>, transform_indices = @transform_4, window_bounds = array<i64: 1, 128>}, {transform_indices = @transform_5, window_bounds = array<i64: 1024, 1>}, {transform_indices = @transform_6, window_bounds = array<i64: 1024, 128>}]} {
    %get3A = arith.constant 0 : index
    %get3A_0 = arith.constant 0 : index
    %get3A_1 = vector.load %arg1[%get3A, %get3A_0] : memref<1024x64xf32, #tpu.memory_space<vmem>>, vector<1024x64xf32>
    %get3A_2 = arith.constant 0 : index
    %get3A_3 = arith.constant 0 : index
    %get3A_4 = vector.load %arg3[%get3A_2, %get3A_3] : memref<64x128xf32, #tpu.memory_space<vmem>>, vector<64x128xf32>
    %dot_general3A = arith.constant dense<0.000000e+00> : vector<1024x128xf32>
    %dot_general3A_5 = tpu.matmul %get3A_1, %get3A_4, %dot_general3A {dimension_numbers = #tpu.dot_dimension_numbers<[1], [0], [0], [1], [0, 0, 1, 1], [], []>, transpose_lhs_hint = false} : vector<1024x64xf32>, vector<64x128xf32>, vector<1024x128xf32> -> vector<1024x128xf32>
    %get3A_6 = arith.constant 0 : index
    %get3A_7 = arith.constant 0 : index
    %get3A_8 = vector.load %arg2[%get3A_6, %get3A_7] : memref<1024x128xf32, #tpu.memory_space<vmem>>, vector<1024x128xf32>
    %get3A_9 = arith.constant 0 : index
    %get3A_10 = arith.constant 0 : index
    %get3A_11 = vector.load %arg4[%get3A_9, %get3A_10] : memref<128x128xf32, #tpu.memory_space<vmem>>, vector<128x128xf32>
    %dot_general3A_12 = arith.constant dense<0.000000e+00> : vector<1024x128xf32>
    %dot_general3A_13 = tpu.matmul %get3A_8, %get3A_11, %dot_general3A_12 {dimension_numbers = #tpu.dot_dimension_numbers<[1], [0], [0], [1], [0, 0, 1, 1], [], []>, transpose_lhs_hint = false} : vector<1024x128xf32>, vector<128x128xf32>, vector<1024x128xf32> -> vector<1024x128xf32>
    %add3A = arith.addf %dot_general3A_5, %dot_general3A_13 : vector<1024x128xf32>
    %get3A_14 = arith.constant 0 : index
    %get3A_15 = arith.constant 0 : index
    %get3A_16 = vector.load %arg5[%get3A_14, %get3A_15] : memref<1x128xf32, #tpu.memory_space<vmem>>, vector<1x128xf32>
    %add3A_17 = vector.broadcast %get3A_16 : vector<1x128xf32> to vector<1024x128xf32>
    %add3A_18 = arith.addf %add3A, %add3A_17 : vector<1024x128xf32>
    %max3A = arith.constant 0.000000e+00 : f32
    %max3A_19 = vector.broadcast %max3A : f32 to vector<1024x128xf32>
    %max3A_20 = arith.maximumf %add3A_18, %max3A_19 : vector<1024x128xf32>
    %get3A_21 = arith.constant 0 : index
    %get3A_22 = arith.constant 0 : index
    %get3A_23 = vector.load %arg6[%get3A_21, %get3A_22] : memref<1024x1xf32, #tpu.memory_space<vmem>>, vector<1024x1xf32>
    %mul3A = vector.broadcast %get3A_23 : vector<1024x1xf32> to vector<1024x128xf32>
    %mul3A_24 = arith.mulf %max3A_20, %mul3A : vector<1024x128xf32>
    %swap3A = arith.constant 0 : index
    %swap3A_25 = arith.constant 0 : index
    %swap3A_26 = vector.load %arg7[%swap3A, %swap3A_25] : memref<1024x128xf32, #tpu.memory_space<vmem>>, vector<1024x128xf32>
    tpu.vector_store %arg7[%swap3A, %swap3A_25], %mul3A_24 {strides = array<i32>} : memref<1024x128xf32, #tpu.memory_space<vmem>>, vector<1024x128xf32>,
    return
  }
  func.func @transform_0(%arg0: i32) -> (i32, i32) {
    %c0_i32 = arith.constant 0 : i32
    %c0_i32_0 = arith.constant 0 : i32
    return %arg0, %c0_i32 : i32, i32
  }
  func.func @transform_1(%arg0: i32) -> (i32, i32) {
    %c0_i32 = arith.constant 0 : i32
    %c0_i32_0 = arith.constant 0 : i32
    return %arg0, %c0_i32 : i32, i32
  }
  func.func @transform_2(%arg0: i32) -> (i32, i32) {
    %c0_i32 = arith.constant 0 : i32
    %c0_i32_0 = arith.constant 0 : i32
    %c0_i32_1 = arith.constant 0 : i32
    return %c0_i32, %c0_i32_0 : i32, i32
  }
  func.func @transform_3(%arg0: i32) -> (i32, i32) {
    %c0_i32 = arith.constant 0 : i32
    %c0_i32_0 = arith.constant 0 : i32
    %c0_i32_1 = arith.constant 0 : i32
    return %c0_i32, %c0_i32_0 : i32, i32
  }
  func.func @transform_4(%arg0: i32) -> (i32, i32) {
    %c0_i32 = arith.constant 0 : i32
    %c0_i32_0 = arith.constant 0 : i32
    %c0_i32_1 = arith.constant 0 : i32
    return %c0_i32, %c0_i32_0 : i32, i32
  }
  func.func @transform_5(%arg0: i32) -> (i32, i32) {
    %c0_i32 = arith.constant 0 : i32
    %c0_i32_0 = arith.constant 0 : i32
    return %arg0, %c0_i32 : i32, i32
  }
  func.func @transform_6(%arg0: i32) -> (i32, i32) {
    %c0_i32 = arith.constant 0 : i32
    %c0_i32_0 = arith.constant 0 : i32
    return %arg0, %c0_i32 : i32, i32
  }
}

</mosaic_0001>

<sc_bundles>
// kernel: kernel.5.cloned.1.call-start
scs
__scs_entry_jumppad:
0x0: {  	(pc) =	sbr.rel $0x88, $3  }
0x1: {  	(tag) =	ssettag $0x0;
	lr =	simm.s32 $0x1  }
0x2: {  	[smem:$0x3F9B] =	sst lr;
	_ =	strace $0xD0000000  }
0x3: {  	_ = 	snop  }
0x4: {  	_ = 	snop  }
0x5: {  	_ = 	snop  }
0x6: {  	_ = 	snop  }
0x7: {  	_ = 	snop  }
__scs_overlays_trampoline_lowered:
0x8: {  	[smem:$0x3FAA] =	sst s0  }
0x9: {  	[smem:$0x3FAB] =	sst s1  }
0xa: {  	[smem:$0x3FAC] =	sst s2  }
0xb: {  	[smem:$0x3FAD] =	sst s3  }
0xc: {  	[smem:$0x3FAE] =	sst s4  }
0xd: {  	[smem:$0x3FAF] =	sst s5  }
0xe: {  	[smem:$0x3FB0] =	sst s6  }
0xf: {  	[smem:$0x3FB1] =	sst s7  }
0x10: {  	[smem:$0x3FB2] =	sst s8  }
0x11: {  	[smem:$0x3FB3] =	sst s9;
	s0 =	simm.s32 @!p0 $0x0  }
0x12: {  	s1 =	sld [smem:$0x3F99];
	s0 =	simm.s32 @p0 $0x1  }
0x13: {  	[smem:$0x3FB4] =	sst s0;
	s0 =	simm.s32 @!p1 $0x0  }
0x14: {  	s2 =	sld [smem:$0x3F98];
	s0 =	simm.s32 @p1 $0x1  }
0x15: {  	[smem:$0x3FB5] =	sst s0;
	s0 =	simm.s32 @!p2 $0x0  }
0x16: {  	s3 =	sld [smem:$0x3FDB];
	s0 =	simm.s32 @p2 $0x1  }
0x17: {  	s4 =	simm.s32 $0x1BF5;
	[smem:$0x3FB7] =	sst s0  }
0x18: {  	s0 =	sld [smem:$0x3F9A];
	_ =	swait.ge [sflag:s4], $0x0  }
0x19: {  	s7 =	sld [smem:$0x3F9B]  }
0x1a: {  	s8 =	sadd.s32 $0xFFFFE003, lr  }
0x1b: {  	s9 =	sadd.s32 $0xFFFFFEF7, lr;
	s5 =	simm.s32 $0xFFFFFFFF;
	p2 =	slt.u32 s8, $0xFFFFF086  }
0x1c: {  	p1 =	slt.u32 s9, $0xF7A;
	s5 =	simm.s32 @!p2 $0x0  }
0x1d: {  	s5 =	simm.s32 @p1 $0x1;
	p0 =	seq.s32 s7, s2  }
0x1e: {  	s7 =	smul.u32 @!p0 $0xF7A, s2;
	p2 =	seq.s32 @!p0 s5, $0x0  }
0x1f: {  	s9 =	smul.u32 $0xF7A, s1;
	s8 =	simm.s32 @!p0 $0x1BF5;
	p2 =	por !p2, p0  }
0x20: {  	[sflag:s8] =	ssyncset.s32 @!p0 $0xFFFFF086;
	s6 =	sadd.s32 @!p0 s3, s7;
	s7 =	simm.s32 @!p0 $0x108  }
0x21: {  	s3 =	sadd.s32 s3, s9;
	s6 =	sadd.s32 @!p0 $0x88, s6;
	s7 =	simm.s32 @p2 $0x1082  }
0x22: {  	[simem:s7], [sflag:s8] =	dma.local @!p0 [hbm:s6], $0xF7A  }
0x23: {  	s9 =	sor.u32 $0xD0000000, s2;
	s6 =	simm.s32 $0x108;
	_ =	swait.ge @!p0 [sflag:s8], $0x0  }
0x24: {  	s3 =	sadd.s32 $0x88, s3;
	s6 =	simm.s32 @!p1 $0x1082;
	[sflag:s4] =	ssyncset.s32 $0xFFFFF086  }
0x25: {  	[simem:s6], [sflag:s4] =	dma.local [hbm:s3], $0xF7A  }
0x26: {  	[smem:$0x3F9B] =	sst s1;
	(tag) =	ssettag s2;
	_ =	strace s9  }
0x27: {  	s1 =	sld [smem:$0x3FAB]  }
0x28: {  	s2 =	sld [smem:$0x3FAC]  }
0x29: {  	s4 =	sld [smem:$0x3FAE]  }
0x2a: {  	p0 =	seq.s32 s5, $0x0;
	s5 =	sld [smem:$0x3FAF]  }
0x2b: {  	s6 =	sld [smem:$0x3FB0]  }
0x2c: {  	s7 =	sld [smem:$0x3FB1]  }
0x2d: {  	s3 =	simm.s32 $0x108;
	s8 =	sld [smem:$0x3FB2]  }
0x2e: {  	s3 =	simm.s32 @!p0 $0x1082;
	s9 =	sld [smem:$0x3FB3]  }
0x2f: {  	lr =	sadd.s32 s0, s3;
	s0 =	sld [smem:$0x3FAA]  }
0x30: {  	s3 =	sld [smem:$0x3FAD]  }
0x31: {  	[smem:$0x3FB6] =	sst s10  }
0x32: {  	s10 =	sld [smem:$0x3FB4];
	_ =	sdelay $0x3  }
0x33: {  	p0 =	seq.s32 s10, $0x1;
	s10 =	sld [smem:$0x3FB6];
	_ =	sdelay $0x3  }
0x34: {  	[smem:$0x3FB6] =	sst s10  }
0x35: {  	s10 =	sld [smem:$0x3FB5];
	_ =	sdelay $0x3  }
0x36: {  	p1 =	seq.s32 s10, $0x1;
	s10 =	sld [smem:$0x3FB6];
	_ =	sdelay $0x3  }
0x37: {  	[smem:$0x3FB6] =	sst s10  }
0x38: {  	s10 =	sld [smem:$0x3FB7]  }
0x39: {  	_ = 	snop;
	(pc) =	sbr.ind lr, $3  }
0x3a: {  	_ = 	snop  }
0x3b: {  	_ = 	snop  }
0x3c: {  	p2 =	seq.s32 s10, $0x1;
	s10 =	sld [smem:$0x3FB6]  }
0x3d: {  	_ =	shalt  }
0x3e: {  	_ =	shalt  }
0x3f: {  	_ =	shalt  }
0x40: {  	_ =	shalt  }
0x41: {  	_ =	shalt  }
0x42: {  	_ =	shalt  }
0x43: {  	_ =	shalt  }
0x44: {  	_ =	shalt  }
0x45: {  	_ =	shalt  }
0x46: {  	_ =	shalt  }
0x47: {  	_ =	shalt  }
0x48: {  	_ =	shalt  }
0x49: {  	_ =	shalt  }
0x4a: {  	_ =	shalt  }
0x4b: {  	_ =	shalt  }
0x4c: {  	_ =	shalt  }
0x4d: {  	_ =	shalt  }
0x4e: {  	_ =	shalt  }
0x4f: {  	_ =	shalt  }
0x50: {  	_ =	shalt  }
0x51: {  	_ =	shalt  }
0x52: {  	_ =	shalt  }
0x53: {  	_ =	shalt  }
0x54: {  	_ =	shalt  }
0x55: {  	_ =	shalt  }
0x56: {  	_ =	shalt  }
0x57: {  	_ =	shalt  }
0x58: {  	_ =	shalt  }
0x59: {  	_ =	shalt  }
0x5a: {  	_ =	shalt  }
0x5b: {  	_ =	shalt  }
0x5c: {  	_ =	shalt  }
0x5d: {  	_ =	shalt  }
0x5e: {  	_ =	shalt  }
0x5f: {  	_ =	shalt  }
0x60: {  	_ =	shalt  }
0x61: {  	_ =	shalt  }
0x62: {  	_ =	shalt  }
0x63: {  	_ =	shalt  }
0x64: {  	_ =	shalt  }
0x65: {  	_ =	shalt  }
0x66: {  	_ =	shalt  }
0x67: {  	_ =	shalt  }
0x68: {  	_ =	shalt  }
0x69: {  	_ =	shalt  }
0x6a: {  	_ =	shalt  }
0x6b: {  	_ =	shalt  }
0x6c: {  	_ =	shalt  }
0x6d: {  	_ =	shalt  }
0x6e: {  	_ =	shalt  }
0x6f: {  	_ =	shalt  }
0x70: {  	_ =	shalt  }
0x71: {  	_ =	shalt  }
0x72: {  	_ =	shalt  }
0x73: {  	_ =	shalt  }
0x74: {  	_ =	shalt  }
0x75: {  	_ =	shalt  }
0x76: {  	_ =	shalt  }
0x77: {  	_ =	shalt  }
0x78: {  	_ =	shalt  }
0x79: {  	_ =	shalt  }
0x7a: {  	_ =	shalt  }
0x7b: {  	_ =	shalt  }
0x7c: {  	_ =	shalt  }
0x7d: {  	_ =	shalt  }
0x7e: {  	_ =	shalt  }
0x7f: {  	_ =	shalt  }
0x80: {  	_ =	shalt  }
0x81: {  	_ =	shalt  }
0x82: {  	_ =	shalt  }
0x83: {  	_ =	shalt  }
0x84: {  	_ =	shalt  }
0x85: {  	_ =	shalt  }
0x86: {  	_ =	shalt  }
0x87: {  	_ =	shalt  }
.Lfunc_end0:
.L_simem_size_0:
called_computation_lowered:
.L_overlay_start_0:
0x88: {  	s2 =	sld [smem:$0x3FD9]  }
0x89: {  	s3 =	sld [smem:$0x3FFE];
	_ =	sdelay $0x1  }
0x8a: {  	s1 =	srdreg.scid  }
0x8b: {  	s0 =	sand.u32 $0x1, s1  }
0x8c: {  	s16 =	sshll.u32 s0, $0xA;
	s2 =	sadd.s32 s3, s2  }
0x8d: {  	s2 =	sadd.s32 s2, s16  }
0x8e: {  	[smem:$0x3FC2] =	sst s2  }
0x8f: {  	_ = 	snop  }
0x90: {  	(tm) =	ssettm $0x1  }
0x91: {  	s17 =	sld [smem:$0x3FFB];
	_ =	sdelay $0x3  }
0x92: {  	_ =	strace s17  }
0x93: {  	s2 =	sld [smem:$0x3FFC];
	_ =	sdelay $0x3  }
0x94: {  	_ =	strace s2  }
0x95: {  	s2 =	sld [smem:$0x3FFD];
	_ =	sdelay $0x3  }
0x96: {  	_ =	strace s2  }
0x97: {  	_ =	strace $0x8FFFFFFF  }
0x98: {  	s18 =	sld [smem:$0x3FDB];
	_ =	sdelay $0x1  }
0x99: {  	s19 =	simm.s32 $_scs_section_size  }
0x9a: {  	s4 =	simm.s32 $_size__tile_overlayer_lowered;
	s5 =	simm.s32 $_tile_overlayer_lowered  }
0x9b: {  	s22 =	simm.s32 $0x1BFF;
	s21 =	sshll.u32 s5, $0x1;
	s2 =	sadd.s32 s19, s18  }
0x9c: {  	s6 =	simm.s32 $0x0;
	s20 =	sshll.u32 s4, $0x1;
	s4 =	sadd.s32 s21, s2  }
0x9d: {  	[timem:s6], [sflag:s22] =	dma.local [hbm:s4], s20  }
0x9e: {  	_ =	swait.ge [sflag:s22], s20  }
0x9f: {  	s3 =	ssub.s32 $0x0, s20;
	[sflag:s22] =	ssyncset.done $0x0  }
0xa0: {  	[sflag:s22] =	ssyncadd.s32 s3;
	_ =	sdelay $0x1  }
0xa1: {  	s23 =	simm.s32 $0x1B8B  }
0xa2: {  	_ =	swait.ge [sflag:s23], $0x1  }
0xa3: {  	[sflag:s23] =	ssyncset.done $0x0  }
0xa4: {  	s25 =	simm.s32 $0x1B8E;
	s24 =	sld [smem:$0x3FFE];
	[sflag:s23] =	ssyncadd.s32 $0xFFFFFFFF  }
0xa5: {  	s26 =	simm.s32 $execute0_lowered;
	[smem:$0x3FD2] =	sst s25  }
0xa6: {  	s4 =	sshll.u32 s26, $0x1;
	_ =	strace $0x80000046;
	[dreg:$0x1] =	wrdreg $0xFFFFFFFF  }
0xa7: {  	s28 =	simm.s32 $_size_execute0_lowered;
	s2 =	sadd.s32 s2, s4;
	[dreg:$0x0] =	wrdreg $0x0  }
0xa8: {  	s4 =	sshll.u32 s28, $0x1;
	[dreg:$0x2] =	wrdreg s2  }
0xa9: {  	[dreg:$0x3] =	wrdreg s4  }
0xaa: {  	[dreg:$0x4] =	wrdreg $0xC0  }
0xab: {  	_ =	task [dreg:s6], $0x5FFFF  }
0xac: {  	[dreg:$0x1] =	wrdreg $0xFFFFFFFF  }
0xad: {  	[dreg:$0x0] =	wrdreg $0x60  }
0xae: {  	[dreg:$0x2] =	wrdreg s24  }
0xaf: {  	[dreg:$0x3] =	wrdreg $0x9  }
0xb0: {  	_ =	task.clear_ibuf [dreg:s6], $0x4FFFF;
	_ =	strace $0x90000046  }
0xb1: {  	s29 =	simm.s32 $0x9;
	_ =	strace $0x80000048  }
0xb2: {  	_ =	swait.ge [sflag:s29], $0x1  }
0xb3: {  	[sflag:s29] =	ssyncadd.s32 $0xFFFFFFFF  }
0xb4: {  	_ =	strace $0x90000048  }
0xb5: {  	_ =	sfence  }
0xb6: {  	s30 =	sld [smem:$0x0];
	_ =	sdelay $0x2  }
0xb7: {  	s31 =	sshll.u32 s1, $0xD;
	s1 =	sshrl.u32 s1, $0x2  }
0xb8: {  	s3 =	sand.u32 $0x4000, s31;
	s1 =	sadd.s32 s1, s30  }
0xb9: {  	s0 =	sor.u32 s3, s0;
	s1 =	sshll.u32 s1, $0x11  }
0xba: {  	s0 =	sor.u32 s1, s0  }
0xbb: {  	s0 =	sadd.s32 $0x8F2B, s0  }
0xbc: {  	[sflag:s0] =	ssyncadd.remote.s32 $0x1  }
0xbd: {  	_ =	sfence.sel $0xFFFF  }
0xbe: {  	[dreg:$0x0] =	wrdreg $0xFFFFFFFF;
	(pc) =	sbr.abs _section_cstart, $3  }
0xbf: {  	[dreg:$0x1] =	wrdreg $0xFFFFFFFF  }
0xc0: {  	_ =	task.clear_ibuf [dreg:s6], $0x2FFFF;
	_ =	strace $0x9FFFFFFF  }
0xc1: {  	(tm) =	ssettm $0x7FFFFFFF  }
tec
execute0_lowered:
.L_overlay_start_1:
0x0: {  	(tag) =	ssettag $0x1  }
0x1: {  	s1 =	srdreg.scid  }
0x2: {  	s0 =	stileid.u32;
	s5 =	rddreg [dreg:$0x0];
	s2 =	simm.s32 $0x0  }
0x3: {  	s10 =	simm.s32 $0x12000;
	s11 =	simm.s32 $0x80;
	s12 =	simm.s32 $0x2000  }
0x4: {  	s13 =	simm.s32 $0x1;
	s14 =	simm.s32 $0x6000;
	s15 =	simm.s32 $0xA000  }
0x5: {  	s16 =	simm.s32 $0xE000;
	s17 =	simm.s32 $0x13000;
	s18 =	simm.s32 $0x0  }
0x6: {  	s3 =	sand.u32 $0x1, s1;
	s4 =	sshll.u32 s0, $0x1;
	[smem:$0x7FF] =	sst s2  }
0x7: {  	s1 =	rddreg [dreg:$0x1];
	s6 =	sor.u32 s3, s4;
	_ =	strace $0x80000047  }
0x8: {  	s8 =	ssub.s32 $0x2, s3;
	s3 =	sadd.s32 $0x1E00, s5;
	s4 =	sshll.u32 s6, $0xA  }
0x9: {  	s9 =	sshrl.u32 s8, $0x1;
	s6 =	sshll.u32 s6, $0xD;
	s7 =	sadd.s32 s4, s5  }
0xa: {  	s4 =	sadd.s32 $0x41E00, s5;
	s5 =	sadd.s32 $0x89E00, s5;
	s8 =	ssub.s32 s8, s9  }
0xb: {  	s9 =	simm.s32 $0x2;
	s7 =	sadd.s32 $0x81E00, s7;
	s8 =	smax.u32 s8, $0x1  }
.LBB2_1:
0xc: {  	[tilespmem:s2], [sflag:$0x2] =	stream.linear.gather [hbm4b:s7+s2], $0x2000, $0x38;
	[tilespmem:$0x14000] =	vst v63  }
0xd: {  	_ =	swait.ge [sflag:s9], $0x2000  }
0xe: {  	[sflag:s9] =	ssyncset.done $0x0  }
0xf: {  	s19 =	simm.s32 $0x0;
	[sflag:s9] =	ssyncadd.s32 $0xFFFFE000  }
.LBB2_2:
0x10: {  	s22 =	sshll.u32 s19, $0x9  }
0x11: {  	s20 =	sadd.s32 s6, s22  }
0x12: {  	s21 =	simm.s32 $0x0;
	s23 =	sadd.s32 s4, s20  }
0x13: {  	[tilespmem:s10], [sflag:$0x2] =	stream.linear.gather [hbm4b:s23+s21], $0x1000, $0x38;
	[tilespmem:$0x14000] =	vst v63  }
0x14: {  	_ =	swait.ge [sflag:s9], $0x1000  }
0x15: {  	[sflag:s9] =	ssyncset.done $0x0  }
0x16: {  	s22 =	sand.u32 $0x3FFFFE00, s22;
	[sflag:s9] =	ssyncadd.s32 $0xFFFFF000  }
0x17: {  	[tilespmem:s12], [sflag:$0x1] =	stream.indirect.gather [hbm4b:s3+s11], $0x80, s22, s11, $0xb8;
	[tilespmem:$0x14000] =	vst v63  }
0x18: {  	_ =	swait.ge [sflag:s13], $0x4000  }
0x19: {  	[sflag:s13] =	ssyncset.done $0x0  }
0x1a: {  	s30 =	sor.u32 $0x80, s22;
	[sflag:s13] =	ssyncadd.s32 $0xFFFFC000  }
0x1b: {  	[tilespmem:s14], [sflag:$0x1] =	stream.indirect.gather [hbm4b:s3+s11], $0x80, s30, s11, $0xb8;
	[tilespmem:$0x14000] =	vst v63  }
0x1c: {  	_ =	swait.ge [sflag:s13], $0x4000  }
0x1d: {  	[sflag:s13] =	ssyncset.done $0x0  }
0x1e: {  	s31 =	sor.u32 $0x100, s22;
	[sflag:s13] =	ssyncadd.s32 $0xFFFFC000  }
0x1f: {  	[tilespmem:s15], [sflag:$0x1] =	stream.indirect.gather [hbm4b:s3+s11], $0x80, s31, s11, $0xb8;
	[tilespmem:$0x14000] =	vst v63  }
0x20: {  	_ =	swait.ge [sflag:s13], $0x4000  }
0x21: {  	[sflag:s13] =	ssyncset.done $0x0  }
0x22: {  	s22 =	sor.u32 $0x180, s22;
	[sflag:s13] =	ssyncadd.s32 $0xFFFFC000  }
0x23: {  	[tilespmem:s16], [sflag:$0x1] =	stream.indirect.gather [hbm4b:s3+s11], $0x80, s22, s11, $0xb8;
	[tilespmem:$0x14000] =	vst v63  }
0x24: {  	_ =	swait.ge [sflag:s13], $0x4000  }
0x25: {  	[sflag:s13] =	ssyncset.done $0x0  }
0x26: {  	s22 =	simm.s32 $0x2400;
	[sflag:s13] =	ssyncadd.s32 $0xFFFFC000  }
.LBB2_3:
0x27: {  	v2 =	vld [tilespmem:s22+$0xFFFFFC00]  }
0x28: {  	v8 =	vld [tilespmem:s22+$0xFFFFFC10]  }
0x29: {  	v9 =	vld [tilespmem:s22+$0xFFFFFC20]  }
0x2a: {  	v10 =	vld [tilespmem:s22+$0xFFFFFC30]  }
0x2b: {  	v11 =	vld [tilespmem:s22+$0xFFFFFC40]  }
0x2c: {  	v13 =	vld [tilespmem:s22+$0xFFFFFC50]  }
0x2d: {  	v14 =	vld [tilespmem:s22+$0xFFFFFC60]  }
0x2e: {  	v16 =	vld [tilespmem:s22+$0xFFFFFC80]  }
0x2f: {  	v17 =	vld [tilespmem:s22+$0xFFFFFC90]  }
0x30: {  	v18 =	vld [tilespmem:s22+$0xFFFFFCA0]  }
0x31: {  	v19 =	vld [tilespmem:s22+$0xFFFFFCB0]  }
0x32: {  	v20 =	vld [tilespmem:s22+$0xFFFFFCC0]  }
0x33: {  	v21 =	vld [tilespmem:s22+$0xFFFFFCD0]  }
0x34: {  	v22 =	vld [tilespmem:s22+$0xFFFFFCE0]  }
0x35: {  	s23 =	sshra.s32 s21, $0x2;
	v57 =	vld [tilespmem:s22+$0xFFFFFD10]  }
0x36: {  	v6 =	vld [tilespmem:s23+$0x12000]  }
0x37: {  	v7 =	vld [tilespmem:s23+$0x12010]  }
0x38: {  	v5 =	vld [tilespmem:s23+$0x12020]  }
0x39: {  	v4 =	vld [tilespmem:s23+$0x12030]  }
0x3a: {  	v3 =	vld [tilespmem:s23+$0x12040]  }
0x3b: {  	v1 =	vld [tilespmem:s23+$0x12050]  }
0x3c: {  	v0 =	vld [tilespmem:s23+$0x12060]  }
0x3d: {  	v62 =	vld [tilespmem:s22+$0xFFFFFD30]  }
0x3e: {  	v27 =	vld [tilespmem:s22+$0xFFFFFD50];
	v12 =	vadd.f32 v2, v6;
	v8 =	vadd.f32 v8, v7  }
0x3f: {  	v28 =	vld [tilespmem:s22+$0xFFFFFD60];
	v9 =	vadd.f32 v9, v5;
	v10 =	vadd.f32 v10, v4  }
0x40: {  	v32 =	vld [tilespmem:s22+$0xFFFFFD80];
	v11 =	vadd.f32 v11, v3;
	v13 =	vadd.f32 v13, v1  }
0x41: {  	v36 =	vld [tilespmem:s22+$0xFFFFFDA0];
	v14 =	vadd.f32 v14, v0;
	v16 =	vadd.f32 v16, v6  }
0x42: {  	v41 =	vld [tilespmem:s22+$0xFFFFFDC0];
	v17 =	vadd.f32 v17, v7;
	v18 =	vadd.f32 v18, v5  }
0x43: {  	v49 =	vld [tilespmem:s22+$0xFFFFFE10];
	v19 =	vadd.f32 v19, v4;
	v55 =	vadd.f32 v20, v3  }
0x44: {  	v56 =	vadd.f32 v21, v1;
	v61 =	vadd.f32 v22, v0  }
0x45: {  	v26 =	vadd.f32 v57, v7;
	v31 =	vadd.f32 v62, v4  }
0x46: {  	v35 =	vadd.f32 v27, v1;
	v39 =	vadd.f32 v28, v0  }
0x47: {  	v63 =	vld [tilespmem:s22+$0xFFFFFD40];
	v40 =	vadd.f32 v32, v6;
	v44 =	vadd.f32 v36, v5  }
0x48: {  	v48 =	vadd.f32 v41, v3;
	v57 =	vadd.f32 v49, v7  }
0x49: {  	v12 =	vmax.f32 v12, $0.0e+00;
	v8 =	vmax.f32 v8, $0.0e+00;
	v9 =	vmax.f32 v9, $0.0e+00  }
0x4a: {  	v15 =	vld [tilespmem:s22+$0xFFFFFC70];
	v10 =	vmax.f32 v10, $0.0e+00;
	v11 =	vmax.f32 v11, $0.0e+00;
	v13 =	vmax.f32 v13, $0.0e+00  }
0x4b: {  	v2 =	vld [tilespmem:s23+$0x12070];
	v14 =	vmax.f32 v14, $0.0e+00;
	v16 =	vmax.f32 v16, $0.0e+00;
	v17 =	vmax.f32 v17, $0.0e+00  }
0x4c: {  	v23 =	vld [tilespmem:s22+$0xFFFFFCF0];
	v52 =	vmax.f32 v18, $0.0e+00;
	v18 =	vadd.f32 v63, v3;
	v12 =	vadd.f32 $0.0e+00, v12  }
0x4d: {  	v53 =	vld [tilespmem:s22+$0xFFFFFD00];
	v54 =	vmax.f32 v19, $0.0e+00;
	v8 =	vadd.f32 $0.0e+00, v8;
	v9 =	vadd.f32 $0.0e+00, v9  }
0x4e: {  	v58 =	vld [tilespmem:s22+$0xFFFFFD20];
	v59 =	vmax.f32 v55, $0.0e+00;
	v10 =	vadd.f32 $0.0e+00, v10;
	v11 =	vadd.f32 $0.0e+00, v11  }
0x4f: {  	v30 =	vld [tilespmem:s22+$0xFFFFFD70];
	v60 =	vmax.f32 v56, $0.0e+00;
	v13 =	vadd.f32 $0.0e+00, v13;
	v14 =	vadd.f32 $0.0e+00, v14  }
0x50: {  	v42 =	vld [tilespmem:s22+$0xFFFFFDD0];
	v24 =	vmax.f32 v61, $0.0e+00;
	v15 =	vadd.f32 v15, v2;
	v12 =	vadd.f32 v16, v12  }
0x51: {  	v45 =	vld [tilespmem:s22+$0xFFFFFDF0];
	v29 =	vmax.f32 v26, $0.0e+00;
	v8 =	vadd.f32 v17, v8;
	v9 =	vadd.f32 v52, v9  }
0x52: {  	v62 =	vld [tilespmem:s22+$0xFFFFFE80];
	v34 =	vmax.f32 v31, $0.0e+00;
	v10 =	vadd.f32 v54, v10;
	v11 =	vadd.f32 v59, v11  }
0x53: {  	v27 =	vld [tilespmem:s22+$0xFFFFFEA0];
	v38 =	vmax.f32 v35, $0.0e+00;
	v13 =	vadd.f32 v60, v13;
	v25 =	vadd.f32 v23, v2  }
0x54: {  	v47 =	vmax.f32 v44, $0.0e+00;
	v55 =	vld [tilespmem:s22+$0xFFFFFE40];
	v17 =	vadd.f32 v53, v6;
	v14 =	vadd.f32 v24, v14  }
0x55: {  	v28 =	vld [tilespmem:s22+$0xFFFFFEB0];
	v51 =	vmax.f32 v48, $0.0e+00;
	v16 =	vadd.f32 v58, v5;
	v19 =	vadd.f32 v30, v2  }
0x56: {  	v33 =	vld [tilespmem:s22+$0xFFFFFD90];
	v18 =	vmax.f32 v18, $0.0e+00;
	v52 =	vadd.f32 v42, v1;
	v53 =	vadd.f32 v45, v2  }
0x57: {  	v37 =	vld [tilespmem:s22+$0xFFFFFDB0];
	v60 =	vmax.f32 v57, $0.0e+00;
	v30 =	vadd.f32 v62, v6;
	v8 =	vadd.f32 v29, v8  }
0x58: {  	v43 =	vld [tilespmem:s22+$0xFFFFFDE0];
	v15 =	vmax.f32 v15, $0.0e+00;
	v10 =	vadd.f32 v34, v10;
	v11 =	vadd.f32 v18, v11  }
0x59: {  	v41 =	vld [tilespmem:s22+$0xFFFFFF20];
	v20 =	vmax.f32 v25, $0.0e+00;
	v13 =	vadd.f32 v38, v13;
	v25 =	vadd.f32 v55, v3  }
0x5a: {  	v54 =	vld [tilespmem:s22+$0xFFFFFE30];
	v17 =	vmax.f32 v17, $0.0e+00;
	v34 =	vadd.f32 v27, v5;
	v38 =	vadd.f32 v28, v4  }
0x5b: {  	v58 =	vld [tilespmem:s22+$0xFFFFFE60];
	v16 =	vmax.f32 v16, $0.0e+00;
	v15 =	vadd.f32 $0.0e+00, v15;
	v12 =	vadd.f32 v17, v12  }
0x5c: {  	v31 =	vld [tilespmem:s22+$0xFFFFFED0];
	v19 =	vmax.f32 v19, $0.0e+00;
	v9 =	vadd.f32 v16, v9;
	v16 =	vadd.f32 v33, v7  }
0x5d: {  	v46 =	vld [tilespmem:s22+$0xFFFFFE00];
	v18 =	vmax.f32 v40, $0.0e+00;
	v17 =	vadd.f32 v37, v4;
	v11 =	vadd.f32 v51, v11  }
0x5e: {  	v50 =	vld [tilespmem:s22+$0xFFFFFE20];
	v33 =	vmax.f32 v30, $0.0e+00;
	v51 =	vadd.f32 v41, v5;
	v15 =	vadd.f32 v20, v15  }
0x5f: {  	v44 =	vld [tilespmem:s22+$0xFFFFFF40];
	v20 =	vmax.f32 v39, $0.0e+00;
	v12 =	vadd.f32 v18, v12;
	v9 =	vadd.f32 v47, v9  }
0x60: {  	v35 =	vld [tilespmem:s22+$0xFFFFFEF0];
	v16 =	vmax.f32 v16, $0.0e+00;
	v61 =	vadd.f32 v54, v4;
	v26 =	vadd.f32 v58, v0  }
0x61: {  	v40 =	vld [tilespmem:s22+$0xFFFFFF10];
	v17 =	vmax.f32 v17, $0.0e+00;
	v39 =	vadd.f32 v31, v1;
	v14 =	vadd.f32 v20, v14  }
0x62: {  	v57 =	vld [tilespmem:s22+$0xFFFFFFB0];
	v37 =	vmax.f32 v34, $0.0e+00;
	v8 =	vadd.f32 v16, v8;
	v10 =	vadd.f32 v17, v10  }
0x63: {  	v56 =	vld [tilespmem:s22+$0xFFFFFE50];
	v18 =	vmax.f32 v53, $0.0e+00;
	v16 =	vadd.f32 v46, v6;
	v17 =	vadd.f32 v50, v5  }
0x64: {  	v30 =	vld [tilespmem:s22+$0x20];
	v20 =	vmax.f32 v52, $0.0e+00;
	v52 =	vadd.f32 v44, v3;
	v15 =	vadd.f32 v19, v15  }
0x65: {  	v63 =	vld [tilespmem:s22+$0xFFFFFE90];
	v19 =	vadd.f32 v43, v0;
	v13 =	vadd.f32 v20, v13;
	v24 =	vmax.f32 v61, $0.0e+00  }
0x66: {  	v59 =	vld [tilespmem:s22+$0xFFFFFE70];
	v20 =	vmax.f32 v25, $0.0e+00;
	v43 =	vadd.f32 v35, v2;
	v47 =	vadd.f32 v40, v7  }
0x67: {  	v48 =	vld [tilespmem:s22+$0xFFFFFF60];
	v25 =	vadd.f32 v57, v4;
	v16 =	vmax.f32 v16, $0.0e+00;
	v8 =	vadd.f32 v60, v8  }
0x68: {  	v53 =	vld [tilespmem:s22+$0xFFFFFF80];
	v17 =	vmax.f32 v17, $0.0e+00;
	v10 =	vadd.f32 v24, v10;
	v11 =	vadd.f32 v20, v11  }
0x69: {  	v54 =	vld [tilespmem:s22+$0xFFFFFF90];
	v20 =	vmax.f32 v38, $0.0e+00;
	v38 =	vadd.f32 v30, v5;
	v15 =	vadd.f32 v18, v15  }
0x6a: {  	v19 =	vmax.f32 v19, $0.0e+00;
	v12 =	vadd.f32 v16, v12;
	v9 =	vadd.f32 v17, v9  }
0x6b: {  	v27 =	vld [tilespmem:s22+$0x0];
	v16 =	vadd.f32 v59, v2;
	v18 =	vmax.f32 v26, $0.0e+00;
	v17 =	vadd.f32 v63, v7  }
0x6c: {  	v32 =	vld [tilespmem:s22+$0xFFFFFEE0];
	v46 =	vmax.f32 v43, $0.0e+00;
	v14 =	vadd.f32 v19, v14;
	v19 =	vadd.f32 v56, v1  }
0x6d: {  	v36 =	vld [tilespmem:s22+$0xFFFFFF00];
	v50 =	vmax.f32 v47, $0.0e+00;
	v10 =	vadd.f32 v20, v10;
	v56 =	vadd.f32 v48, v0  }
0x6e: {  	v29 =	vld [tilespmem:s22+$0xFFFFFEC0];
	v20 =	vmax.f32 v51, $0.0e+00;
	v60 =	vadd.f32 v53, v6;
	v24 =	vadd.f32 v54, v7  }
0x6f: {  	v61 =	vld [tilespmem:s22+$0xFFFFFFD0];
	v16 =	vmax.f32 v16, $0.0e+00;
	v12 =	vadd.f32 v33, v12;
	v9 =	vadd.f32 v37, v9  }
0x70: {  	v40 =	vld [tilespmem:s22+$0x70];
	v17 =	vmax.f32 v17, $0.0e+00;
	v37 =	vadd.f32 v27, v6;
	v14 =	vadd.f32 v18, v14  }
0x71: {  	v26 =	vld [tilespmem:s22+$0xFFFFFFF0];
	v19 =	vmax.f32 v19, $0.0e+00;
	v15 =	vadd.f32 v16, v15;
	v8 =	vadd.f32 v17, v8  }
0x72: {  	v43 =	vld [tilespmem:s22+$0x90];
	v16 =	vadd.f32 v32, v0;
	v18 =	vmax.f32 v39, $0.0e+00;
	v17 =	vadd.f32 v36, v6  }
0x73: {  	v49 =	vld [tilespmem:s22+$0xFFFFFF70];
	v59 =	vmax.f32 v56, $0.0e+00;
	v13 =	vadd.f32 v19, v13;
	v19 =	vadd.f32 v29, v3  }
0x74: {  	v45 =	vld [tilespmem:s22+$0xFFFFFF50];
	v63 =	vmax.f32 v60, $0.0e+00;
	v9 =	vadd.f32 v20, v9;
	v29 =	vadd.f32 v61, v1  }
0x75: {  	v42 =	vld [tilespmem:s22+$0xFFFFFF30];
	v20 =	vmax.f32 v24, $0.0e+00;
	v15 =	vadd.f32 v46, v15;
	v8 =	vadd.f32 v50, v8  }
0x76: {  	v34 =	vld [tilespmem:s22+$0x40];
	v16 =	vmax.f32 v16, $0.0e+00;
	v33 =	vadd.f32 v26, v2;
	v50 =	vadd.f32 v40, v2  }
0x77: {  	v53 =	vld [tilespmem:s22+$0xE0];
	v17 =	vmax.f32 v17, $0.0e+00;
	v51 =	vadd.f32 v43, v7;
	v13 =	vadd.f32 v18, v13  }
0x78: {  	v39 =	vld [tilespmem:s22+$0x60];
	v19 =	vmax.f32 v19, $0.0e+00;
	v14 =	vadd.f32 v16, v14;
	v12 =	vadd.f32 v17, v12  }
0x79: {  	v56 =	vld [tilespmem:s22+$0x100];
	v16 =	vadd.f32 v45, v1;
	v18 =	vmax.f32 v52, $0.0e+00;
	v17 =	vadd.f32 v49, v2  }
0x7a: {  	v62 =	vld [tilespmem:s22+$0xFFFFFFE0];
	v32 =	vmax.f32 v29, $0.0e+00;
	v11 =	vadd.f32 v19, v11;
	v19 =	vadd.f32 v42, v4  }
0x7b: {  	v58 =	vld [tilespmem:s22+$0xFFFFFFC0];
	v8 =	vadd.f32 v20, v8;
	v36 =	vmax.f32 v33, $0.0e+00;
	v42 =	vadd.f32 v34, v3  }
0x7c: {  	v55 =	vld [tilespmem:s22+$0xFFFFFFA0];
	v20 =	vmax.f32 v37, $0.0e+00;
	v14 =	vadd.f32 v59, v14;
	v12 =	vadd.f32 v63, v12  }
0x7d: {  	v47 =	vld [tilespmem:s22+$0xB0];
	v16 =	vmax.f32 v16, $0.0e+00;
	v46 =	vadd.f32 v39, v0;
	v63 =	vadd.f32 v53, v0  }
0x7e: {  	v26 =	vld [tilespmem:s22+$0x150];
	v17 =	vmax.f32 v17, $0.0e+00;
	v24 =	vadd.f32 v56, v6;
	v11 =	vadd.f32 v18, v11  }
0x7f: {  	v52 =	vld [tilespmem:s22+$0xD0];
	v19 =	vmax.f32 v19, $0.0e+00;
	v13 =	vadd.f32 v16, v13;
	v15 =	vadd.f32 v17, v15  }
0x80: {  	v29 =	vld [tilespmem:s22+$0x170];
	v16 =	vadd.f32 v58, v3;
	v18 =	vmax.f32 v25, $0.0e+00;
	v17 =	vadd.f32 v62, v0  }
0x81: {  	v31 =	vld [tilespmem:s22+$0x30];
	v45 =	vmax.f32 v42, $0.0e+00;
	v10 =	vadd.f32 v19, v10;
	v19 =	vadd.f32 v55, v5  }
0x82: {  	v35 =	vld [tilespmem:s22+$0x50];
	v12 =	vadd.f32 v20, v12;
	v49 =	vmax.f32 v46, $0.0e+00;
	v55 =	vadd.f32 v47, v4  }
0x83: {  	v28 =	vld [tilespmem:s22+$0x10];
	v20 =	vmax.f32 v50, $0.0e+00;
	v13 =	vadd.f32 v32, v13;
	v15 =	vadd.f32 v36, v15  }
0x84: {  	v60 =	vld [tilespmem:s22+$0x120];
	v16 =	vmax.f32 v16, $0.0e+00;
	v59 =	vadd.f32 v52, v1;
	v36 =	vadd.f32 v26, v1  }
0x85: {  	v39 =	vld [tilespmem:s22+$0x1C0];
	v17 =	vmax.f32 v17, $0.0e+00;
	v37 =	vadd.f32 v29, v2;
	v10 =	vadd.f32 v18, v10  }
0x86: {  	v25 =	vld [tilespmem:s22+$0x140];
	v19 =	vmax.f32 v19, $0.0e+00;
	v11 =	vadd.f32 v16, v11;
	v14 =	vadd.f32 v17, v14  }
0x87: {  	v42 =	vld [tilespmem:s22+$0x1E0];
	v16 =	vadd.f32 v31, v4;
	v18 =	vmax.f32 v38, $0.0e+00;
	v17 =	vadd.f32 v35, v1  }
0x88: {  	v44 =	vld [tilespmem:s22+$0xA0];
	v58 =	vmax.f32 v55, $0.0e+00;
	v9 =	vadd.f32 v19, v9;
	v19 =	vadd.f32 v28, v7  }
0x89: {  	v48 =	vld [tilespmem:s22+$0xC0];
	v15 =	vadd.f32 v20, v15;
	v62 =	vmax.f32 v59, $0.0e+00;
	v28 =	vadd.f32 v60, v5  }
0x8a: {  	v41 =	vld [tilespmem:s22+$0x80];
	v20 =	vmax.f32 v63, $0.0e+00;
	v11 =	vadd.f32 v45, v11;
	v14 =	vadd.f32 v49, v14  }
0x8b: {  	v33 =	vld [tilespmem:s22+$0x190];
	v16 =	vmax.f32 v16, $0.0e+00;
	v32 =	vadd.f32 v25, v3;
	v49 =	vadd.f32 v39, v3  }
0x8c: {  	v52 =	vld [tilespmem:s22+$0x230];
	v17 =	vmax.f32 v17, $0.0e+00;
	v50 =	vadd.f32 v42, v0;
	v9 =	vadd.f32 v18, v9  }
0x8d: {  	v38 =	vld [tilespmem:s22+$0x1B0];
	v19 =	vmax.f32 v19, $0.0e+00;
	v10 =	vadd.f32 v16, v10;
	v13 =	vadd.f32 v17, v13  }
0x8e: {  	v55 =	vld [tilespmem:s22+$0x250];
	v16 =	vadd.f32 v44, v5;
	v18 =	vmax.f32 v51, $0.0e+00;
	v17 =	vadd.f32 v48, v3  }
0x8f: {  	v57 =	vld [tilespmem:s22+$0x110];
	v31 =	vmax.f32 v28, $0.0e+00;
	v8 =	vadd.f32 v19, v8;
	v19 =	vadd.f32 v41, v6  }
0x90: {  	v61 =	vld [tilespmem:s22+$0x130];
	v14 =	vadd.f32 v20, v14;
	v35 =	vmax.f32 v32, $0.0e+00;
	v41 =	vadd.f32 v33, v7  }
0x91: {  	v54 =	vld [tilespmem:s22+$0xF0];
	v20 =	vmax.f32 v36, $0.0e+00;
	v10 =	vadd.f32 v58, v10;
	v13 =	vadd.f32 v62, v13  }
0x92: {  	v46 =	vld [tilespmem:s22+$0x200];
	v16 =	vmax.f32 v16, $0.0e+00;
	v45 =	vadd.f32 v38, v4;
	v62 =	vadd.f32 v52, v4  }
0x93: {  	v25 =	vld [tilespmem:s22+$0x2A0];
	v17 =	vmax.f32 v17, $0.0e+00;
	v63 =	vadd.f32 v55, v1;
	v8 =	vadd.f32 v18, v8  }
0x94: {  	v51 =	vld [tilespmem:s22+$0x220];
	v19 =	vmax.f32 v19, $0.0e+00;
	v9 =	vadd.f32 v16, v9;
	v11 =	vadd.f32 v17, v11  }
0x95: {  	v28 =	vld [tilespmem:s22+$0x2C0];
	v16 =	vadd.f32 v57, v7;
	v18 =	vmax.f32 v24, $0.0e+00;
	v17 =	vadd.f32 v61, v4  }
0x96: {  	v30 =	vld [tilespmem:s22+$0x180];
	v44 =	vmax.f32 v41, $0.0e+00;
	v12 =	vadd.f32 v19, v12;
	v19 =	vadd.f32 v54, v2  }
0x97: {  	v34 =	vld [tilespmem:s22+$0x1A0];
	v13 =	vadd.f32 v20, v13;
	v48 =	vmax.f32 v45, $0.0e+00;
	v54 =	vadd.f32 v46, v6  }
0x98: {  	v27 =	vld [tilespmem:s22+$0x160];
	v20 =	vmax.f32 v49, $0.0e+00;
	v9 =	vadd.f32 v31, v9;
	v11 =	vadd.f32 v35, v11  }
0x99: {  	v59 =	vld [tilespmem:s22+$0x270];
	v16 =	vmax.f32 v16, $0.0e+00;
	v58 =	vadd.f32 v51, v5;
	v35 =	vadd.f32 v25, v5  }
0x9a: {  	v38 =	vld [tilespmem:s22+$0x310];
	v17 =	vmax.f32 v17, $0.0e+00;
	v36 =	vadd.f32 v28, v3;
	v12 =	vadd.f32 v18, v12  }
0x9b: {  	v24 =	vld [tilespmem:s22+$0x290];
	v19 =	vmax.f32 v19, $0.0e+00;
	v8 =	vadd.f32 v16, v8;
	v10 =	vadd.f32 v17, v10  }
0x9c: {  	v41 =	vld [tilespmem:s22+$0x330];
	v16 =	vadd.f32 v30, v6;
	v18 =	vmax.f32 v37, $0.0e+00;
	v17 =	vadd.f32 v34, v5  }
0x9d: {  	v43 =	vld [tilespmem:s22+$0x1F0];
	v57 =	vmax.f32 v54, $0.0e+00;
	v15 =	vadd.f32 v19, v15;
	v19 =	vadd.f32 v27, v0  }
0x9e: {  	v47 =	vld [tilespmem:s22+$0x210];
	v11 =	vadd.f32 v20, v11;
	v61 =	vmax.f32 v58, $0.0e+00;
	v27 =	vadd.f32 v59, v2  }
0x9f: {  	v52 =	vld [tilespmem:s22+$0x390];
	v20 =	vmax.f32 v62, $0.0e+00;
	v8 =	vadd.f32 v44, v8;
	v10 =	vadd.f32 v48, v10  }
0xa0: {  	v40 =	vld [tilespmem:s22+$0x1D0];
	v16 =	vmax.f32 v16, $0.0e+00;
	v31 =	vadd.f32 v24, v7;
	v48 =	vadd.f32 v38, v7  }
0xa1: {  	v32 =	vld [tilespmem:s22+$0x2E0];
	v17 =	vmax.f32 v17, $0.0e+00;
	v49 =	vadd.f32 v41, v4;
	v15 =	vadd.f32 v18, v15  }
0xa2: {  	v19 =	vmax.f32 v19, $0.0e+00;
	v12 =	vadd.f32 v16, v12;
	v9 =	vadd.f32 v17, v9  }
0xa3: {  	v37 =	vld [tilespmem:s22+$0x300];
	v16 =	vadd.f32 v43, v2;
	v18 =	vmax.f32 v50, $0.0e+00;
	v17 =	vadd.f32 v47, v7  }
0xa4: {  	v56 =	vld [tilespmem:s22+$0x260];
	v30 =	vmax.f32 v27, $0.0e+00;
	v7 =	vadd.f32 v52, v7;
	v14 =	vadd.f32 v19, v14  }
0xa5: {  	v60 =	vld [tilespmem:s22+$0x280];
	v19 =	vadd.f32 v40, v1;
	v10 =	vadd.f32 v20, v10;
	v34 =	vmax.f32 v31, $0.0e+00  }
0xa6: {  	v51 =	vld [tilespmem:s22+$0x380];
	v20 =	vmax.f32 v35, $0.0e+00;
	v40 =	vadd.f32 v32, v0;
	v16 =	vmax.f32 v16, $0.0e+00  }
0xa7: {  	v53 =	vld [tilespmem:s22+$0x240];
	v17 =	vmax.f32 v17, $0.0e+00;
	v12 =	vadd.f32 v57, v12;
	v9 =	vadd.f32 v61, v9  }
0xa8: {  	v45 =	vld [tilespmem:s22+$0x350];
	v44 =	vadd.f32 v37, v6;
	v7 =	vmax.f32 v7, $0.0e+00;
	v14 =	vadd.f32 v18, v14  }
0xa9: {  	v50 =	vld [tilespmem:s22+$0x370];
	v19 =	vmax.f32 v19, $0.0e+00;
	v15 =	vadd.f32 v16, v15;
	v8 =	vadd.f32 v17, v8  }
0xaa: {  	v29 =	vld [tilespmem:s22+$0x2D0];
	v16 =	vadd.f32 v56, v0;
	v18 =	vmax.f32 v63, $0.0e+00;
	v17 =	vadd.f32 v60, v6  }
0xab: {  	v33 =	vld [tilespmem:s22+$0x2F0];
	v43 =	vmax.f32 v40, $0.0e+00;
	v6 =	vadd.f32 v51, v6;
	v13 =	vadd.f32 v19, v13  }
0xac: {  	v62 =	vld [tilespmem:s22+$0x3F0];
	v19 =	vadd.f32 v53, v3;
	v9 =	vadd.f32 v20, v9;
	v47 =	vmax.f32 v44, $0.0e+00  }
0xad: {  	v26 =	vld [tilespmem:s22+$0x2B0];
	v20 =	vmax.f32 v48, $0.0e+00;
	v53 =	vadd.f32 v45, v1;
	v15 =	vadd.f32 v30, v15  }
0xae: {  	v55 =	vld [tilespmem:s22+$0x3B0];
	v16 =	vmax.f32 v16, $0.0e+00;
	v8 =	vadd.f32 v34, v8;
	v57 =	vadd.f32 v50, v2  }
0xaf: {  	v39 =	vld [tilespmem:s22+$0x320];
	v17 =	vmax.f32 v17, $0.0e+00;
	v13 =	vadd.f32 v18, v13;
	v14 =	vadd.f32 v16, v14  }
0xb0: {  	v60 =	vld [tilespmem:s22+$0x3D0];
	v6 =	vmax.f32 v6, $0.0e+00;
	v12 =	vadd.f32 v17, v12;
	v16 =	vadd.f32 v29, v1  }
0xb1: {  	v42 =	vld [tilespmem:s22+$0x340];
	v19 =	vmax.f32 v19, $0.0e+00;
	v17 =	vadd.f32 v33, v2;
	v2 =	vadd.f32 v62, v2  }
0xb2: {  	v46 =	vld [tilespmem:s22+$0x360];
	v18 =	vmax.f32 v36, $0.0e+00;
	v11 =	vadd.f32 v19, v11;
	v19 =	vadd.f32 v26, v4  }
0xb3: {  	v58 =	vld [tilespmem:s22+$0x3C0];
	v56 =	vmax.f32 v53, $0.0e+00;
	v8 =	vadd.f32 v20, v8;
	v4 =	vadd.f32 v55, v4  }
0xb4: {  	v61 =	vld [tilespmem:s22+$0x3E0];
	v16 =	vmax.f32 v16, $0.0e+00;
	v14 =	vadd.f32 v43, v14;
	v12 =	vadd.f32 v47, v12  }
0xb5: {  	v54 =	vld [tilespmem:s22+$0x3A0];
	v17 =	vmax.f32 v17, $0.0e+00;
	v1 =	vadd.f32 v60, v1;
	v11 =	vadd.f32 v18, v11  }
0xb6: {  	v59 =	vmax.f32 v57, $0.0e+00;
	v13 =	vadd.f32 v16, v13;
	v15 =	vadd.f32 v17, v15  }
0xb7: {  	v2 =	vmax.f32 v2, $0.0e+00;
	v16 =	vadd.f32 v42, v3;
	v17 =	vadd.f32 v46, v0  }
0xb8: {  	v19 =	vmax.f32 v19, $0.0e+00;
	v7 =	vadd.f32 v7, v8;
	v3 =	vadd.f32 v58, v3  }
0xb9: {  	v18 =	vmax.f32 v49, $0.0e+00;
	v0 =	vadd.f32 v61, v0;
	v10 =	vadd.f32 v19, v10  }
0xba: {  	v4 =	vmax.f32 v4, $0.0e+00;
	v19 =	vadd.f32 v39, v5;
	v5 =	vadd.f32 v54, v5  }
0xbb: {  	v6 =	vadd.f32 v6, v12;
	v1 =	vmax.f32 v1, $0.0e+00;
	v16 =	vmax.f32 v16, $0.0e+00  }
0xbc: {  	v17 =	vmax.f32 v17, $0.0e+00;
	v13 =	vadd.f32 v56, v13;
	v15 =	vadd.f32 v59, v15  }
0xbd: {  	v3 =	vmax.f32 v3, $0.0e+00;
	v7 =	vmul.f32 $6.250000000e-02, v7;
	v0 =	vmax.f32 v0, $0.0e+00  }
0xbe: {  	v19 =	vmax.f32 v19, $0.0e+00;
	v10 =	vadd.f32 v18, v10;
	v1 =	vadd.f32 v1, v13  }
0xbf: {  	v11 =	vadd.f32 v16, v11;
	v6 =	vmul.f32 $6.250000000e-02, v6;
	v2 =	vadd.f32 v2, v15  }
0xc0: {  	v14 =	vadd.f32 v17, v14;
	[tilespmem:s23+$0x13010] =	vst v7;
	v4 =	vadd.f32 v4, v10;
	v1 =	vmul.f32 $6.250000000e-02, v1  }
0xc1: {  	v9 =	vadd.f32 v19, v9;
	v3 =	vadd.f32 v3, v11;
	[tilespmem:s23+$0x13000] =	vst v6;
	v63 =	vmul.f32 $6.250000000e-02, v2  }
0xc2: {  	p0 =	sne.s32 s21, $0x3E00;
	v5 =	vmax.f32 v5, $0.0e+00;
	v0 =	vadd.f32 v0, v14;
	v4 =	vmul.f32 $6.250000000e-02, v4;
	[tilespmem:s23+$0x13050] =	vst v1  }
.Ltmp0:
0xc3: {  	v5 =	vadd.f32 v5, v9;
	v3 =	vmul.f32 $6.250000000e-02, v3;
	[tilespmem:s23+$0x13070] =	vst v63;
	(pc) =	sbr.rel @p0 .LBB2_3-.Ltmp0, $4  }
0xc4: {  	v0 =	vmul.f32 $6.250000000e-02, v0;
	[tilespmem:s23+$0x13030] =	vst v4  }
0xc5: {  	v5 =	vmul.f32 $6.250000000e-02, v5;
	[tilespmem:s23+$0x13040] =	vst v3  }
0xc6: {  	[tilespmem:s23+$0x13060] =	vst v0  }
0xc7: {  	s21 =	sadd.s32 $0x200, s21;
	s22 =	sadd.s32 $0x800, s22;
	[tilespmem:s23+$0x13020] =	vst v5  }
0xc8: {  	s19 =	sadd.s32 $0x1, s19  }
0xc9: {  	p0 =	sne.s32 s19, $0x10  }
.Ltmp1:
0xca: {  	s20 =	sadd.s32 s5, s20;
	(pc) =	sbr.rel @p0 .LBB2_2-.Ltmp1, $4  }
0xcb: {  	[hbm4b:s20+s2] =	stream.linear.scatter [tilespmem:s17], [sflag:$0x2], $0x1000, $0x38;
	[tilespmem:$0x14000] =	vst v63  }
0xcc: {  	_ =	swait.ge [sflag:s9], $0x1000  }
0xcd: {  	[sflag:s9] =	ssyncset.done $0x0  }
0xce: {  	[sflag:s9] =	ssyncadd.s32 $0xFFFFF000  }
0xcf: {  	s18 =	sadd.s32 $0x1, s18  }
0xd0: {  	p0 =	sne.s32 s18, s8  }
.Ltmp2:
0xd1: {  	_ = 	snop;
	(pc) =	sbr.rel @p0 .LBB2_1-.Ltmp2, $1  }
0xd2: {  	_ =	sdelay $0x3  }
0xd3: {  	_ =	sfence.sel $0x180000  }
0xd4: {  	[bflag:$0x0] =	sbarrier.arrive $0xFFFF  }
0xd5: {  	p0 =	sne.s32 s0, $0x0;
	_ =	strace $0x90000047  }
0xd6: {  	s0 =	sadd.s32 @!p0 $0x100000, s1;
	[bflag:$0x2] =	sbarrier.arrive $0xFFFF  }
0xd7: {  	[sflag:s0] =	ssyncadd.tile.s32 @!p0 $0x1;
	_ =	shalt  }
.Lfunc_end2:
_tile_overlayer_lowered:
.L_overlay_start_2:
0xd8: {  	(tag) =	ssettag $0x2  }
0xd9: {  	s0 =	rddreg [dreg:$0x0];
	s2 =	stileid.u32  }
0xda: {  	s1 =	rddreg [dreg:$0x1];
	p0 =	sne.s32 s2, $0x0  }
0xdb: {  	s3 =	rddreg [dreg:$0x2];
	[bflag:$0x3] =	sbarrier.arrive $0xFFFF;
	s2 =	simm.s32 @!p0 $0x1C02  }
0xdc: {  	[timem:s3], [sflag:s2] =	dma.local @!p0 [hbm:s0], s1  }
0xdd: {  	s0 =	simm.s32 @!p0 $0x2  }
0xde: {  	_ =	swait.ge @!p0 [sflag:s0], s1  }
0xdf: {  	s1 =	ssub.s32 @!p0 $0x0, s1;
	[sflag:s0] =	ssyncset.done @!p0 $0x0  }
0xe0: {  	[sflag:s0] =	ssyncadd.s32 @!p0 s1  }
0xe1: {  	[bflag:$0x3] =	sbarrier.arrive $0xFFFF  }
0xe2: {  	_ =	shalt  }

</sc_bundles>
